<compile_context>
chip_gen: v7x
topology: tpu7x:2x2x1
jax: 0.10.2.dev20260603
libtpu: 0.0.44.dev20260713+nightly
codegen_flags: <defaults>
</compile_context>

<pallas_src>
import functools

import jax
import jax.numpy as jnp
from jax import lax
from jax.experimental import pallas as pl
from jax.experimental.pallas import tpu as pltpu
from jax.experimental.pallas import tpu_sc as plsc

EMB = 32
NB = 4096
NT = 200
VOCAB = 1000000
B_TOTAL = NB * NT
NUM_WORKERS = 32
BBLK = NB // NUM_WORKERS
PER_WORKER = BBLK * NT


WIN = 512
N_FULL_WIN = 1952
WIN_PER_W = N_FULL_WIN // NUM_WORKERS
TAIL_V0 = N_FULL_WIN * WIN
TAIL_ROWS = (VOCAB - TAIL_V0) * EMB // 128


@functools.partial(
    pl.kernel,
    out_type=jax.ShapeDtypeStruct((VOCAB // 4, 128), jnp.float32),
    mesh=plsc.VectorSubcoreMesh(core_axis_name="c", subcore_axis_name="s"),
    scratch_types=[
        pltpu.VMEM((EMB, WIN), jnp.float32),
        pltpu.VMEM((EMB, WIN), jnp.float32),
        pltpu.VMEM((WIN // 4, 128), jnp.float32),
        pltpu.VMEM((WIN // 4, 128), jnp.float32),
        pltpu.SemaphoreType.DMA,
        pltpu.SemaphoreType.DMA,
        pltpu.SemaphoreType.DMA,
        pltpu.SemaphoreType.DMA,
    ],
    compiler_params=pltpu.CompilerParams(needs_layout_passes=False),
)
def _transpose_table(tt_hbm, tail_hbm, t128_hbm,
                     tiA, tiB, toA, toB, giA, giB, goA, goB):
    wid = lax.axis_index("s") * 2 + lax.axis_index("c")

    iota = lax.iota(jnp.int32, 16)
    ROWS = WIN // 4

    def start_in(q, ti, sem):
        pltpu.async_copy(tt_hbm.at[:, pl.ds(q * WIN, WIN)], ti, sem)

    def wait_in(ti, sem):
        pltpu.make_async_copy(tt_hbm.at[:, pl.ds(0, WIN)], ti, sem).wait()

    def transpose(ti, to):
        @plsc.parallel_loop(0, ROWS * 8, 1, unroll=32)
        def _(n):
            r = n >> 3
            g = n & 7
            rows = iota + (n & 1) * 16
            cols = jnp.broadcast_to(4 * r + ((g >> 1) & 3), (16,))
            v = plsc.load_gather(ti, [rows, cols])
            to[r, pl.ds(g * 16, 16)] = v

    def start_out(q, to, sem):
        pltpu.async_copy(to, t128_hbm.at[pl.ds(q * ROWS, ROWS)], sem)

    def wait_out(to, sem):
        pltpu.make_async_copy(to, t128_hbm.at[pl.ds(0, ROWS)], sem).wait()

    start_in(wid, tiA, giA)

    def body(k, carry):
        q0 = wid + 32 * (2 * k)
        q1 = wid + 32 * (2 * k + 1)

        @pl.when(2 * k + 1 < WIN_PER_W)
        def _():
            start_in(q1, tiB, giB)

        wait_in(tiA, giA)

        @pl.when(k > 0)
        def _():
            wait_out(toA, goA)
        transpose(tiA, toA)
        start_out(q0, toA, goA)

        @pl.when(2 * k + 2 < WIN_PER_W)
        def _():
            start_in(wid + 32 * (2 * k + 2), tiA, giA)

        @pl.when(2 * k + 1 < WIN_PER_W)
        def _():
            wait_in(tiB, giB)

            @pl.when(k > 0)
            def _():
                wait_out(toB, goB)
            transpose(tiB, toB)
            start_out(q1, toB, goB)
        return carry

    lax.fori_loop(0, (WIN_PER_W + 1) // 2, body, 0)
    wait_out(toA, goA)
    wait_out(toB, goB)

    @pl.when(wid == 4)
    def _():
        pltpu.sync_copy(tail_hbm.at[pl.ds(0, ROWS)], toA)
        pltpu.sync_copy(toA, t128_hbm.at[pl.ds(N_FULL_WIN * ROWS, ROWS)])
        pltpu.sync_copy(tail_hbm.at[pl.ds(ROWS, TAIL_ROWS - ROWS)],
                        toB.at[pl.ds(0, TAIL_ROWS - ROWS)])
        pltpu.sync_copy(toB.at[pl.ds(0, TAIL_ROWS - ROWS)],
                        t128_hbm.at[pl.ds(N_FULL_WIN * ROWS + ROWS,
                                          TAIL_ROWS - ROWS)])


@functools.partial(
    pl.kernel,
    out_type=jax.ShapeDtypeStruct((NT, 4, NUM_WORKERS, 8, 128), jnp.float32),
    mesh=plsc.VectorSubcoreMesh(core_axis_name="c", subcore_axis_name="s"),
    scratch_types=[
        pltpu.VMEM((PER_WORKER,), jnp.int32),
        pltpu.VMEM((BBLK,), jnp.int32),
        pltpu.VMEM((BBLK,), jnp.int32),
        pltpu.VMEM((BBLK, EMB), jnp.float32),
        pltpu.VMEM((BBLK, EMB), jnp.float32),
        pltpu.VMEM((EMB, BBLK + 1), jnp.float32),
        pltpu.VMEM((EMB, BBLK + 1), jnp.float32),
        pltpu.SemaphoreType.DMA,
        pltpu.SemaphoreType.DMA,
        pltpu.SemaphoreType.DMA,
        pltpu.SemaphoreType.DMA,
    ],
    compiler_params=pltpu.CompilerParams(
        use_tc_tiling_on_sc=False, needs_layout_passes=False),
)
def _gather_planar(xf_hbm, trm_hbm, o5_hbm,
                   idx_v, tiA, tiB, rwA, rwB, plA, plB,
                   gsA, gsB, osA, osB):
    wid = lax.axis_index("s") * 2 + lax.axis_index("c")
    base = wid * PER_WORKER

    iota = lax.iota(jnp.int32, 16)
    iota_hi = iota + 16

    pltpu.sync_copy(xf_hbm.at[pl.ds(base, PER_WORKER)], idx_v)

    def build_tidx(t, ti):
        @plsc.parallel_loop(0, BBLK // 16, 1, unroll=4)
        def _(k):
            g = plsc.load_gather(idx_v, [(k * 16 + iota) * NT + t])
            ti[pl.ds(k * 16, 16)] = g

    def start_gather(ti, rw, sem):
        return pltpu.async_copy(trm_hbm.at[ti], rw, sem)

    def transpose(rw, plv):
        @plsc.parallel_loop(0, BBLK, 1, unroll=16)
        def _(j):
            jv = jnp.broadcast_to(j, (16,))
            r0 = rw[j, pl.ds(0, 16)]
            r1 = rw[j, pl.ds(16, 16)]
            plsc.store_scatter(plv, [iota, jv], r0)
            plsc.store_scatter(plv, [iota_hi, jv], r1)

    def start_out(t, plv, sem):
        for a in range(4):
            pltpu.async_copy(
                plv.at[pl.ds(a * 8, 8), pl.ds(0, BBLK)],
                o5_hbm.at[t, a, wid], sem)

    def drain_out(plv, sem):
        for a in range(4):
            pltpu.make_async_copy(
                plv.at[pl.ds(a * 8, 8), pl.ds(0, BBLK)],
                o5_hbm.at[0, a, wid], sem).wait()

    build_tidx(0, tiA)
    gdA = start_gather(tiA, rwA, gsA)

    def body(k, carry):
        t0 = 2 * k
        t1 = t0 + 1
        build_tidx(t1, tiB)
        pltpu.make_async_copy(trm_hbm.at[tiA], rwA, gsA).wait()
        gdB = start_gather(tiB, rwB, gsB)
        del gdB

        @pl.when(k > 0)
        def _():
            drain_out(plA, osA)
        transpose(rwA, plA)
        start_out(t0, plA, osA)

        @pl.when(k < NT // 2 - 1)
        def _():
            build_tidx(t0 + 2, tiA)
        pltpu.make_async_copy(trm_hbm.at[tiB], rwB, gsB).wait()

        @pl.when(k < NT // 2 - 1)
        def _():
            d = start_gather(tiA, rwA, gsA)
            del d

        @pl.when(k > 0)
        def _():
            drain_out(plB, osB)
        transpose(rwB, plB)
        start_out(t1, plB, osB)
        return carry

    lax.fori_loop(0, NT // 2, body, 0)
    drain_out(plA, osA)
    drain_out(plB, osB)


def kernel(X, table):
    xf = X.reshape(-1)
    tail128 = table[TAIL_V0:].reshape(TAIL_ROWS, 128)
    t128 = _transpose_table(table.T, tail128)
    trm = t128.reshape(VOCAB, EMB)
    o5 = _gather_planar(xf, trm)
    return jnp.transpose(o5, (2, 4, 0, 1, 3)).reshape(NB, NT, EMB)

# --- scband reference (transcript-rebuilt; emitter-appended) ---
"""Pipeline reference for scband-token-embeddings-33655363731868 (READ-ONLY COPY).

The authoritative reference and input builder live on the scoring server;
editing this copy changes nothing except your own understanding.
"""

import jax, jax.numpy as jnp
import numpy as np

VOCAB = 1000000
EMB = 32

def setup_inputs(seed: int = 0) -> dict:
    key = jax.random.key(seed)
    k1, k2 = jax.random.split(key)
    X = jax.random.randint(k1, (4096, 200), 0, VOCAB, dtype=jnp.int64)
    table = jax.random.normal(k2, (VOCAB, EMB), dtype=jnp.float32)
    return {"X": X, "table": table}

def reference(X, table):
    # nn.Embedding forward: gather rows of the table by index
    return jnp.take(table, X, axis=0)

if __name__ == "__main__":
    import jax
    _d = setup_inputs()
    print(jax.jit(kernel)(*tuple(_d.values())))

</pallas_src>

<mosaic_0001>
#map = affine_map<(d0, d1) -> (0)>
#map1 = affine_map<(d0, d1) -> (0, 0)>
#map2 = affine_map<(d0, d1) -> (0, 0, 0, 0, 0)>
module attributes {stable_mosaic.version = 14 : i64} {
  func.func @_gather_planar(%arg0: i32, %arg1: i32, %arg2: memref<819200xi32, #tpu.memory_space<hbm>>, %arg3: memref<1000000x32xf32, #tpu.memory_space<hbm>>, %arg4: memref<200x4x32x8x128xf32, #tpu.memory_space<hbm>>, %arg5: memref<25600xi32, #tpu.memory_space<vmem>>, %arg6: memref<128xi32, #tpu.memory_space<vmem>>, %arg7: memref<128xi32, #tpu.memory_space<vmem>>, %arg8: memref<128x32xf32, #tpu.memory_space<vmem>>, %arg9: memref<128x32xf32, #tpu.memory_space<vmem>>, %arg10: memref<32x129xf32, #tpu.memory_space<vmem>>, %arg11: memref<32x129xf32, #tpu.memory_space<vmem>>, %arg12: memref<!tpu.dma_semaphore, #tpu.memory_space<semaphore_mem>>, %arg13: memref<!tpu.dma_semaphore, #tpu.memory_space<semaphore_mem>>, %arg14: memref<!tpu.dma_semaphore, #tpu.memory_space<semaphore_mem>>, %arg15: memref<!tpu.dma_semaphore, #tpu.memory_space<semaphore_mem>>) attributes {dimension_semantics = [#tpu.dimension_semantics<core_parallel>, #tpu.dimension_semantics<subcore_parallel>], iteration_bounds = array<i64: 2, 16>, scalar_prefetch = 0 : i64, scratch_operands = 11 : i64, tpu.core_type = #tpu.core_type<sc_vector_subcore>, window_params = [{transform_indices = #map}, {transform_indices = #map1}, {transform_indices = #map2}]} {
    %mul3A = arith.constant 2 : i32
    %mul3A_0 = arith.muli %arg1, %mul3A : i32
    %add3A = arith.addi %mul3A_0, %arg0 : i32
    %mul3A_1 = arith.constant 25600 : i32
    %mul3A_2 = arith.muli %add3A, %mul3A_1 : i32
    %iota3A = tpu.iota {dimensions = array<i32: 0>} : vector<16xi32>
    %add3A_3 = arith.constant 16 : i32
    %add3A_4 = vector.broadcast %add3A_3 : i32 to vector<16xi32>
    %add3A_5 = arith.addi %iota3A, %add3A_4 : vector<16xi32>
    "tpu.region"() ({
      %run_scoped3A = tpu.sem_alloc : memref<!tpu.dma_semaphore, #tpu.memory_space<semaphore_mem>>
      %dma_start3A_142 = tpu.memref_slice %arg2[%mul3A_2] : memref<819200xi32, #tpu.memory_space<hbm>> -> memref<25600xi32, #tpu.memory_space<hbm>>
      %dma_start3A_143 = tpu.memref_slice %arg2[%mul3A_2] : memref<819200xi32, #tpu.memory_space<hbm>> -> memref<25600xi32, #tpu.memory_space<hbm>>
      tpu.enqueue_dma source(%dma_start3A_143 : memref<25600xi32, #tpu.memory_space<hbm>>) target(%arg5 : memref<25600xi32, #tpu.memory_space<vmem>>) target_semaphore(%run_scoped3A : memref<!tpu.dma_semaphore, #tpu.memory_space<semaphore_mem>>)
      %dma_wait3A_144 = tpu.memref_slice %arg2[%mul3A_2] : memref<819200xi32, #tpu.memory_space<hbm>> -> memref<25600xi32, #tpu.memory_space<hbm>>
      %dma_wait3A_145 = tpu.memref_slice %arg2[%mul3A_2] : memref<819200xi32, #tpu.memory_space<hbm>> -> memref<25600xi32, #tpu.memory_space<hbm>>
      tpu.wait_dma2 semaphore(%run_scoped3A : memref<!tpu.dma_semaphore, #tpu.memory_space<semaphore_mem>>) src(%dma_wait3A_145 : memref<25600xi32, #tpu.memory_space<hbm>>) dst(%arg5 : memref<25600xi32, #tpu.memory_space<vmem>>)
      tpu.yield
    }) : () -> ()
    %parallel_loop3A = arith.constant 0 : i32
    %parallel_loop3A_6 = arith.constant 8 : i32
    %parallel_loop3A_7 = arith.constant 1 : i32
    scf.for %parallel_loop3A_142 = %parallel_loop3A to %parallel_loop3A_6 step %parallel_loop3A_7  : i32 {
      %parallel_loop3A_143 = arith.constant 16 : i32
      %parallel_loop3A_144 = arith.muli %parallel_loop3A_142, %parallel_loop3A_143 : i32
      %parallel_loop3A_145 = vector.broadcast %parallel_loop3A_144 : i32 to vector<16xi32>
      %parallel_loop3A_146 = arith.addi %parallel_loop3A_145, %iota3A : vector<16xi32>
      %parallel_loop3A_147 = arith.constant 200 : i32
      %parallel_loop3A_148 = vector.broadcast %parallel_loop3A_147 : i32 to vector<16xi32>
      %parallel_loop3A_149 = arith.muli %parallel_loop3A_146, %parallel_loop3A_148 : vector<16xi32>
      %parallel_loop3A_150 = arith.constant 0 : i32
      %parallel_loop3A_151 = vector.broadcast %parallel_loop3A_150 : i32 to vector<16xi32>
      %parallel_loop3A_152 = arith.addi %parallel_loop3A_149, %parallel_loop3A_151 : vector<16xi32>
      %parallel_loop3A_153 = tpu.vector_load_idx %arg5[%parallel_loop3A_152] : memref<25600xi32, #tpu.memory_space<vmem>>[vector<16xi32>], vector<16xi32>,
      %parallel_loop3A_154 = arith.constant 16 : i32
      %parallel_loop3A_155 = arith.muli %parallel_loop3A_142, %parallel_loop3A_154 : i32
      %parallel_loop3A_156 = arith.index_cast %parallel_loop3A_155 : i32 to index
      %parallel_loop3A_157 = tpu.vector_load %arg6[%parallel_loop3A_156] {strides = array<i32>} : memref<128xi32, #tpu.memory_space<vmem>>, vector<16xi32>,
      tpu.vector_store %arg6[%parallel_loop3A_156], %parallel_loop3A_153 {strides = array<i32>} : memref<128xi32, #tpu.memory_space<vmem>>, vector<16xi32>,
    } {sc.loop_unroll_factor = 4 : i64, sc.parallel_access}
    %dma_start3A = arith.constant 0 : i32
    %dma_start3A_8 = arith.constant 0 : i32
    %dma_start3A_9 = tpu.memref_slice %arg3[%dma_start3A, %dma_start3A_8] : memref<1000000x32xf32, #tpu.memory_space<hbm>> -> memref<1000000x32xf32, #tpu.memory_space<hbm>>
    tpu.enqueue_indirect_dma source(%dma_start3A_9 : memref<1000000x32xf32, #tpu.memory_space<hbm>>) target(%arg8 : memref<128x32xf32, #tpu.memory_space<vmem>>) offsets(%arg6 : memref<128xi32, #tpu.memory_space<vmem>>) semaphore(%arg12 : memref<!tpu.dma_semaphore, #tpu.memory_space<semaphore_mem>>)
    %scan3A = arith.constant 0 : i32
    %scan3A_10 = arith.constant 0 : i32
    %scan3A_11 = arith.constant 100 : i32
    %scan3A_12 = arith.addi %scan3A_10, %scan3A_11 : i32
    %scan3A_13 = arith.constant 1 : i32
    scf.for %scan3A_142 = %scan3A_10 to %scan3A_12 step %scan3A_13  : i32 {
      %mul3A_143 = arith.constant 2 : i32
      %mul3A_144 = arith.muli %mul3A_143, %scan3A_142 : i32
      %add3A_145 = arith.constant 1 : i32
      %add3A_146 = arith.addi %mul3A_144, %add3A_145 : i32
      %parallel_loop3A_147 = arith.constant 0 : i32
      %parallel_loop3A_148 = arith.constant 8 : i32
      %parallel_loop3A_149 = arith.constant 1 : i32
      scf.for %parallel_loop3A_301 = %parallel_loop3A_147 to %parallel_loop3A_148 step %parallel_loop3A_149  : i32 {
        %parallel_loop3A_302 = arith.constant 16 : i32
        %parallel_loop3A_303 = arith.muli %parallel_loop3A_301, %parallel_loop3A_302 : i32
        %parallel_loop3A_304 = vector.broadcast %parallel_loop3A_303 : i32 to vector<16xi32>
        %parallel_loop3A_305 = arith.addi %parallel_loop3A_304, %iota3A : vector<16xi32>
        %parallel_loop3A_306 = arith.constant 200 : i32
        %parallel_loop3A_307 = vector.broadcast %parallel_loop3A_306 : i32 to vector<16xi32>
        %parallel_loop3A_308 = arith.muli %parallel_loop3A_305, %parallel_loop3A_307 : vector<16xi32>
        %parallel_loop3A_309 = vector.broadcast %add3A_146 : i32 to vector<16xi32>
        %parallel_loop3A_310 = arith.addi %parallel_loop3A_308, %parallel_loop3A_309 : vector<16xi32>
        %parallel_loop3A_311 = tpu.vector_load_idx %arg5[%parallel_loop3A_310] : memref<25600xi32, #tpu.memory_space<vmem>>[vector<16xi32>], vector<16xi32>,
        %parallel_loop3A_312 = arith.constant 16 : i32
        %parallel_loop3A_313 = arith.muli %parallel_loop3A_301, %parallel_loop3A_312 : i32
        %parallel_loop3A_314 = arith.index_cast %parallel_loop3A_313 : i32 to index
        %parallel_loop3A_315 = tpu.vector_load %arg7[%parallel_loop3A_314] {strides = array<i32>} : memref<128xi32, #tpu.memory_space<vmem>>, vector<16xi32>,
        tpu.vector_store %arg7[%parallel_loop3A_314], %parallel_loop3A_311 {strides = array<i32>} : memref<128xi32, #tpu.memory_space<vmem>>, vector<16xi32>,
      } {sc.loop_unroll_factor = 4 : i64, sc.parallel_access}
      %dma_wait3A_150 = arith.constant 0 : i32
      %dma_wait3A_151 = arith.constant 0 : i32
      %dma_wait3A_152 = tpu.memref_slice %arg3[%dma_wait3A_150, %dma_wait3A_151] : memref<1000000x32xf32, #tpu.memory_space<hbm>> -> memref<1000000x32xf32, #tpu.memory_space<hbm>>
      tpu.wait_indirect_dma semaphore(%arg12 : memref<!tpu.dma_semaphore, #tpu.memory_space<semaphore_mem>>) src(%dma_wait3A_152 : memref<1000000x32xf32, #tpu.memory_space<hbm>>) dst(%arg8 : memref<128x32xf32, #tpu.memory_space<vmem>>)
      %dma_start3A_153 = arith.constant 0 : i32
      %dma_start3A_154 = arith.constant 0 : i32
      %dma_start3A_155 = tpu.memref_slice %arg3[%dma_start3A_153, %dma_start3A_154] : memref<1000000x32xf32, #tpu.memory_space<hbm>> -> memref<1000000x32xf32, #tpu.memory_space<hbm>>
      tpu.enqueue_indirect_dma source(%dma_start3A_155 : memref<1000000x32xf32, #tpu.memory_space<hbm>>) target(%arg9 : memref<128x32xf32, #tpu.memory_space<vmem>>) offsets(%arg7 : memref<128xi32, #tpu.memory_space<vmem>>) semaphore(%arg13 : memref<!tpu.dma_semaphore, #tpu.memory_space<semaphore_mem>>)
      %gt3A = arith.constant 0 : i32
      %gt3A_156 = arith.cmpi sgt, %scan3A_142, %gt3A : i32
      %convert_element_type3A = arith.extui %gt3A_156 : i1 to i32
      %cond3A = arith.constant 0 : i32
      %cond3A_157 = arith.cmpi ne, %convert_element_type3A, %cond3A : i32
      scf.if %cond3A_157 {
        %dma_wait3A_301 = arith.constant 0 : i32
        %dma_wait3A_302 = arith.constant 0 : i32
        %dma_wait3A_303 = arith.constant 0 : i32
        %dma_wait3A_304 = arith.constant 0 : i32
        %dma_wait3A_305 = tpu.memref_slice %arg10[%dma_wait3A_303, %dma_wait3A_304] : memref<32x129xf32, #tpu.memory_space<vmem>> -> memref<8x128xf32, #tpu.memory_space<vmem>>
        %dma_wait3A_306 = arith.constant 0 : i32
        %dma_wait3A_307 = arith.constant 0 : i32
        %dma_wait3A_308 = tpu.memref_slice %arg4[%dma_wait3A_301, %dma_wait3A_302, %add3A, %dma_wait3A_306, %dma_wait3A_307] : memref<200x4x32x8x128xf32, #tpu.memory_space<hbm>> -> memref<1x1x1x8x128xf32, #tpu.memory_space<hbm>>
        %dma_wait3A_309 = tpu.memref_squeeze %dma_wait3A_308 : memref<1x1x1x8x128xf32, #tpu.memory_space<hbm>> -> memref<8x128xf32, #tpu.memory_space<hbm>>
        %dma_wait3A_310 = arith.constant 0 : i32
        %dma_wait3A_311 = arith.constant 0 : i32
        %dma_wait3A_312 = tpu.memref_slice %arg4[%dma_wait3A_301, %dma_wait3A_302, %add3A, %dma_wait3A_310, %dma_wait3A_311] : memref<200x4x32x8x128xf32, #tpu.memory_space<hbm>> -> memref<1x1x1x8x128xf32, #tpu.memory_space<hbm>>
        %dma_wait3A_313 = tpu.memref_squeeze %dma_wait3A_312 : memref<1x1x1x8x128xf32, #tpu.memory_space<hbm>> -> memref<8x128xf32, #tpu.memory_space<hbm>>
        %dma_wait3A_314 = arith.constant 0 : i32
        %dma_wait3A_315 = arith.constant 0 : i32
        %dma_wait3A_316 = tpu.memref_slice %arg10[%dma_wait3A_314, %dma_wait3A_315] : memref<32x129xf32, #tpu.memory_space<vmem>> -> memref<8x128xf32, #tpu.memory_space<vmem>>
        tpu.wait_dma2 semaphore(%arg14 : memref<!tpu.dma_semaphore, #tpu.memory_space<semaphore_mem>>) src(%dma_wait3A_316 : memref<8x128xf32, #tpu.memory_space<vmem>>) dst(%dma_wait3A_313 : memref<8x128xf32, #tpu.memory_space<hbm>>)
        %dma_wait3A_317 = arith.constant 0 : i32
        %dma_wait3A_318 = arith.constant 1 : i32
        %dma_wait3A_319 = arith.constant 8 : i32
        %dma_wait3A_320 = arith.constant 0 : i32
        %dma_wait3A_321 = tpu.memref_slice %arg10[%dma_wait3A_319, %dma_wait3A_320] : memref<32x129xf32, #tpu.memory_space<vmem>> -> memref<8x128xf32, #tpu.memory_space<vmem>>
        %dma_wait3A_322 = arith.constant 0 : i32
        %dma_wait3A_323 = arith.constant 0 : i32
        %dma_wait3A_324 = tpu.memref_slice %arg4[%dma_wait3A_317, %dma_wait3A_318, %add3A, %dma_wait3A_322, %dma_wait3A_323] : memref<200x4x32x8x128xf32, #tpu.memory_space<hbm>> -> memref<1x1x1x8x128xf32, #tpu.memory_space<hbm>>
        %dma_wait3A_325 = tpu.memref_squeeze %dma_wait3A_324 : memref<1x1x1x8x128xf32, #tpu.memory_space<hbm>> -> memref<8x128xf32, #tpu.memory_space<hbm>>
        %dma_wait3A_326 = arith.constant 0 : i32
        %dma_wait3A_327 = arith.constant 0 : i32
        %dma_wait3A_328 = tpu.memref_slice %arg4[%dma_wait3A_317, %dma_wait3A_318, %add3A, %dma_wait3A_326, %dma_wait3A_327] : memref<200x4x32x8x128xf32, #tpu.memory_space<hbm>> -> memref<1x1x1x8x128xf32, #tpu.memory_space<hbm>>
        %dma_wait3A_329 = tpu.memref_squeeze %dma_wait3A_328 : memref<1x1x1x8x128xf32, #tpu.memory_space<hbm>> -> memref<8x128xf32, #tpu.memory_space<hbm>>
        %dma_wait3A_330 = arith.constant 8 : i32
        %dma_wait3A_331 = arith.constant 0 : i32
        %dma_wait3A_332 = tpu.memref_slice %arg10[%dma_wait3A_330, %dma_wait3A_331] : memref<32x129xf32, #tpu.memory_space<vmem>> -> memref<8x128xf32, #tpu.memory_space<vmem>>
        tpu.wait_dma2 semaphore(%arg14 : memref<!tpu.dma_semaphore, #tpu.memory_space<semaphore_mem>>) src(%dma_wait3A_332 : memref<8x128xf32, #tpu.memory_space<vmem>>) dst(%dma_wait3A_329 : memref<8x128xf32, #tpu.memory_space<hbm>>)
        %dma_wait3A_333 = arith.constant 0 : i32
        %dma_wait3A_334 = arith.constant 2 : i32
        %dma_wait3A_335 = arith.constant 16 : i32
        %dma_wait3A_336 = arith.constant 0 : i32
        %dma_wait3A_337 = tpu.memref_slice %arg10[%dma_wait3A_335, %dma_wait3A_336] : memref<32x129xf32, #tpu.memory_space<vmem>> -> memref<8x128xf32, #tpu.memory_space<vmem>>
        %dma_wait3A_338 = arith.constant 0 : i32
        %dma_wait3A_339 = arith.constant 0 : i32
        %dma_wait3A_340 = tpu.memref_slice %arg4[%dma_wait3A_333, %dma_wait3A_334, %add3A, %dma_wait3A_338, %dma_wait3A_339] : memref<200x4x32x8x128xf32, #tpu.memory_space<hbm>> -> memref<1x1x1x8x128xf32, #tpu.memory_space<hbm>>
        %dma_wait3A_341 = tpu.memref_squeeze %dma_wait3A_340 : memref<1x1x1x8x128xf32, #tpu.memory_space<hbm>> -> memref<8x128xf32, #tpu.memory_space<hbm>>
        %dma_wait3A_342 = arith.constant 0 : i32
        %dma_wait3A_343 = arith.constant 0 : i32
        %dma_wait3A_344 = tpu.memref_slice %arg4[%dma_wait3A_333, %dma_wait3A_334, %add3A, %dma_wait3A_342, %dma_wait3A_343] : memref<200x4x32x8x128xf32, #tpu.memory_space<hbm>> -> memref<1x1x1x8x128xf32, #tpu.memory_space<hbm>>
        %dma_wait3A_345 = tpu.memref_squeeze %dma_wait3A_344 : memref<1x1x1x8x128xf32, #tpu.memory_space<hbm>> -> memref<8x128xf32, #tpu.memory_space<hbm>>
        %dma_wait3A_346 = arith.constant 16 : i32
        %dma_wait3A_347 = arith.constant 0 : i32
        %dma_wait3A_348 = tpu.memref_slice %arg10[%dma_wait3A_346, %dma_wait3A_347] : memref<32x129xf32, #tpu.memory_space<vmem>> -> memref<8x128xf32, #tpu.memory_space<vmem>>
        tpu.wait_dma2 semaphore(%arg14 : memref<!tpu.dma_semaphore, #tpu.memory_space<semaphore_mem>>) src(%dma_wait3A_348 : memref<8x128xf32, #tpu.memory_space<vmem>>) dst(%dma_wait3A_345 : memref<8x128xf32, #tpu.memory_space<hbm>>)
        %dma_wait3A_349 = arith.constant 0 : i32
        %dma_wait3A_350 = arith.constant 3 : i32
        %dma_wait3A_351 = arith.constant 24 : i32
        %dma_wait3A_352 = arith.constant 0 : i32
        %dma_wait3A_353 = tpu.memref_slice %arg10[%dma_wait3A_351, %dma_wait3A_352] : memref<32x129xf32, #tpu.memory_space<vmem>> -> memref<8x128xf32, #tpu.memory_space<vmem>>
        %dma_wait3A_354 = arith.constant 0 : i32
        %dma_wait3A_355 = arith.constant 0 : i32
        %dma_wait3A_356 = tpu.memref_slice %arg4[%dma_wait3A_349, %dma_wait3A_350, %add3A, %dma_wait3A_354, %dma_wait3A_355] : memref<200x4x32x8x128xf32, #tpu.memory_space<hbm>> -> memref<1x1x1x8x128xf32, #tpu.memory_space<hbm>>
        %dma_wait3A_357 = tpu.memref_squeeze %dma_wait3A_356 : memref<1x1x1x8x128xf32, #tpu.memory_space<hbm>> -> memref<8x128xf32, #tpu.memory_space<hbm>>
        %dma_wait3A_358 = arith.constant 0 : i32
        %dma_wait3A_359 = arith.constant 0 : i32
        %dma_wait3A_360 = tpu.memref_slice %arg4[%dma_wait3A_349, %dma_wait3A_350, %add3A, %dma_wait3A_358, %dma_wait3A_359] : memref<200x4x32x8x128xf32, #tpu.memory_space<hbm>> -> memref<1x1x1x8x128xf32, #tpu.memory_space<hbm>>
        %dma_wait3A_361 = tpu.memref_squeeze %dma_wait3A_360 : memref<1x1x1x8x128xf32, #tpu.memory_space<hbm>> -> memref<8x128xf32, #tpu.memory_space<hbm>>
        %dma_wait3A_362 = arith.constant 24 : i32
        %dma_wait3A_363 = arith.constant 0 : i32
        %dma_wait3A_364 = tpu.memref_slice %arg10[%dma_wait3A_362, %dma_wait3A_363] : memref<32x129xf32, #tpu.memory_space<vmem>> -> memref<8x128xf32, #tpu.memory_space<vmem>>
        tpu.wait_dma2 semaphore(%arg14 : memref<!tpu.dma_semaphore, #tpu.memory_space<semaphore_mem>>) src(%dma_wait3A_364 : memref<8x128xf32, #tpu.memory_space<vmem>>) dst(%dma_wait3A_361 : memref<8x128xf32, #tpu.memory_space<hbm>>)
      } else {
      }
      %parallel_loop3A_158 = arith.constant 0 : i32
      %parallel_loop3A_159 = arith.constant 128 : i32
      %parallel_loop3A_160 = arith.constant 1 : i32
      scf.for %parallel_loop3A_301 = %parallel_loop3A_158 to %parallel_loop3A_159 step %parallel_loop3A_160  : i32 {
        %parallel_loop3A_302 = vector.broadcast %parallel_loop3A_301 : i32 to vector<16xi32>
        %parallel_loop3A_303 = arith.index_cast %parallel_loop3A_301 : i32 to index
        %parallel_loop3A_304 = arith.constant 0 : index
        %parallel_loop3A_305 = tpu.vector_load %arg8[%parallel_loop3A_303, %parallel_loop3A_304] {strides = array<i32>} : memref<128x32xf32, #tpu.memory_space<vmem>>, vector<16xf32>,
        %parallel_loop3A_306 = arith.index_cast %parallel_loop3A_301 : i32 to index
        %parallel_loop3A_307 = arith.constant 16 : index
        %parallel_loop3A_308 = tpu.vector_load %arg8[%parallel_loop3A_306, %parallel_loop3A_307] {strides = array<i32>} : memref<128x32xf32, #tpu.memory_space<vmem>>, vector<16xf32>,
        tpu.vector_store_idx %arg10[%iota3A, %parallel_loop3A_302], %parallel_loop3A_305 : memref<32x129xf32, #tpu.memory_space<vmem>>[vector<16xi32>, vector<16xi32>], vector<16xf32>,
        tpu.vector_store_idx %arg10[%add3A_5, %parallel_loop3A_302], %parallel_loop3A_308 : memref<32x129xf32, #tpu.memory_space<vmem>>[vector<16xi32>, vector<16xi32>], vector<16xf32>,
      } {sc.loop_unroll_factor = 16 : i64, sc.parallel_access}
      %dma_start3A_161 = arith.constant 0 : i32
      %dma_start3A_162 = arith.constant 0 : i32
      %dma_start3A_163 = arith.constant 0 : i32
      %dma_start3A_164 = tpu.memref_slice %arg10[%dma_start3A_162, %dma_start3A_163] : memref<32x129xf32, #tpu.memory_space<vmem>> -> memref<8x128xf32, #tpu.memory_space<vmem>>
      %dma_start3A_165 = arith.constant 0 : i32
      %dma_start3A_166 = arith.constant 0 : i32
      %dma_start3A_167 = tpu.memref_slice %arg4[%mul3A_144, %dma_start3A_161, %add3A, %dma_start3A_165, %dma_start3A_166] : memref<200x4x32x8x128xf32, #tpu.memory_space<hbm>> -> memref<1x1x1x8x128xf32, #tpu.memory_space<hbm>>
      %dma_start3A_168 = tpu.memref_squeeze %dma_start3A_167 : memref<1x1x1x8x128xf32, #tpu.memory_space<hbm>> -> memref<8x128xf32, #tpu.memory_space<hbm>>
      %dma_start3A_169 = arith.constant 0 : i32
      %dma_start3A_170 = arith.constant 0 : i32
      %dma_start3A_171 = tpu.memref_slice %arg4[%mul3A_144, %dma_start3A_161, %add3A, %dma_start3A_169, %dma_start3A_170] : memref<200x4x32x8x128xf32, #tpu.memory_space<hbm>> -> memref<1x1x1x8x128xf32, #tpu.memory_space<hbm>>
      %dma_start3A_172 = tpu.memref_squeeze %dma_start3A_171 : memref<1x1x1x8x128xf32, #tpu.memory_space<hbm>> -> memref<8x128xf32, #tpu.memory_space<hbm>>
      %dma_start3A_173 = arith.constant 0 : i32
      %dma_start3A_174 = arith.constant 0 : i32
      %dma_start3A_175 = tpu.memref_slice %arg10[%dma_start3A_173, %dma_start3A_174] : memref<32x129xf32, #tpu.memory_space<vmem>> -> memref<8x128xf32, #tpu.memory_space<vmem>>
      tpu.enqueue_dma source(%dma_start3A_175 : memref<8x128xf32, #tpu.memory_space<vmem>>) target(%dma_start3A_172 : memref<8x128xf32, #tpu.memory_space<hbm>>) target_semaphore(%arg14 : memref<!tpu.dma_semaphore, #tpu.memory_space<semaphore_mem>>)
      %dma_start3A_176 = arith.constant 1 : i32
      %dma_start3A_177 = arith.constant 8 : i32
      %dma_start3A_178 = arith.constant 0 : i32
      %dma_start3A_179 = tpu.memref_slice %arg10[%dma_start3A_177, %dma_start3A_178] : memref<32x129xf32, #tpu.memory_space<vmem>> -> memref<8x128xf32, #tpu.memory_space<vmem>>
      %dma_start3A_180 = arith.constant 0 : i32
      %dma_start3A_181 = arith.constant 0 : i32
      %dma_start3A_182 = tpu.memref_slice %arg4[%mul3A_144, %dma_start3A_176, %add3A, %dma_start3A_180, %dma_start3A_181] : memref<200x4x32x8x128xf32, #tpu.memory_space<hbm>> -> memref<1x1x1x8x128xf32, #tpu.memory_space<hbm>>
      %dma_start3A_183 = tpu.memref_squeeze %dma_start3A_182 : memref<1x1x1x8x128xf32, #tpu.memory_space<hbm>> -> memref<8x128xf32, #tpu.memory_space<hbm>>
      %dma_start3A_184 = arith.constant 0 : i32
      %dma_start3A_185 = arith.constant 0 : i32
      %dma_start3A_186 = tpu.memref_slice %arg4[%mul3A_144, %dma_start3A_176, %add3A, %dma_start3A_184, %dma_start3A_185] : memref<200x4x32x8x128xf32, #tpu.memory_space<hbm>> -> memref<1x1x1x8x128xf32, #tpu.memory_space<hbm>>
      %dma_start3A_187 = tpu.memref_squeeze %dma_start3A_186 : memref<1x1x1x8x128xf32, #tpu.memory_space<hbm>> -> memref<8x128xf32, #tpu.memory_space<hbm>>
      %dma_start3A_188 = arith.constant 8 : i32
      %dma_start3A_189 = arith.constant 0 : i32
      %dma_start3A_190 = tpu.memref_slice %arg10[%dma_start3A_188, %dma_start3A_189] : memref<32x129xf32, #tpu.memory_space<vmem>> -> memref<8x128xf32, #tpu.memory_space<vmem>>
      tpu.enqueue_dma source(%dma_start3A_190 : memref<8x128xf32, #tpu.memory_space<vmem>>) target(%dma_start3A_187 : memref<8x128xf32, #tpu.memory_space<hbm>>) target_semaphore(%arg14 : memref<!tpu.dma_semaphore, #tpu.memory_space<semaphore_mem>>)
      %dma_start3A_191 = arith.constant 2 : i32
      %dma_start3A_192 = arith.constant 16 : i32
      %dma_start3A_193 = arith.constant 0 : i32
      %dma_start3A_194 = tpu.memref_slice %arg10[%dma_start3A_192, %dma_start3A_193] : memref<32x129xf32, #tpu.memory_space<vmem>> -> memref<8x128xf32, #tpu.memory_space<vmem>>
      %dma_start3A_195 = arith.constant 0 : i32
      %dma_start3A_196 = arith.constant 0 : i32
      %dma_start3A_197 = tpu.memref_slice %arg4[%mul3A_144, %dma_start3A_191, %add3A, %dma_start3A_195, %dma_start3A_196] : memref<200x4x32x8x128xf32, #tpu.memory_space<hbm>> -> memref<1x1x1x8x128xf32, #tpu.memory_space<hbm>>
      %dma_start3A_198 = tpu.memref_squeeze %dma_start3A_197 : memref<1x1x1x8x128xf32, #tpu.memory_space<hbm>> -> memref<8x128xf32, #tpu.memory_space<hbm>>
      %dma_start3A_199 = arith.constant 0 : i32
      %dma_start3A_200 = arith.constant 0 : i32
      %dma_start3A_201 = tpu.memref_slice %arg4[%mul3A_144, %dma_start3A_191, %add3A, %dma_start3A_199, %dma_start3A_200] : memref<200x4x32x8x128xf32, #tpu.memory_space<hbm>> -> memref<1x1x1x8x128xf32, #tpu.memory_space<hbm>>
      %dma_start3A_202 = tpu.memref_squeeze %dma_start3A_201 : memref<1x1x1x8x128xf32, #tpu.memory_space<hbm>> -> memref<8x128xf32, #tpu.memory_space<hbm>>
      %dma_start3A_203 = arith.constant 16 : i32
      %dma_start3A_204 = arith.constant 0 : i32
      %dma_start3A_205 = tpu.memref_slice %arg10[%dma_start3A_203, %dma_start3A_204] : memref<32x129xf32, #tpu.memory_space<vmem>> -> memref<8x128xf32, #tpu.memory_space<vmem>>
      tpu.enqueue_dma source(%dma_start3A_205 : memref<8x128xf32, #tpu.memory_space<vmem>>) target(%dma_start3A_202 : memref<8x128xf32, #tpu.memory_space<hbm>>) target_semaphore(%arg14 : memref<!tpu.dma_semaphore, #tpu.memory_space<semaphore_mem>>)
      %dma_start3A_206 = arith.constant 3 : i32
      %dma_start3A_207 = arith.constant 24 : i32
      %dma_start3A_208 = arith.constant 0 : i32
      %dma_start3A_209 = tpu.memref_slice %arg10[%dma_start3A_207, %dma_start3A_208] : memref<32x129xf32, #tpu.memory_space<vmem>> -> memref<8x128xf32, #tpu.memory_space<vmem>>
      %dma_start3A_210 = arith.constant 0 : i32
      %dma_start3A_211 = arith.constant 0 : i32
      %dma_start3A_212 = tpu.memref_slice %arg4[%mul3A_144, %dma_start3A_206, %add3A, %dma_start3A_210, %dma_start3A_211] : memref<200x4x32x8x128xf32, #tpu.memory_space<hbm>> -> memref<1x1x1x8x128xf32, #tpu.memory_space<hbm>>
      %dma_start3A_213 = tpu.memref_squeeze %dma_start3A_212 : memref<1x1x1x8x128xf32, #tpu.memory_space<hbm>> -> memref<8x128xf32, #tpu.memory_space<hbm>>
      %dma_start3A_214 = arith.constant 0 : i32
      %dma_start3A_215 = arith.constant 0 : i32
      %dma_start3A_216 = tpu.memref_slice %arg4[%mul3A_144, %dma_start3A_206, %add3A, %dma_start3A_214, %dma_start3A_215] : memref<200x4x32x8x128xf32, #tpu.memory_space<hbm>> -> memref<1x1x1x8x128xf32, #tpu.memory_space<hbm>>
      %dma_start3A_217 = tpu.memref_squeeze %dma_start3A_216 : memref<1x1x1x8x128xf32, #tpu.memory_space<hbm>> -> memref<8x128xf32, #tpu.memory_space<hbm>>
      %dma_start3A_218 = arith.constant 24 : i32
      %dma_start3A_219 = arith.constant 0 : i32
      %dma_start3A_220 = tpu.memref_slice %arg10[%dma_start3A_218, %dma_start3A_219] : memref<32x129xf32, #tpu.memory_space<vmem>> -> memref<8x128xf32, #tpu.memory_space<vmem>>
      tpu.enqueue_dma source(%dma_start3A_220 : memref<8x128xf32, #tpu.memory_space<vmem>>) target(%dma_start3A_217 : memref<8x128xf32, #tpu.memory_space<hbm>>) target_semaphore(%arg14 : memref<!tpu.dma_semaphore, #tpu.memory_space<semaphore_mem>>)
      %lt3A = arith.constant 99 : i32
      %lt3A_221 = arith.cmpi slt, %scan3A_142, %lt3A : i32
      %convert_element_type3A_222 = arith.extui %lt3A_221 : i1 to i32
      %cond3A_223 = arith.constant 0 : i32
      %cond3A_224 = arith.cmpi ne, %convert_element_type3A_222, %cond3A_223 : i32
      scf.if %cond3A_224 {
        %add3A_301 = arith.constant 2 : i32
        %add3A_302 = arith.addi %mul3A_144, %add3A_301 : i32
        %parallel_loop3A_303 = arith.constant 0 : i32
        %parallel_loop3A_304 = arith.constant 8 : i32
        %parallel_loop3A_305 = arith.constant 1 : i32
        scf.for %parallel_loop3A_306 = %parallel_loop3A_303 to %parallel_loop3A_304 step %parallel_loop3A_305  : i32 {
          %parallel_loop3A_307 = arith.constant 16 : i32
          %parallel_loop3A_308 = arith.muli %parallel_loop3A_306, %parallel_loop3A_307 : i32
          %parallel_loop3A_309 = vector.broadcast %parallel_loop3A_308 : i32 to vector<16xi32>
          %parallel_loop3A_310 = arith.addi %parallel_loop3A_309, %iota3A : vector<16xi32>
          %parallel_loop3A_311 = arith.constant 200 : i32
          %parallel_loop3A_312 = vector.broadcast %parallel_loop3A_311 : i32 to vector<16xi32>
          %parallel_loop3A_313 = arith.muli %parallel_loop3A_310, %parallel_loop3A_312 : vector<16xi32>
          %parallel_loop3A_314 = vector.broadcast %add3A_302 : i32 to vector<16xi32>
          %parallel_loop3A_315 = arith.addi %parallel_loop3A_313, %parallel_loop3A_314 : vector<16xi32>
          %parallel_loop3A_316 = tpu.vector_load_idx %arg5[%parallel_loop3A_315] : memref<25600xi32, #tpu.memory_space<vmem>>[vector<16xi32>], vector<16xi32>,
          %parallel_loop3A_317 = arith.constant 16 : i32
          %parallel_loop3A_318 = arith.muli %parallel_loop3A_306, %parallel_loop3A_317 : i32
          %parallel_loop3A_319 = arith.index_cast %parallel_loop3A_318 : i32 to index
          %parallel_loop3A_320 = tpu.vector_load %arg6[%parallel_loop3A_319] {strides = array<i32>} : memref<128xi32, #tpu.memory_space<vmem>>, vector<16xi32>,
          tpu.vector_store %arg6[%parallel_loop3A_319], %parallel_loop3A_316 {strides = array<i32>} : memref<128xi32, #tpu.memory_space<vmem>>, vector<16xi32>,
        } {sc.loop_unroll_factor = 4 : i64, sc.parallel_access}
      } else {
      }
      %dma_wait3A_225 = arith.constant 0 : i32
      %dma_wait3A_226 = arith.constant 0 : i32
      %dma_wait3A_227 = tpu.memref_slice %arg3[%dma_wait3A_225, %dma_wait3A_226] : memref<1000000x32xf32, #tpu.memory_space<hbm>> -> memref<1000000x32xf32, #tpu.memory_space<hbm>>
      tpu.wait_indirect_dma semaphore(%arg13 : memref<!tpu.dma_semaphore, #tpu.memory_space<semaphore_mem>>) src(%dma_wait3A_227 : memref<1000000x32xf32, #tpu.memory_space<hbm>>) dst(%arg9 : memref<128x32xf32, #tpu.memory_space<vmem>>)
      %lt3A_228 = arith.constant 99 : i32
      %lt3A_229 = arith.cmpi slt, %scan3A_142, %lt3A_228 : i32
      %convert_element_type3A_230 = arith.extui %lt3A_229 : i1 to i32
      %cond3A_231 = arith.constant 0 : i32
      %cond3A_232 = arith.cmpi ne, %convert_element_type3A_230, %cond3A_231 : i32
      scf.if %cond3A_232 {
        %dma_start3A_301 = arith.constant 0 : i32
        %dma_start3A_302 = arith.constant 0 : i32
        %dma_start3A_303 = tpu.memref_slice %arg3[%dma_start3A_301, %dma_start3A_302] : memref<1000000x32xf32, #tpu.memory_space<hbm>> -> memref<1000000x32xf32, #tpu.memory_space<hbm>>
        tpu.enqueue_indirect_dma source(%dma_start3A_303 : memref<1000000x32xf32, #tpu.memory_space<hbm>>) target(%arg8 : memref<128x32xf32, #tpu.memory_space<vmem>>) offsets(%arg6 : memref<128xi32, #tpu.memory_space<vmem>>) semaphore(%arg12 : memref<!tpu.dma_semaphore, #tpu.memory_space<semaphore_mem>>)
      } else {
      }
      %gt3A_233 = arith.constant 0 : i32
      %gt3A_234 = arith.cmpi sgt, %scan3A_142, %gt3A_233 : i32
      %convert_element_type3A_235 = arith.extui %gt3A_234 : i1 to i32
      %cond3A_236 = arith.constant 0 : i32
      %cond3A_237 = arith.cmpi ne, %convert_element_type3A_235, %cond3A_236 : i32
      scf.if %cond3A_237 {
        %dma_wait3A_301 = arith.constant 0 : i32
        %dma_wait3A_302 = arith.constant 0 : i32
        %dma_wait3A_303 = arith.constant 0 : i32
        %dma_wait3A_304 = arith.constant 0 : i32
        %dma_wait3A_305 = tpu.memref_slice %arg11[%dma_wait3A_303, %dma_wait3A_304] : memref<32x129xf32, #tpu.memory_space<vmem>> -> memref<8x128xf32, #tpu.memory_space<vmem>>
        %dma_wait3A_306 = arith.constant 0 : i32
        %dma_wait3A_307 = arith.constant 0 : i32
        %dma_wait3A_308 = tpu.memref_slice %arg4[%dma_wait3A_301, %dma_wait3A_302, %add3A, %dma_wait3A_306, %dma_wait3A_307] : memref<200x4x32x8x128xf32, #tpu.memory_space<hbm>> -> memref<1x1x1x8x128xf32, #tpu.memory_space<hbm>>
        %dma_wait3A_309 = tpu.memref_squeeze %dma_wait3A_308 : memref<1x1x1x8x128xf32, #tpu.memory_space<hbm>> -> memref<8x128xf32, #tpu.memory_space<hbm>>
        %dma_wait3A_310 = arith.constant 0 : i32
        %dma_wait3A_311 = arith.constant 0 : i32
        %dma_wait3A_312 = tpu.memref_slice %arg4[%dma_wait3A_301, %dma_wait3A_302, %add3A, %dma_wait3A_310, %dma_wait3A_311] : memref<200x4x32x8x128xf32, #tpu.memory_space<hbm>> -> memref<1x1x1x8x128xf32, #tpu.memory_space<hbm>>
        %dma_wait3A_313 = tpu.memref_squeeze %dma_wait3A_312 : memref<1x1x1x8x128xf32, #tpu.memory_space<hbm>> -> memref<8x128xf32, #tpu.memory_space<hbm>>
        %dma_wait3A_314 = arith.constant 0 : i32
        %dma_wait3A_315 = arith.constant 0 : i32
        %dma_wait3A_316 = tpu.memref_slice %arg11[%dma_wait3A_314, %dma_wait3A_315] : memref<32x129xf32, #tpu.memory_space<vmem>> -> memref<8x128xf32, #tpu.memory_space<vmem>>
        tpu.wait_dma2 semaphore(%arg15 : memref<!tpu.dma_semaphore, #tpu.memory_space<semaphore_mem>>) src(%dma_wait3A_316 : memref<8x128xf32, #tpu.memory_space<vmem>>) dst(%dma_wait3A_313 : memref<8x128xf32, #tpu.memory_space<hbm>>)
        %dma_wait3A_317 = arith.constant 0 : i32
        %dma_wait3A_318 = arith.constant 1 : i32
        %dma_wait3A_319 = arith.constant 8 : i32
        %dma_wait3A_320 = arith.constant 0 : i32
        %dma_wait3A_321 = tpu.memref_slice %arg11[%dma_wait3A_319, %dma_wait3A_320] : memref<32x129xf32, #tpu.memory_space<vmem>> -> memref<8x128xf32, #tpu.memory_space<vmem>>
        %dma_wait3A_322 = arith.constant 0 : i32
        %dma_wait3A_323 = arith.constant 0 : i32
        %dma_wait3A_324 = tpu.memref_slice %arg4[%dma_wait3A_317, %dma_wait3A_318, %add3A, %dma_wait3A_322, %dma_wait3A_323] : memref<200x4x32x8x128xf32, #tpu.memory_space<hbm>> -> memref<1x1x1x8x128xf32, #tpu.memory_space<hbm>>
        %dma_wait3A_325 = tpu.memref_squeeze %dma_wait3A_324 : memref<1x1x1x8x128xf32, #tpu.memory_space<hbm>> -> memref<8x128xf32, #tpu.memory_space<hbm>>
        %dma_wait3A_326 = arith.constant 0 : i32
        %dma_wait3A_327 = arith.constant 0 : i32
        %dma_wait3A_328 = tpu.memref_slice %arg4[%dma_wait3A_317, %dma_wait3A_318, %add3A, %dma_wait3A_326, %dma_wait3A_327] : memref<200x4x32x8x128xf32, #tpu.memory_space<hbm>> -> memref<1x1x1x8x128xf32, #tpu.memory_space<hbm>>
        %dma_wait3A_329 = tpu.memref_squeeze %dma_wait3A_328 : memref<1x1x1x8x128xf32, #tpu.memory_space<hbm>> -> memref<8x128xf32, #tpu.memory_space<hbm>>
        %dma_wait3A_330 = arith.constant 8 : i32
        %dma_wait3A_331 = arith.constant 0 : i32
        %dma_wait3A_332 = tpu.memref_slice %arg11[%dma_wait3A_330, %dma_wait3A_331] : memref<32x129xf32, #tpu.memory_space<vmem>> -> memref<8x128xf32, #tpu.memory_space<vmem>>
        tpu.wait_dma2 semaphore(%arg15 : memref<!tpu.dma_semaphore, #tpu.memory_space<semaphore_mem>>) src(%dma_wait3A_332 : memref<8x128xf32, #tpu.memory_space<vmem>>) dst(%dma_wait3A_329 : memref<8x128xf32, #tpu.memory_space<hbm>>)
        %dma_wait3A_333 = arith.constant 0 : i32
        %dma_wait3A_334 = arith.constant 2 : i32
        %dma_wait3A_335 = arith.constant 16 : i32
        %dma_wait3A_336 = arith.constant 0 : i32
        %dma_wait3A_337 = tpu.memref_slice %arg11[%dma_wait3A_335, %dma_wait3A_336] : memref<32x129xf32, #tpu.memory_space<vmem>> -> memref<8x128xf32, #tpu.memory_space<vmem>>
        %dma_wait3A_338 = arith.constant 0 : i32
        %dma_wait3A_339 = arith.constant 0 : i32
        %dma_wait3A_340 = tpu.memref_slice %arg4[%dma_wait3A_333, %dma_wait3A_334, %add3A, %dma_wait3A_338, %dma_wait3A_339] : memref<200x4x32x8x128xf32, #tpu.memory_space<hbm>> -> memref<1x1x1x8x128xf32, #tpu.memory_space<hbm>>
        %dma_wait3A_341 = tpu.memref_squeeze %dma_wait3A_340 : memref<1x1x1x8x128xf32, #tpu.memory_space<hbm>> -> memref<8x128xf32, #tpu.memory_space<hbm>>
        %dma_wait3A_342 = arith.constant 0 : i32
        %dma_wait3A_343 = arith.constant 0 : i32
        %dma_wait3A_344 = tpu.memref_slice %arg4[%dma_wait3A_333, %dma_wait3A_334, %add3A, %dma_wait3A_342, %dma_wait3A_343] : memref<200x4x32x8x128xf32, #tpu.memory_space<hbm>> -> memref<1x1x1x8x128xf32, #tpu.memory_space<hbm>>
        %dma_wait3A_345 = tpu.memref_squeeze %dma_wait3A_344 : memref<1x1x1x8x128xf32, #tpu.memory_space<hbm>> -> memref<8x128xf32, #tpu.memory_space<hbm>>
        %dma_wait3A_346 = arith.constant 16 : i32
        %dma_wait3A_347 = arith.constant 0 : i32
        %dma_wait3A_348 = tpu.memref_slice %arg11[%dma_wait3A_346, %dma_wait3A_347] : memref<32x129xf32, #tpu.memory_space<vmem>> -> memref<8x128xf32, #tpu.memory_space<vmem>>
        tpu.wait_dma2 semaphore(%arg15 : memref<!tpu.dma_semaphore, #tpu.memory_space<semaphore_mem>>) src(%dma_wait3A_348 : memref<8x128xf32, #tpu.memory_space<vmem>>) dst(%dma_wait3A_345 : memref<8x128xf32, #tpu.memory_space<hbm>>)
        %dma_wait3A_349 = arith.constant 0 : i32
        %dma_wait3A_350 = arith.constant 3 : i32
        %dma_wait3A_351 = arith.constant 24 : i32
        %dma_wait3A_352 = arith.constant 0 : i32
        %dma_wait3A_353 = tpu.memref_slice %arg11[%dma_wait3A_351, %dma_wait3A_352] : memref<32x129xf32, #tpu.memory_space<vmem>> -> memref<8x128xf32, #tpu.memory_space<vmem>>
        %dma_wait3A_354 = arith.constant 0 : i32
        %dma_wait3A_355 = arith.constant 0 : i32
        %dma_wait3A_356 = tpu.memref_slice %arg4[%dma_wait3A_349, %dma_wait3A_350, %add3A, %dma_wait3A_354, %dma_wait3A_355] : memref<200x4x32x8x128xf32, #tpu.memory_space<hbm>> -> memref<1x1x1x8x128xf32, #tpu.memory_space<hbm>>
        %dma_wait3A_357 = tpu.memref_squeeze %dma_wait3A_356 : memref<1x1x1x8x128xf32, #tpu.memory_space<hbm>> -> memref<8x128xf32, #tpu.memory_space<hbm>>
        %dma_wait3A_358 = arith.constant 0 : i32
        %dma_wait3A_359 = arith.constant 0 : i32
        %dma_wait3A_360 = tpu.memref_slice %arg4[%dma_wait3A_349, %dma_wait3A_350, %add3A, %dma_wait3A_358, %dma_wait3A_359] : memref<200x4x32x8x128xf32, #tpu.memory_space<hbm>> -> memref<1x1x1x8x128xf32, #tpu.memory_space<hbm>>
        %dma_wait3A_361 = tpu.memref_squeeze %dma_wait3A_360 : memref<1x1x1x8x128xf32, #tpu.memory_space<hbm>> -> memref<8x128xf32, #tpu.memory_space<hbm>>
        %dma_wait3A_362 = arith.constant 24 : i32
        %dma_wait3A_363 = arith.constant 0 : i32
        %dma_wait3A_364 = tpu.memref_slice %arg11[%dma_wait3A_362, %dma_wait3A_363] : memref<32x129xf32, #tpu.memory_space<vmem>> -> memref<8x128xf32, #tpu.memory_space<vmem>>
        tpu.wait_dma2 semaphore(%arg15 : memref<!tpu.dma_semaphore, #tpu.memory_space<semaphore_mem>>) src(%dma_wait3A_364 : memref<8x128xf32, #tpu.memory_space<vmem>>) dst(%dma_wait3A_361 : memref<8x128xf32, #tpu.memory_space<hbm>>)
      } else {
      }
      %parallel_loop3A_238 = arith.constant 0 : i32
      %parallel_loop3A_239 = arith.constant 128 : i32
      %parallel_loop3A_240 = arith.constant 1 : i32
      scf.for %parallel_loop3A_301 = %parallel_loop3A_238 to %parallel_loop3A_239 step %parallel_loop3A_240  : i32 {
        %parallel_loop3A_302 = vector.broadcast %parallel_loop3A_301 : i32 to vector<16xi32>
        %parallel_loop3A_303 = arith.index_cast %parallel_loop3A_301 : i32 to index
        %parallel_loop3A_304 = arith.constant 0 : index
        %parallel_loop3A_305 = tpu.vector_load %arg9[%parallel_loop3A_303, %parallel_loop3A_304] {strides = array<i32>} : memref<128x32xf32, #tpu.memory_space<vmem>>, vector<16xf32>,
        %parallel_loop3A_306 = arith.index_cast %parallel_loop3A_301 : i32 to index
        %parallel_loop3A_307 = arith.constant 16 : index
        %parallel_loop3A_308 = tpu.vector_load %arg9[%parallel_loop3A_306, %parallel_loop3A_307] {strides = array<i32>} : memref<128x32xf32, #tpu.memory_space<vmem>>, vector<16xf32>,
        tpu.vector_store_idx %arg11[%iota3A, %parallel_loop3A_302], %parallel_loop3A_305 : memref<32x129xf32, #tpu.memory_space<vmem>>[vector<16xi32>, vector<16xi32>], vector<16xf32>,
        tpu.vector_store_idx %arg11[%add3A_5, %parallel_loop3A_302], %parallel_loop3A_308 : memref<32x129xf32, #tpu.memory_space<vmem>>[vector<16xi32>, vector<16xi32>], vector<16xf32>,
      } {sc.loop_unroll_factor = 16 : i64, sc.parallel_access}
      %dma_start3A_241 = arith.constant 0 : i32
      %dma_start3A_242 = arith.constant 0 : i32
      %dma_start3A_243 = arith.constant 0 : i32
      %dma_start3A_244 = tpu.memref_slice %arg11[%dma_start3A_242, %dma_start3A_243] : memref<32x129xf32, #tpu.memory_space<vmem>> -> memref<8x128xf32, #tpu.memory_space<vmem>>
      %dma_start3A_245 = arith.constant 0 : i32
      %dma_start3A_246 = arith.constant 0 : i32
      %dma_start3A_247 = tpu.memref_slice %arg4[%add3A_146, %dma_start3A_241, %add3A, %dma_start3A_245, %dma_start3A_246] : memref<200x4x32x8x128xf32, #tpu.memory_space<hbm>> -> memref<1x1x1x8x128xf32, #tpu.memory_space<hbm>>
      %dma_start3A_248 = tpu.memref_squeeze %dma_start3A_247 : memref<1x1x1x8x128xf32, #tpu.memory_space<hbm>> -> memref<8x128xf32, #tpu.memory_space<hbm>>
      %dma_start3A_249 = arith.constant 0 : i32
      %dma_start3A_250 = arith.constant 0 : i32
      %dma_start3A_251 = tpu.memref_slice %arg4[%add3A_146, %dma_start3A_241, %add3A, %dma_start3A_249, %dma_start3A_250] : memref<200x4x32x8x128xf32, #tpu.memory_space<hbm>> -> memref<1x1x1x8x128xf32, #tpu.memory_space<hbm>>
      %dma_start3A_252 = tpu.memref_squeeze %dma_start3A_251 : memref<1x1x1x8x128xf32, #tpu.memory_space<hbm>> -> memref<8x128xf32, #tpu.memory_space<hbm>>
      %dma_start3A_253 = arith.constant 0 : i32
      %dma_start3A_254 = arith.constant 0 : i32
      %dma_start3A_255 = tpu.memref_slice %arg11[%dma_start3A_253, %dma_start3A_254] : memref<32x129xf32, #tpu.memory_space<vmem>> -> memref<8x128xf32, #tpu.memory_space<vmem>>
      tpu.enqueue_dma source(%dma_start3A_255 : memref<8x128xf32, #tpu.memory_space<vmem>>) target(%dma_start3A_252 : memref<8x128xf32, #tpu.memory_space<hbm>>) target_semaphore(%arg15 : memref<!tpu.dma_semaphore, #tpu.memory_space<semaphore_mem>>)
      %dma_start3A_256 = arith.constant 1 : i32
      %dma_start3A_257 = arith.constant 8 : i32
      %dma_start3A_258 = arith.constant 0 : i32
      %dma_start3A_259 = tpu.memref_slice %arg11[%dma_start3A_257, %dma_start3A_258] : memref<32x129xf32, #tpu.memory_space<vmem>> -> memref<8x128xf32, #tpu.memory_space<vmem>>
      %dma_start3A_260 = arith.constant 0 : i32
      %dma_start3A_261 = arith.constant 0 : i32
      %dma_start3A_262 = tpu.memref_slice %arg4[%add3A_146, %dma_start3A_256, %add3A, %dma_start3A_260, %dma_start3A_261] : memref<200x4x32x8x128xf32, #tpu.memory_space<hbm>> -> memref<1x1x1x8x128xf32, #tpu.memory_space<hbm>>
      %dma_start3A_263 = tpu.memref_squeeze %dma_start3A_262 : memref<1x1x1x8x128xf32, #tpu.memory_space<hbm>> -> memref<8x128xf32, #tpu.memory_space<hbm>>
      %dma_start3A_264 = arith.constant 0 : i32
      %dma_start3A_265 = arith.constant 0 : i32
      %dma_start3A_266 = tpu.memref_slice %arg4[%add3A_146, %dma_start3A_256, %add3A, %dma_start3A_264, %dma_start3A_265] : memref<200x4x32x8x128xf32, #tpu.memory_space<hbm>> -> memref<1x1x1x8x128xf32, #tpu.memory_space<hbm>>
      %dma_start3A_267 = tpu.memref_squeeze %dma_start3A_266 : memref<1x1x1x8x128xf32, #tpu.memory_space<hbm>> -> memref<8x128xf32, #tpu.memory_space<hbm>>
      %dma_start3A_268 = arith.constant 8 : i32
      %dma_start3A_269 = arith.constant 0 : i32
      %dma_start3A_270 = tpu.memref_slice %arg11[%dma_start3A_268, %dma_start3A_269] : memref<32x129xf32, #tpu.memory_space<vmem>> -> memref<8x128xf32, #tpu.memory_space<vmem>>
      tpu.enqueue_dma source(%dma_start3A_270 : memref<8x128xf32, #tpu.memory_space<vmem>>) target(%dma_start3A_267 : memref<8x128xf32, #tpu.memory_space<hbm>>) target_semaphore(%arg15 : memref<!tpu.dma_semaphore, #tpu.memory_space<semaphore_mem>>)
      %dma_start3A_271 = arith.constant 2 : i32
      %dma_start3A_272 = arith.constant 16 : i32
      %dma_start3A_273 = arith.constant 0 : i32
      %dma_start3A_274 = tpu.memref_slice %arg11[%dma_start3A_272, %dma_start3A_273] : memref<32x129xf32, #tpu.memory_space<vmem>> -> memref<8x128xf32, #tpu.memory_space<vmem>>
      %dma_start3A_275 = arith.constant 0 : i32
      %dma_start3A_276 = arith.constant 0 : i32
      %dma_start3A_277 = tpu.memref_slice %arg4[%add3A_146, %dma_start3A_271, %add3A, %dma_start3A_275, %dma_start3A_276] : memref<200x4x32x8x128xf32, #tpu.memory_space<hbm>> -> memref<1x1x1x8x128xf32, #tpu.memory_space<hbm>>
      %dma_start3A_278 = tpu.memref_squeeze %dma_start3A_277 : memref<1x1x1x8x128xf32, #tpu.memory_space<hbm>> -> memref<8x128xf32, #tpu.memory_space<hbm>>
      %dma_start3A_279 = arith.constant 0 : i32
      %dma_start3A_280 = arith.constant 0 : i32
      %dma_start3A_281 = tpu.memref_slice %arg4[%add3A_146, %dma_start3A_271, %add3A, %dma_start3A_279, %dma_start3A_280] : memref<200x4x32x8x128xf32, #tpu.memory_space<hbm>> -> memref<1x1x1x8x128xf32, #tpu.memory_space<hbm>>
      %dma_start3A_282 = tpu.memref_squeeze %dma_start3A_281 : memref<1x1x1x8x128xf32, #tpu.memory_space<hbm>> -> memref<8x128xf32, #tpu.memory_space<hbm>>
      %dma_start3A_283 = arith.constant 16 : i32
      %dma_start3A_284 = arith.constant 0 : i32
      %dma_start3A_285 = tpu.memref_slice %arg11[%dma_start3A_283, %dma_start3A_284] : memref<32x129xf32, #tpu.memory_space<vmem>> -> memref<8x128xf32, #tpu.memory_space<vmem>>
      tpu.enqueue_dma source(%dma_start3A_285 : memref<8x128xf32, #tpu.memory_space<vmem>>) target(%dma_start3A_282 : memref<8x128xf32, #tpu.memory_space<hbm>>) target_semaphore(%arg15 : memref<!tpu.dma_semaphore, #tpu.memory_space<semaphore_mem>>)
      %dma_start3A_286 = arith.constant 3 : i32
      %dma_start3A_287 = arith.constant 24 : i32
      %dma_start3A_288 = arith.constant 0 : i32
      %dma_start3A_289 = tpu.memref_slice %arg11[%dma_start3A_287, %dma_start3A_288] : memref<32x129xf32, #tpu.memory_space<vmem>> -> memref<8x128xf32, #tpu.memory_space<vmem>>
      %dma_start3A_290 = arith.constant 0 : i32
      %dma_start3A_291 = arith.constant 0 : i32
      %dma_start3A_292 = tpu.memref_slice %arg4[%add3A_146, %dma_start3A_286, %add3A, %dma_start3A_290, %dma_start3A_291] : memref<200x4x32x8x128xf32, #tpu.memory_space<hbm>> -> memref<1x1x1x8x128xf32, #tpu.memory_space<hbm>>
      %dma_start3A_293 = tpu.memref_squeeze %dma_start3A_292 : memref<1x1x1x8x128xf32, #tpu.memory_space<hbm>> -> memref<8x128xf32, #tpu.memory_space<hbm>>
      %dma_start3A_294 = arith.constant 0 : i32
      %dma_start3A_295 = arith.constant 0 : i32
      %dma_start3A_296 = tpu.memref_slice %arg4[%add3A_146, %dma_start3A_286, %add3A, %dma_start3A_294, %dma_start3A_295] : memref<200x4x32x8x128xf32, #tpu.memory_space<hbm>> -> memref<1x1x1x8x128xf32, #tpu.memory_space<hbm>>
      %dma_start3A_297 = tpu.memref_squeeze %dma_start3A_296 : memref<1x1x1x8x128xf32, #tpu.memory_space<hbm>> -> memref<8x128xf32, #tpu.memory_space<hbm>>
      %dma_start3A_298 = arith.constant 24 : i32
      %dma_start3A_299 = arith.constant 0 : i32
      %dma_start3A_300 = tpu.memref_slice %arg11[%dma_start3A_298, %dma_start3A_299] : memref<32x129xf32, #tpu.memory_space<vmem>> -> memref<8x128xf32, #tpu.memory_space<vmem>>
      tpu.enqueue_dma source(%dma_start3A_300 : memref<8x128xf32, #tpu.memory_space<vmem>>) target(%dma_start3A_297 : memref<8x128xf32, #tpu.memory_space<hbm>>) target_semaphore(%arg15 : memref<!tpu.dma_semaphore, #tpu.memory_space<semaphore_mem>>)
    }
    %scan3A_14 = arith.constant 100 : i32
    %dma_wait3A = arith.constant 0 : i32
    %dma_wait3A_15 = arith.constant 0 : i32
    %dma_wait3A_16 = arith.constant 0 : i32
    %dma_wait3A_17 = arith.constant 0 : i32
    %dma_wait3A_18 = tpu.memref_slice %arg10[%dma_wait3A_16, %dma_wait3A_17] : memref<32x129xf32, #tpu.memory_space<vmem>> -> memref<8x128xf32, #tpu.memory_space<vmem>>
    %dma_wait3A_19 = arith.constant 0 : i32
    %dma_wait3A_20 = arith.constant 0 : i32
    %dma_wait3A_21 = tpu.memref_slice %arg4[%dma_wait3A, %dma_wait3A_15, %add3A, %dma_wait3A_19, %dma_wait3A_20] : memref<200x4x32x8x128xf32, #tpu.memory_space<hbm>> -> memref<1x1x1x8x128xf32, #tpu.memory_space<hbm>>
    %dma_wait3A_22 = tpu.memref_squeeze %dma_wait3A_21 : memref<1x1x1x8x128xf32, #tpu.memory_space<hbm>> -> memref<8x128xf32, #tpu.memory_space<hbm>>
    %dma_wait3A_23 = arith.constant 0 : i32
    %dma_wait3A_24 = arith.constant 0 : i32
    %dma_wait3A_25 = tpu.memref_slice %arg4[%dma_wait3A, %dma_wait3A_15, %add3A, %dma_wait3A_23, %dma_wait3A_24] : memref<200x4x32x8x128xf32, #tpu.memory_space<hbm>> -> memref<1x1x1x8x128xf32, #tpu.memory_space<hbm>>
    %dma_wait3A_26 = tpu.memref_squeeze %dma_wait3A_25 : memref<1x1x1x8x128xf32, #tpu.memory_space<hbm>> -> memref<8x128xf32, #tpu.memory_space<hbm>>
    %dma_wait3A_27 = arith.constant 0 : i32
    %dma_wait3A_28 = arith.constant 0 : i32
    %dma_wait3A_29 = tpu.memref_slice %arg10[%dma_wait3A_27, %dma_wait3A_28] : memref<32x129xf32, #tpu.memory_space<vmem>> -> memref<8x128xf32, #tpu.memory_space<vmem>>
    tpu.wait_dma2 semaphore(%arg14 : memref<!tpu.dma_semaphore, #tpu.memory_space<semaphore_mem>>) src(%dma_wait3A_29 : memref<8x128xf32, #tpu.memory_space<vmem>>) dst(%dma_wait3A_26 : memref<8x128xf32, #tpu.memory_space<hbm>>)
    %dma_wait3A_30 = arith.constant 0 : i32
    %dma_wait3A_31 = arith.constant 1 : i32
    %dma_wait3A_32 = arith.constant 8 : i32
    %dma_wait3A_33 = arith.constant 0 : i32
    %dma_wait3A_34 = tpu.memref_slice %arg10[%dma_wait3A_32, %dma_wait3A_33] : memref<32x129xf32, #tpu.memory_space<vmem>> -> memref<8x128xf32, #tpu.memory_space<vmem>>
    %dma_wait3A_35 = arith.constant 0 : i32
    %dma_wait3A_36 = arith.constant 0 : i32
    %dma_wait3A_37 = tpu.memref_slice %arg4[%dma_wait3A_30, %dma_wait3A_31, %add3A, %dma_wait3A_35, %dma_wait3A_36] : memref<200x4x32x8x128xf32, #tpu.memory_space<hbm>> -> memref<1x1x1x8x128xf32, #tpu.memory_space<hbm>>
    %dma_wait3A_38 = tpu.memref_squeeze %dma_wait3A_37 : memref<1x1x1x8x128xf32, #tpu.memory_space<hbm>> -> memref<8x128xf32, #tpu.memory_space<hbm>>
    %dma_wait3A_39 = arith.constant 0 : i32
    %dma_wait3A_40 = arith.constant 0 : i32
    %dma_wait3A_41 = tpu.memref_slice %arg4[%dma_wait3A_30, %dma_wait3A_31, %add3A, %dma_wait3A_39, %dma_wait3A_40] : memref<200x4x32x8x128xf32, #tpu.memory_space<hbm>> -> memref<1x1x1x8x128xf32, #tpu.memory_space<hbm>>
    %dma_wait3A_42 = tpu.memref_squeeze %dma_wait3A_41 : memref<1x1x1x8x128xf32, #tpu.memory_space<hbm>> -> memref<8x128xf32, #tpu.memory_space<hbm>>
    %dma_wait3A_43 = arith.constant 8 : i32
    %dma_wait3A_44 = arith.constant 0 : i32
    %dma_wait3A_45 = tpu.memref_slice %arg10[%dma_wait3A_43, %dma_wait3A_44] : memref<32x129xf32, #tpu.memory_space<vmem>> -> memref<8x128xf32, #tpu.memory_space<vmem>>
    tpu.wait_dma2 semaphore(%arg14 : memref<!tpu.dma_semaphore, #tpu.memory_space<semaphore_mem>>) src(%dma_wait3A_45 : memref<8x128xf32, #tpu.memory_space<vmem>>) dst(%dma_wait3A_42 : memref<8x128xf32, #tpu.memory_space<hbm>>)
    %dma_wait3A_46 = arith.constant 0 : i32
    %dma_wait3A_47 = arith.constant 2 : i32
    %dma_wait3A_48 = arith.constant 16 : i32
    %dma_wait3A_49 = arith.constant 0 : i32
    %dma_wait3A_50 = tpu.memref_slice %arg10[%dma_wait3A_48, %dma_wait3A_49] : memref<32x129xf32, #tpu.memory_space<vmem>> -> memref<8x128xf32, #tpu.memory_space<vmem>>
    %dma_wait3A_51 = arith.constant 0 : i32
    %dma_wait3A_52 = arith.constant 0 : i32
    %dma_wait3A_53 = tpu.memref_slice %arg4[%dma_wait3A_46, %dma_wait3A_47, %add3A, %dma_wait3A_51, %dma_wait3A_52] : memref<200x4x32x8x128xf32, #tpu.memory_space<hbm>> -> memref<1x1x1x8x128xf32, #tpu.memory_space<hbm>>
    %dma_wait3A_54 = tpu.memref_squeeze %dma_wait3A_53 : memref<1x1x1x8x128xf32, #tpu.memory_space<hbm>> -> memref<8x128xf32, #tpu.memory_space<hbm>>
    %dma_wait3A_55 = arith.constant 0 : i32
    %dma_wait3A_56 = arith.constant 0 : i32
    %dma_wait3A_57 = tpu.memref_slice %arg4[%dma_wait3A_46, %dma_wait3A_47, %add3A, %dma_wait3A_55, %dma_wait3A_56] : memref<200x4x32x8x128xf32, #tpu.memory_space<hbm>> -> memref<1x1x1x8x128xf32, #tpu.memory_space<hbm>>
    %dma_wait3A_58 = tpu.memref_squeeze %dma_wait3A_57 : memref<1x1x1x8x128xf32, #tpu.memory_space<hbm>> -> memref<8x128xf32, #tpu.memory_space<hbm>>
    %dma_wait3A_59 = arith.constant 16 : i32
    %dma_wait3A_60 = arith.constant 0 : i32
    %dma_wait3A_61 = tpu.memref_slice %arg10[%dma_wait3A_59, %dma_wait3A_60] : memref<32x129xf32, #tpu.memory_space<vmem>> -> memref<8x128xf32, #tpu.memory_space<vmem>>
    tpu.wait_dma2 semaphore(%arg14 : memref<!tpu.dma_semaphore, #tpu.memory_space<semaphore_mem>>) src(%dma_wait3A_61 : memref<8x128xf32, #tpu.memory_space<vmem>>) dst(%dma_wait3A_58 : memref<8x128xf32, #tpu.memory_space<hbm>>)
    %dma_wait3A_62 = arith.constant 0 : i32
    %dma_wait3A_63 = arith.constant 3 : i32
    %dma_wait3A_64 = arith.constant 24 : i32
    %dma_wait3A_65 = arith.constant 0 : i32
    %dma_wait3A_66 = tpu.memref_slice %arg10[%dma_wait3A_64, %dma_wait3A_65] : memref<32x129xf32, #tpu.memory_space<vmem>> -> memref<8x128xf32, #tpu.memory_space<vmem>>
    %dma_wait3A_67 = arith.constant 0 : i32
    %dma_wait3A_68 = arith.constant 0 : i32
    %dma_wait3A_69 = tpu.memref_slice %arg4[%dma_wait3A_62, %dma_wait3A_63, %add3A, %dma_wait3A_67, %dma_wait3A_68] : memref<200x4x32x8x128xf32, #tpu.memory_space<hbm>> -> memref<1x1x1x8x128xf32, #tpu.memory_space<hbm>>
    %dma_wait3A_70 = tpu.memref_squeeze %dma_wait3A_69 : memref<1x1x1x8x128xf32, #tpu.memory_space<hbm>> -> memref<8x128xf32, #tpu.memory_space<hbm>>
    %dma_wait3A_71 = arith.constant 0 : i32
    %dma_wait3A_72 = arith.constant 0 : i32
    %dma_wait3A_73 = tpu.memref_slice %arg4[%dma_wait3A_62, %dma_wait3A_63, %add3A, %dma_wait3A_71, %dma_wait3A_72] : memref<200x4x32x8x128xf32, #tpu.memory_space<hbm>> -> memref<1x1x1x8x128xf32, #tpu.memory_space<hbm>>
    %dma_wait3A_74 = tpu.memref_squeeze %dma_wait3A_73 : memref<1x1x1x8x128xf32, #tpu.memory_space<hbm>> -> memref<8x128xf32, #tpu.memory_space<hbm>>
    %dma_wait3A_75 = arith.constant 24 : i32
    %dma_wait3A_76 = arith.constant 0 : i32
    %dma_wait3A_77 = tpu.memref_slice %arg10[%dma_wait3A_75, %dma_wait3A_76] : memref<32x129xf32, #tpu.memory_space<vmem>> -> memref<8x128xf32, #tpu.memory_space<vmem>>
    tpu.wait_dma2 semaphore(%arg14 : memref<!tpu.dma_semaphore, #tpu.memory_space<semaphore_mem>>) src(%dma_wait3A_77 : memref<8x128xf32, #tpu.memory_space<vmem>>) dst(%dma_wait3A_74 : memref<8x128xf32, #tpu.memory_space<hbm>>)
    %dma_wait3A_78 = arith.constant 0 : i32
    %dma_wait3A_79 = arith.constant 0 : i32
    %dma_wait3A_80 = arith.constant 0 : i32
    %dma_wait3A_81 = arith.constant 0 : i32
    %dma_wait3A_82 = tpu.memref_slice %arg11[%dma_wait3A_80, %dma_wait3A_81] : memref<32x129xf32, #tpu.memory_space<vmem>> -> memref<8x128xf32, #tpu.memory_space<vmem>>
    %dma_wait3A_83 = arith.constant 0 : i32
    %dma_wait3A_84 = arith.constant 0 : i32
    %dma_wait3A_85 = tpu.memref_slice %arg4[%dma_wait3A_78, %dma_wait3A_79, %add3A, %dma_wait3A_83, %dma_wait3A_84] : memref<200x4x32x8x128xf32, #tpu.memory_space<hbm>> -> memref<1x1x1x8x128xf32, #tpu.memory_space<hbm>>
    %dma_wait3A_86 = tpu.memref_squeeze %dma_wait3A_85 : memref<1x1x1x8x128xf32, #tpu.memory_space<hbm>> -> memref<8x128xf32, #tpu.memory_space<hbm>>
    %dma_wait3A_87 = arith.constant 0 : i32
    %dma_wait3A_88 = arith.constant 0 : i32
    %dma_wait3A_89 = tpu.memref_slice %arg4[%dma_wait3A_78, %dma_wait3A_79, %add3A, %dma_wait3A_87, %dma_wait3A_88] : memref<200x4x32x8x128xf32, #tpu.memory_space<hbm>> -> memref<1x1x1x8x128xf32, #tpu.memory_space<hbm>>
    %dma_wait3A_90 = tpu.memref_squeeze %dma_wait3A_89 : memref<1x1x1x8x128xf32, #tpu.memory_space<hbm>> -> memref<8x128xf32, #tpu.memory_space<hbm>>
    %dma_wait3A_91 = arith.constant 0 : i32
    %dma_wait3A_92 = arith.constant 0 : i32
    %dma_wait3A_93 = tpu.memref_slice %arg11[%dma_wait3A_91, %dma_wait3A_92] : memref<32x129xf32, #tpu.memory_space<vmem>> -> memref<8x128xf32, #tpu.memory_space<vmem>>
    tpu.wait_dma2 semaphore(%arg15 : memref<!tpu.dma_semaphore, #tpu.memory_space<semaphore_mem>>) src(%dma_wait3A_93 : memref<8x128xf32, #tpu.memory_space<vmem>>) dst(%dma_wait3A_90 : memref<8x128xf32, #tpu.memory_space<hbm>>)
    %dma_wait3A_94 = arith.constant 0 : i32
    %dma_wait3A_95 = arith.constant 1 : i32
    %dma_wait3A_96 = arith.constant 8 : i32
    %dma_wait3A_97 = arith.constant 0 : i32
    %dma_wait3A_98 = tpu.memref_slice %arg11[%dma_wait3A_96, %dma_wait3A_97] : memref<32x129xf32, #tpu.memory_space<vmem>> -> memref<8x128xf32, #tpu.memory_space<vmem>>
    %dma_wait3A_99 = arith.constant 0 : i32
    %dma_wait3A_100 = arith.constant 0 : i32
    %dma_wait3A_101 = tpu.memref_slice %arg4[%dma_wait3A_94, %dma_wait3A_95, %add3A, %dma_wait3A_99, %dma_wait3A_100] : memref<200x4x32x8x128xf32, #tpu.memory_space<hbm>> -> memref<1x1x1x8x128xf32, #tpu.memory_space<hbm>>
    %dma_wait3A_102 = tpu.memref_squeeze %dma_wait3A_101 : memref<1x1x1x8x128xf32, #tpu.memory_space<hbm>> -> memref<8x128xf32, #tpu.memory_space<hbm>>
    %dma_wait3A_103 = arith.constant 0 : i32
    %dma_wait3A_104 = arith.constant 0 : i32
    %dma_wait3A_105 = tpu.memref_slice %arg4[%dma_wait3A_94, %dma_wait3A_95, %add3A, %dma_wait3A_103, %dma_wait3A_104] : memref<200x4x32x8x128xf32, #tpu.memory_space<hbm>> -> memref<1x1x1x8x128xf32, #tpu.memory_space<hbm>>
    %dma_wait3A_106 = tpu.memref_squeeze %dma_wait3A_105 : memref<1x1x1x8x128xf32, #tpu.memory_space<hbm>> -> memref<8x128xf32, #tpu.memory_space<hbm>>
    %dma_wait3A_107 = arith.constant 8 : i32
    %dma_wait3A_108 = arith.constant 0 : i32
    %dma_wait3A_109 = tpu.memref_slice %arg11[%dma_wait3A_107, %dma_wait3A_108] : memref<32x129xf32, #tpu.memory_space<vmem>> -> memref<8x128xf32, #tpu.memory_space<vmem>>
    tpu.wait_dma2 semaphore(%arg15 : memref<!tpu.dma_semaphore, #tpu.memory_space<semaphore_mem>>) src(%dma_wait3A_109 : memref<8x128xf32, #tpu.memory_space<vmem>>) dst(%dma_wait3A_106 : memref<8x128xf32, #tpu.memory_space<hbm>>)
    %dma_wait3A_110 = arith.constant 0 : i32
    %dma_wait3A_111 = arith.constant 2 : i32
    %dma_wait3A_112 = arith.constant 16 : i32
    %dma_wait3A_113 = arith.constant 0 : i32
    %dma_wait3A_114 = tpu.memref_slice %arg11[%dma_wait3A_112, %dma_wait3A_113] : memref<32x129xf32, #tpu.memory_space<vmem>> -> memref<8x128xf32, #tpu.memory_space<vmem>>
    %dma_wait3A_115 = arith.constant 0 : i32
    %dma_wait3A_116 = arith.constant 0 : i32
    %dma_wait3A_117 = tpu.memref_slice %arg4[%dma_wait3A_110, %dma_wait3A_111, %add3A, %dma_wait3A_115, %dma_wait3A_116] : memref<200x4x32x8x128xf32, #tpu.memory_space<hbm>> -> memref<1x1x1x8x128xf32, #tpu.memory_space<hbm>>
    %dma_wait3A_118 = tpu.memref_squeeze %dma_wait3A_117 : memref<1x1x1x8x128xf32, #tpu.memory_space<hbm>> -> memref<8x128xf32, #tpu.memory_space<hbm>>
    %dma_wait3A_119 = arith.constant 0 : i32
    %dma_wait3A_120 = arith.constant 0 : i32
    %dma_wait3A_121 = tpu.memref_slice %arg4[%dma_wait3A_110, %dma_wait3A_111, %add3A, %dma_wait3A_119, %dma_wait3A_120] : memref<200x4x32x8x128xf32, #tpu.memory_space<hbm>> -> memref<1x1x1x8x128xf32, #tpu.memory_space<hbm>>
    %dma_wait3A_122 = tpu.memref_squeeze %dma_wait3A_121 : memref<1x1x1x8x128xf32, #tpu.memory_space<hbm>> -> memref<8x128xf32, #tpu.memory_space<hbm>>
    %dma_wait3A_123 = arith.constant 16 : i32
    %dma_wait3A_124 = arith.constant 0 : i32
    %dma_wait3A_125 = tpu.memref_slice %arg11[%dma_wait3A_123, %dma_wait3A_124] : memref<32x129xf32, #tpu.memory_space<vmem>> -> memref<8x128xf32, #tpu.memory_space<vmem>>
    tpu.wait_dma2 semaphore(%arg15 : memref<!tpu.dma_semaphore, #tpu.memory_space<semaphore_mem>>) src(%dma_wait3A_125 : memref<8x128xf32, #tpu.memory_space<vmem>>) dst(%dma_wait3A_122 : memref<8x128xf32, #tpu.memory_space<hbm>>)
    %dma_wait3A_126 = arith.constant 0 : i32
    %dma_wait3A_127 = arith.constant 3 : i32
    %dma_wait3A_128 = arith.constant 24 : i32
    %dma_wait3A_129 = arith.constant 0 : i32
    %dma_wait3A_130 = tpu.memref_slice %arg11[%dma_wait3A_128, %dma_wait3A_129] : memref<32x129xf32, #tpu.memory_space<vmem>> -> memref<8x128xf32, #tpu.memory_space<vmem>>
    %dma_wait3A_131 = arith.constant 0 : i32
    %dma_wait3A_132 = arith.constant 0 : i32
    %dma_wait3A_133 = tpu.memref_slice %arg4[%dma_wait3A_126, %dma_wait3A_127, %add3A, %dma_wait3A_131, %dma_wait3A_132] : memref<200x4x32x8x128xf32, #tpu.memory_space<hbm>> -> memref<1x1x1x8x128xf32, #tpu.memory_space<hbm>>
    %dma_wait3A_134 = tpu.memref_squeeze %dma_wait3A_133 : memref<1x1x1x8x128xf32, #tpu.memory_space<hbm>> -> memref<8x128xf32, #tpu.memory_space<hbm>>
    %dma_wait3A_135 = arith.constant 0 : i32
    %dma_wait3A_136 = arith.constant 0 : i32
    %dma_wait3A_137 = tpu.memref_slice %arg4[%dma_wait3A_126, %dma_wait3A_127, %add3A, %dma_wait3A_135, %dma_wait3A_136] : memref<200x4x32x8x128xf32, #tpu.memory_space<hbm>> -> memref<1x1x1x8x128xf32, #tpu.memory_space<hbm>>
    %dma_wait3A_138 = tpu.memref_squeeze %dma_wait3A_137 : memref<1x1x1x8x128xf32, #tpu.memory_space<hbm>> -> memref<8x128xf32, #tpu.memory_space<hbm>>
    %dma_wait3A_139 = arith.constant 24 : i32
    %dma_wait3A_140 = arith.constant 0 : i32
    %dma_wait3A_141 = tpu.memref_slice %arg11[%dma_wait3A_139, %dma_wait3A_140] : memref<32x129xf32, #tpu.memory_space<vmem>> -> memref<8x128xf32, #tpu.memory_space<vmem>>
    tpu.wait_dma2 semaphore(%arg15 : memref<!tpu.dma_semaphore, #tpu.memory_space<semaphore_mem>>) src(%dma_wait3A_141 : memref<8x128xf32, #tpu.memory_space<vmem>>) dst(%dma_wait3A_138 : memref<8x128xf32, #tpu.memory_space<hbm>>)
    return
  }
}

#map = affine_map<(d0, d1) -> (0, 0)>
module attributes {stable_mosaic.version = 14 : i64} {
  func.func @_transpose_table(%arg0: i32, %arg1: i32, %arg2: memref<32x1000000xf32, #tpu.memory_space<hbm>>, %arg3: memref<144x128xf32, #tpu.memory_space<hbm>>, %arg4: memref<250000x128xf32, #tpu.memory_space<hbm>>, %arg5: memref<32x512xf32, #tpu.memory_space<vmem>>, %arg6: memref<32x512xf32, #tpu.memory_space<vmem>>, %arg7: memref<128x128xf32, #tpu.memory_space<vmem>>, %arg8: memref<128x128xf32, #tpu.memory_space<vmem>>, %arg9: memref<!tpu.dma_semaphore, #tpu.memory_space<semaphore_mem>>, %arg10: memref<!tpu.dma_semaphore, #tpu.memory_space<semaphore_mem>>, %arg11: memref<!tpu.dma_semaphore, #tpu.memory_space<semaphore_mem>>, %arg12: memref<!tpu.dma_semaphore, #tpu.memory_space<semaphore_mem>>) attributes {dimension_semantics = [#tpu.dimension_semantics<core_parallel>, #tpu.dimension_semantics<subcore_parallel>], iteration_bounds = array<i64: 2, 16>, scalar_prefetch = 0 : i64, scratch_operands = 8 : i64, tpu.core_type = #tpu.core_type<sc_vector_subcore>, window_params = [{transform_indices = #map}, {transform_indices = #map}, {transform_indices = #map}]} {
    %mul3A = arith.constant 2 : i32
    %mul3A_0 = arith.muli %arg1, %mul3A : i32
    %add3A = arith.addi %mul3A_0, %arg0 : i32
    %iota3A = tpu.iota {dimensions = array<i32: 0>} : vector<16xi32>
    %mul3A_1 = arith.constant 512 : i32
    %mul3A_2 = arith.muli %add3A, %mul3A_1 : i32
    %dma_start3A = arith.constant 0 : i32
    %dma_start3A_3 = tpu.memref_slice %arg2[%dma_start3A, %mul3A_2] : memref<32x1000000xf32, #tpu.memory_space<hbm>> -> memref<32x512xf32, #tpu.memory_space<hbm>>
    %dma_start3A_4 = arith.constant 0 : i32
    %dma_start3A_5 = tpu.memref_slice %arg2[%dma_start3A_4, %mul3A_2] : memref<32x1000000xf32, #tpu.memory_space<hbm>> -> memref<32x512xf32, #tpu.memory_space<hbm>>
    tpu.enqueue_dma source(%dma_start3A_5 : memref<32x512xf32, #tpu.memory_space<hbm>>) target(%arg5 : memref<32x512xf32, #tpu.memory_space<vmem>>) target_semaphore(%arg9 : memref<!tpu.dma_semaphore, #tpu.memory_space<semaphore_mem>>)
    %scan3A = arith.constant 0 : i32
    %scan3A_6 = arith.constant 0 : i32
    %scan3A_7 = arith.constant 31 : i32
    %scan3A_8 = arith.addi %scan3A_6, %scan3A_7 : i32
    %scan3A_9 = arith.constant 1 : i32
    scf.for %scan3A_24 = %scan3A_6 to %scan3A_8 step %scan3A_9  : i32 {
      %mul3A_25 = arith.constant 2 : i32
      %mul3A_26 = arith.muli %mul3A_25, %scan3A_24 : i32
      %mul3A_27 = arith.constant 32 : i32
      %mul3A_28 = arith.muli %mul3A_27, %mul3A_26 : i32
      %add3A_29 = arith.addi %add3A, %mul3A_28 : i32
      %mul3A_30 = arith.constant 2 : i32
      %mul3A_31 = arith.muli %mul3A_30, %scan3A_24 : i32
      %add3A_32 = arith.constant 1 : i32
      %add3A_33 = arith.addi %mul3A_31, %add3A_32 : i32
      %mul3A_34 = arith.constant 32 : i32
      %mul3A_35 = arith.muli %mul3A_34, %add3A_33 : i32
      %add3A_36 = arith.addi %add3A, %mul3A_35 : i32
      %mul3A_37 = arith.constant 2 : i32
      %mul3A_38 = arith.muli %mul3A_37, %scan3A_24 : i32
      %add3A_39 = arith.constant 1 : i32
      %add3A_40 = arith.addi %mul3A_38, %add3A_39 : i32
      %lt3A = arith.constant 61 : i32
      %lt3A_41 = arith.cmpi slt, %add3A_40, %lt3A : i32
      %convert_element_type3A_42 = arith.extui %lt3A_41 : i1 to i32
      %cond3A_43 = arith.constant 0 : i32
      %cond3A_44 = arith.cmpi ne, %convert_element_type3A_42, %cond3A_43 : i32
      scf.if %cond3A_44 {
        %mul3A_81 = arith.constant 512 : i32
        %mul3A_82 = arith.muli %add3A_36, %mul3A_81 : i32
        %dma_start3A_83 = arith.constant 0 : i32
        %dma_start3A_84 = tpu.memref_slice %arg2[%dma_start3A_83, %mul3A_82] : memref<32x1000000xf32, #tpu.memory_space<hbm>> -> memref<32x512xf32, #tpu.memory_space<hbm>>
        %dma_start3A_85 = arith.constant 0 : i32
        %dma_start3A_86 = tpu.memref_slice %arg2[%dma_start3A_85, %mul3A_82] : memref<32x1000000xf32, #tpu.memory_space<hbm>> -> memref<32x512xf32, #tpu.memory_space<hbm>>
        tpu.enqueue_dma source(%dma_start3A_86 : memref<32x512xf32, #tpu.memory_space<hbm>>) target(%arg6 : memref<32x512xf32, #tpu.memory_space<vmem>>) target_semaphore(%arg10 : memref<!tpu.dma_semaphore, #tpu.memory_space<semaphore_mem>>)
      } else {
      }
      %dma_wait3A_45 = arith.constant 0 : i32
      %dma_wait3A_46 = arith.constant 0 : i32
      %dma_wait3A_47 = tpu.memref_slice %arg2[%dma_wait3A_45, %dma_wait3A_46] : memref<32x1000000xf32, #tpu.memory_space<hbm>> -> memref<32x512xf32, #tpu.memory_space<hbm>>
      %dma_wait3A_48 = arith.constant 0 : i32
      %dma_wait3A_49 = arith.constant 0 : i32
      %dma_wait3A_50 = tpu.memref_slice %arg2[%dma_wait3A_48, %dma_wait3A_49] : memref<32x1000000xf32, #tpu.memory_space<hbm>> -> memref<32x512xf32, #tpu.memory_space<hbm>>
      tpu.wait_dma2 semaphore(%arg9 : memref<!tpu.dma_semaphore, #tpu.memory_space<semaphore_mem>>) src(%dma_wait3A_50 : memref<32x512xf32, #tpu.memory_space<hbm>>) dst(%arg5 : memref<32x512xf32, #tpu.memory_space<vmem>>)
      %gt3A = arith.constant 0 : i32
      %gt3A_51 = arith.cmpi sgt, %scan3A_24, %gt3A : i32
      %convert_element_type3A_52 = arith.extui %gt3A_51 : i1 to i32
      %cond3A_53 = arith.constant 0 : i32
      %cond3A_54 = arith.cmpi ne, %convert_element_type3A_52, %cond3A_53 : i32
      scf.if %cond3A_54 {
        %dma_wait3A_81 = arith.constant 0 : i32
        %dma_wait3A_82 = arith.constant 0 : i32
        %dma_wait3A_83 = tpu.memref_slice %arg4[%dma_wait3A_81, %dma_wait3A_82] : memref<250000x128xf32, #tpu.memory_space<hbm>> -> memref<128x128xf32, #tpu.memory_space<hbm>>
        %dma_wait3A_84 = arith.constant 0 : i32
        %dma_wait3A_85 = arith.constant 0 : i32
        %dma_wait3A_86 = tpu.memref_slice %arg4[%dma_wait3A_84, %dma_wait3A_85] : memref<250000x128xf32, #tpu.memory_space<hbm>> -> memref<128x128xf32, #tpu.memory_space<hbm>>
        tpu.wait_dma2 semaphore(%arg11 : memref<!tpu.dma_semaphore, #tpu.memory_space<semaphore_mem>>) src(%arg7 : memref<128x128xf32, #tpu.memory_space<vmem>>) dst(%dma_wait3A_86 : memref<128x128xf32, #tpu.memory_space<hbm>>)
      } else {
      }
      %parallel_loop3A = arith.constant 0 : i32
      %parallel_loop3A_55 = arith.constant 1024 : i32
      %parallel_loop3A_56 = arith.constant 1 : i32
      scf.for %parallel_loop3A_81 = %parallel_loop3A to %parallel_loop3A_55 step %parallel_loop3A_56  : i32 {
        %parallel_loop3A_82 = arith.constant 3 : i32
        %parallel_loop3A_83 = arith.shrsi %parallel_loop3A_81, %parallel_loop3A_82 : i32
        %parallel_loop3A_84 = arith.constant 7 : i32
        %parallel_loop3A_85 = arith.andi %parallel_loop3A_81, %parallel_loop3A_84 : i32
        %parallel_loop3A_86 = arith.constant 1 : i32
        %parallel_loop3A_87 = arith.andi %parallel_loop3A_81, %parallel_loop3A_86 : i32
        %parallel_loop3A_88 = arith.constant 16 : i32
        %parallel_loop3A_89 = arith.muli %parallel_loop3A_87, %parallel_loop3A_88 : i32
        %parallel_loop3A_90 = vector.broadcast %parallel_loop3A_89 : i32 to vector<16xi32>
        %parallel_loop3A_91 = arith.addi %iota3A, %parallel_loop3A_90 : vector<16xi32>
        %parallel_loop3A_92 = arith.constant 4 : i32
        %parallel_loop3A_93 = arith.muli %parallel_loop3A_92, %parallel_loop3A_83 : i32
        %parallel_loop3A_94 = arith.constant 1 : i32
        %parallel_loop3A_95 = arith.shrsi %parallel_loop3A_85, %parallel_loop3A_94 : i32
        %parallel_loop3A_96 = arith.constant 3 : i32
        %parallel_loop3A_97 = arith.andi %parallel_loop3A_95, %parallel_loop3A_96 : i32
        %parallel_loop3A_98 = arith.addi %parallel_loop3A_93, %parallel_loop3A_97 : i32
        %parallel_loop3A_99 = vector.broadcast %parallel_loop3A_98 : i32 to vector<16xi32>
        %parallel_loop3A_100 = tpu.vector_load_idx %arg5[%parallel_loop3A_91, %parallel_loop3A_99] : memref<32x512xf32, #tpu.memory_space<vmem>>[vector<16xi32>, vector<16xi32>], vector<16xf32>,
        %parallel_loop3A_101 = arith.constant 16 : i32
        %parallel_loop3A_102 = arith.muli %parallel_loop3A_85, %parallel_loop3A_101 : i32
        %parallel_loop3A_103 = arith.index_cast %parallel_loop3A_83 : i32 to index
        %parallel_loop3A_104 = arith.index_cast %parallel_loop3A_102 : i32 to index
        %parallel_loop3A_105 = tpu.vector_load %arg7[%parallel_loop3A_103, %parallel_loop3A_104] {strides = array<i32>} : memref<128x128xf32, #tpu.memory_space<vmem>>, vector<16xf32>,
        tpu.vector_store %arg7[%parallel_loop3A_103, %parallel_loop3A_104], %parallel_loop3A_100 {strides = array<i32>} : memref<128x128xf32, #tpu.memory_space<vmem>>, vector<16xf32>,
      } {sc.loop_unroll_factor = 32 : i64, sc.parallel_access}
      %mul3A_57 = arith.constant 128 : i32
      %mul3A_58 = arith.muli %add3A_29, %mul3A_57 : i32
      %dma_start3A_59 = arith.constant 0 : i32
      %dma_start3A_60 = tpu.memref_slice %arg4[%mul3A_58, %dma_start3A_59] : memref<250000x128xf32, #tpu.memory_space<hbm>> -> memref<128x128xf32, #tpu.memory_space<hbm>>
      %dma_start3A_61 = arith.constant 0 : i32
      %dma_start3A_62 = tpu.memref_slice %arg4[%mul3A_58, %dma_start3A_61] : memref<250000x128xf32, #tpu.memory_space<hbm>> -> memref<128x128xf32, #tpu.memory_space<hbm>>
      tpu.enqueue_dma source(%arg7 : memref<128x128xf32, #tpu.memory_space<vmem>>) target(%dma_start3A_62 : memref<128x128xf32, #tpu.memory_space<hbm>>) target_semaphore(%arg11 : memref<!tpu.dma_semaphore, #tpu.memory_space<semaphore_mem>>)
      %mul3A_63 = arith.constant 2 : i32
      %mul3A_64 = arith.muli %mul3A_63, %scan3A_24 : i32
      %add3A_65 = arith.constant 2 : i32
      %add3A_66 = arith.addi %mul3A_64, %add3A_65 : i32
      %lt3A_67 = arith.constant 61 : i32
      %lt3A_68 = arith.cmpi slt, %add3A_66, %lt3A_67 : i32
      %convert_element_type3A_69 = arith.extui %lt3A_68 : i1 to i32
      %cond3A_70 = arith.constant 0 : i32
      %cond3A_71 = arith.cmpi ne, %convert_element_type3A_69, %cond3A_70 : i32
      scf.if %cond3A_71 {
        %mul3A_81 = arith.constant 2 : i32
        %mul3A_82 = arith.muli %mul3A_81, %scan3A_24 : i32
        %add3A_83 = arith.constant 2 : i32
        %add3A_84 = arith.addi %mul3A_82, %add3A_83 : i32
        %mul3A_85 = arith.constant 32 : i32
        %mul3A_86 = arith.muli %mul3A_85, %add3A_84 : i32
        %add3A_87 = arith.addi %add3A, %mul3A_86 : i32
        %mul3A_88 = arith.constant 512 : i32
        %mul3A_89 = arith.muli %add3A_87, %mul3A_88 : i32
        %dma_start3A_90 = arith.constant 0 : i32
        %dma_start3A_91 = tpu.memref_slice %arg2[%dma_start3A_90, %mul3A_89] : memref<32x1000000xf32, #tpu.memory_space<hbm>> -> memref<32x512xf32, #tpu.memory_space<hbm>>
        %dma_start3A_92 = arith.constant 0 : i32
        %dma_start3A_93 = tpu.memref_slice %arg2[%dma_start3A_92, %mul3A_89] : memref<32x1000000xf32, #tpu.memory_space<hbm>> -> memref<32x512xf32, #tpu.memory_space<hbm>>
        tpu.enqueue_dma source(%dma_start3A_93 : memref<32x512xf32, #tpu.memory_space<hbm>>) target(%arg5 : memref<32x512xf32, #tpu.memory_space<vmem>>) target_semaphore(%arg9 : memref<!tpu.dma_semaphore, #tpu.memory_space<semaphore_mem>>)
      } else {
      }
      %mul3A_72 = arith.constant 2 : i32
      %mul3A_73 = arith.muli %mul3A_72, %scan3A_24 : i32
      %add3A_74 = arith.constant 1 : i32
      %add3A_75 = arith.addi %mul3A_73, %add3A_74 : i32
      %lt3A_76 = arith.constant 61 : i32
      %lt3A_77 = arith.cmpi slt, %add3A_75, %lt3A_76 : i32
      %convert_element_type3A_78 = arith.extui %lt3A_77 : i1 to i32
      %cond3A_79 = arith.constant 0 : i32
      %cond3A_80 = arith.cmpi ne, %convert_element_type3A_78, %cond3A_79 : i32
      scf.if %cond3A_80 {
        %dma_wait3A_81 = arith.constant 0 : i32
        %dma_wait3A_82 = arith.constant 0 : i32
        %dma_wait3A_83 = tpu.memref_slice %arg2[%dma_wait3A_81, %dma_wait3A_82] : memref<32x1000000xf32, #tpu.memory_space<hbm>> -> memref<32x512xf32, #tpu.memory_space<hbm>>
        %dma_wait3A_84 = arith.constant 0 : i32
        %dma_wait3A_85 = arith.constant 0 : i32
        %dma_wait3A_86 = tpu.memref_slice %arg2[%dma_wait3A_84, %dma_wait3A_85] : memref<32x1000000xf32, #tpu.memory_space<hbm>> -> memref<32x512xf32, #tpu.memory_space<hbm>>
        tpu.wait_dma2 semaphore(%arg10 : memref<!tpu.dma_semaphore, #tpu.memory_space<semaphore_mem>>) src(%dma_wait3A_86 : memref<32x512xf32, #tpu.memory_space<hbm>>) dst(%arg6 : memref<32x512xf32, #tpu.memory_space<vmem>>)
        %gt3A_87 = arith.constant 0 : i32
        %gt3A_88 = arith.cmpi sgt, %scan3A_24, %gt3A_87 : i32
        %convert_element_type3A_89 = arith.extui %gt3A_88 : i1 to i32
        %cond3A_90 = arith.constant 0 : i32
        %cond3A_91 = arith.cmpi ne, %convert_element_type3A_89, %cond3A_90 : i32
        scf.if %cond3A_91 {
          %dma_wait3A_101 = arith.constant 0 : i32
          %dma_wait3A_102 = arith.constant 0 : i32
          %dma_wait3A_103 = tpu.memref_slice %arg4[%dma_wait3A_101, %dma_wait3A_102] : memref<250000x128xf32, #tpu.memory_space<hbm>> -> memref<128x128xf32, #tpu.memory_space<hbm>>
          %dma_wait3A_104 = arith.constant 0 : i32
          %dma_wait3A_105 = arith.constant 0 : i32
          %dma_wait3A_106 = tpu.memref_slice %arg4[%dma_wait3A_104, %dma_wait3A_105] : memref<250000x128xf32, #tpu.memory_space<hbm>> -> memref<128x128xf32, #tpu.memory_space<hbm>>
          tpu.wait_dma2 semaphore(%arg12 : memref<!tpu.dma_semaphore, #tpu.memory_space<semaphore_mem>>) src(%arg8 : memref<128x128xf32, #tpu.memory_space<vmem>>) dst(%dma_wait3A_106 : memref<128x128xf32, #tpu.memory_space<hbm>>)
        } else {
        }
        %parallel_loop3A_92 = arith.constant 0 : i32
        %parallel_loop3A_93 = arith.constant 1024 : i32
        %parallel_loop3A_94 = arith.constant 1 : i32
        scf.for %parallel_loop3A_101 = %parallel_loop3A_92 to %parallel_loop3A_93 step %parallel_loop3A_94  : i32 {
          %parallel_loop3A_102 = arith.constant 3 : i32
          %parallel_loop3A_103 = arith.shrsi %parallel_loop3A_101, %parallel_loop3A_102 : i32
          %parallel_loop3A_104 = arith.constant 7 : i32
          %parallel_loop3A_105 = arith.andi %parallel_loop3A_101, %parallel_loop3A_104 : i32
          %parallel_loop3A_106 = arith.constant 1 : i32
          %parallel_loop3A_107 = arith.andi %parallel_loop3A_101, %parallel_loop3A_106 : i32
          %parallel_loop3A_108 = arith.constant 16 : i32
          %parallel_loop3A_109 = arith.muli %parallel_loop3A_107, %parallel_loop3A_108 : i32
          %parallel_loop3A_110 = vector.broadcast %parallel_loop3A_109 : i32 to vector<16xi32>
          %parallel_loop3A_111 = arith.addi %iota3A, %parallel_loop3A_110 : vector<16xi32>
          %parallel_loop3A_112 = arith.constant 4 : i32
          %parallel_loop3A_113 = arith.muli %parallel_loop3A_112, %parallel_loop3A_103 : i32
          %parallel_loop3A_114 = arith.constant 1 : i32
          %parallel_loop3A_115 = arith.shrsi %parallel_loop3A_105, %parallel_loop3A_114 : i32
          %parallel_loop3A_116 = arith.constant 3 : i32
          %parallel_loop3A_117 = arith.andi %parallel_loop3A_115, %parallel_loop3A_116 : i32
          %parallel_loop3A_118 = arith.addi %parallel_loop3A_113, %parallel_loop3A_117 : i32
          %parallel_loop3A_119 = vector.broadcast %parallel_loop3A_118 : i32 to vector<16xi32>
          %parallel_loop3A_120 = tpu.vector_load_idx %arg6[%parallel_loop3A_111, %parallel_loop3A_119] : memref<32x512xf32, #tpu.memory_space<vmem>>[vector<16xi32>, vector<16xi32>], vector<16xf32>,
          %parallel_loop3A_121 = arith.constant 16 : i32
          %parallel_loop3A_122 = arith.muli %parallel_loop3A_105, %parallel_loop3A_121 : i32
          %parallel_loop3A_123 = arith.index_cast %parallel_loop3A_103 : i32 to index
          %parallel_loop3A_124 = arith.index_cast %parallel_loop3A_122 : i32 to index
          %parallel_loop3A_125 = tpu.vector_load %arg8[%parallel_loop3A_123, %parallel_loop3A_124] {strides = array<i32>} : memref<128x128xf32, #tpu.memory_space<vmem>>, vector<16xf32>,
          tpu.vector_store %arg8[%parallel_loop3A_123, %parallel_loop3A_124], %parallel_loop3A_120 {strides = array<i32>} : memref<128x128xf32, #tpu.memory_space<vmem>>, vector<16xf32>,
        } {sc.loop_unroll_factor = 32 : i64, sc.parallel_access}
        %mul3A_95 = arith.constant 128 : i32
        %mul3A_96 = arith.muli %add3A_36, %mul3A_95 : i32
        %dma_start3A_97 = arith.constant 0 : i32
        %dma_start3A_98 = tpu.memref_slice %arg4[%mul3A_96, %dma_start3A_97] : memref<250000x128xf32, #tpu.memory_space<hbm>> -> memref<128x128xf32, #tpu.memory_space<hbm>>
        %dma_start3A_99 = arith.constant 0 : i32
        %dma_start3A_100 = tpu.memref_slice %arg4[%mul3A_96, %dma_start3A_99] : memref<250000x128xf32, #tpu.memory_space<hbm>> -> memref<128x128xf32, #tpu.memory_space<hbm>>
        tpu.enqueue_dma source(%arg8 : memref<128x128xf32, #tpu.memory_space<vmem>>) target(%dma_start3A_100 : memref<128x128xf32, #tpu.memory_space<hbm>>) target_semaphore(%arg12 : memref<!tpu.dma_semaphore, #tpu.memory_space<semaphore_mem>>)
      } else {
      }
    }
    %scan3A_10 = arith.constant 31 : i32
    %dma_wait3A = arith.constant 0 : i32
    %dma_wait3A_11 = arith.constant 0 : i32
    %dma_wait3A_12 = tpu.memref_slice %arg4[%dma_wait3A, %dma_wait3A_11] : memref<250000x128xf32, #tpu.memory_space<hbm>> -> memref<128x128xf32, #tpu.memory_space<hbm>>
    %dma_wait3A_13 = arith.constant 0 : i32
    %dma_wait3A_14 = arith.constant 0 : i32
    %dma_wait3A_15 = tpu.memref_slice %arg4[%dma_wait3A_13, %dma_wait3A_14] : memref<250000x128xf32, #tpu.memory_space<hbm>> -> memref<128x128xf32, #tpu.memory_space<hbm>>
    tpu.wait_dma2 semaphore(%arg11 : memref<!tpu.dma_semaphore, #tpu.memory_space<semaphore_mem>>) src(%arg7 : memref<128x128xf32, #tpu.memory_space<vmem>>) dst(%dma_wait3A_15 : memref<128x128xf32, #tpu.memory_space<hbm>>)
    %dma_wait3A_16 = arith.constant 0 : i32
    %dma_wait3A_17 = arith.constant 0 : i32
    %dma_wait3A_18 = tpu.memref_slice %arg4[%dma_wait3A_16, %dma_wait3A_17] : memref<250000x128xf32, #tpu.memory_space<hbm>> -> memref<128x128xf32, #tpu.memory_space<hbm>>
    %dma_wait3A_19 = arith.constant 0 : i32
    %dma_wait3A_20 = arith.constant 0 : i32
    %dma_wait3A_21 = tpu.memref_slice %arg4[%dma_wait3A_19, %dma_wait3A_20] : memref<250000x128xf32, #tpu.memory_space<hbm>> -> memref<128x128xf32, #tpu.memory_space<hbm>>
    tpu.wait_dma2 semaphore(%arg12 : memref<!tpu.dma_semaphore, #tpu.memory_space<semaphore_mem>>) src(%arg8 : memref<128x128xf32, #tpu.memory_space<vmem>>) dst(%dma_wait3A_21 : memref<128x128xf32, #tpu.memory_space<hbm>>)
    %eq3A = arith.constant 4 : i32
    %eq3A_22 = arith.cmpi eq, %add3A, %eq3A : i32
    %convert_element_type3A = arith.extui %eq3A_22 : i1 to i32
    %cond3A = arith.constant 0 : i32
    %cond3A_23 = arith.cmpi ne, %convert_element_type3A, %cond3A : i32
    scf.if %cond3A_23 {
      "tpu.region"() ({
        %run_scoped3A = tpu.sem_alloc : memref<!tpu.dma_semaphore, #tpu.memory_space<semaphore_mem>>
        %dma_start3A_24 = arith.constant 0 : i32
        %dma_start3A_25 = arith.constant 0 : i32
        %dma_start3A_26 = tpu.memref_slice %arg3[%dma_start3A_24, %dma_start3A_25] : memref<144x128xf32, #tpu.memory_space<hbm>> -> memref<128x128xf32, #tpu.memory_space<hbm>>
        %dma_start3A_27 = arith.constant 0 : i32
        %dma_start3A_28 = arith.constant 0 : i32
        %dma_start3A_29 = tpu.memref_slice %arg3[%dma_start3A_27, %dma_start3A_28] : memref<144x128xf32, #tpu.memory_space<hbm>> -> memref<128x128xf32, #tpu.memory_space<hbm>>
        tpu.enqueue_dma source(%dma_start3A_29 : memref<128x128xf32, #tpu.memory_space<hbm>>) target(%arg7 : memref<128x128xf32, #tpu.memory_space<vmem>>) target_semaphore(%run_scoped3A : memref<!tpu.dma_semaphore, #tpu.memory_space<semaphore_mem>>)
        %dma_wait3A_30 = arith.constant 0 : i32
        %dma_wait3A_31 = arith.constant 0 : i32
        %dma_wait3A_32 = tpu.memref_slice %arg3[%dma_wait3A_30, %dma_wait3A_31] : memref<144x128xf32, #tpu.memory_space<hbm>> -> memref<128x128xf32, #tpu.memory_space<hbm>>
        %dma_wait3A_33 = arith.constant 0 : i32
        %dma_wait3A_34 = arith.constant 0 : i32
        %dma_wait3A_35 = tpu.memref_slice %arg3[%dma_wait3A_33, %dma_wait3A_34] : memref<144x128xf32, #tpu.memory_space<hbm>> -> memref<128x128xf32, #tpu.memory_space<hbm>>
        tpu.wait_dma2 semaphore(%run_scoped3A : memref<!tpu.dma_semaphore, #tpu.memory_space<semaphore_mem>>) src(%dma_wait3A_35 : memref<128x128xf32, #tpu.memory_space<hbm>>) dst(%arg7 : memref<128x128xf32, #tpu.memory_space<vmem>>)
        tpu.yield
      }) : () -> ()
      "tpu.region"() ({
        %run_scoped3A = tpu.sem_alloc : memref<!tpu.dma_semaphore, #tpu.memory_space<semaphore_mem>>
        %dma_start3A_24 = arith.constant 249856 : i32
        %dma_start3A_25 = arith.constant 0 : i32
        %dma_start3A_26 = tpu.memref_slice %arg4[%dma_start3A_24, %dma_start3A_25] : memref<250000x128xf32, #tpu.memory_space<hbm>> -> memref<128x128xf32, #tpu.memory_space<hbm>>
        %dma_start3A_27 = arith.constant 249856 : i32
        %dma_start3A_28 = arith.constant 0 : i32
        %dma_start3A_29 = tpu.memref_slice %arg4[%dma_start3A_27, %dma_start3A_28] : memref<250000x128xf32, #tpu.memory_space<hbm>> -> memref<128x128xf32, #tpu.memory_space<hbm>>
        tpu.enqueue_dma source(%arg7 : memref<128x128xf32, #tpu.memory_space<vmem>>) target(%dma_start3A_29 : memref<128x128xf32, #tpu.memory_space<hbm>>) target_semaphore(%run_scoped3A : memref<!tpu.dma_semaphore, #tpu.memory_space<semaphore_mem>>)
        %dma_wait3A_30 = arith.constant 249856 : i32
        %dma_wait3A_31 = arith.constant 0 : i32
        %dma_wait3A_32 = tpu.memref_slice %arg4[%dma_wait3A_30, %dma_wait3A_31] : memref<250000x128xf32, #tpu.memory_space<hbm>> -> memref<128x128xf32, #tpu.memory_space<hbm>>
        %dma_wait3A_33 = arith.constant 249856 : i32
        %dma_wait3A_34 = arith.constant 0 : i32
        %dma_wait3A_35 = tpu.memref_slice %arg4[%dma_wait3A_33, %dma_wait3A_34] : memref<250000x128xf32, #tpu.memory_space<hbm>> -> memref<128x128xf32, #tpu.memory_space<hbm>>
        tpu.wait_dma2 semaphore(%run_scoped3A : memref<!tpu.dma_semaphore, #tpu.memory_space<semaphore_mem>>) src(%arg7 : memref<128x128xf32, #tpu.memory_space<vmem>>) dst(%dma_wait3A_35 : memref<128x128xf32, #tpu.memory_space<hbm>>)
        tpu.yield
      }) : () -> ()
      "tpu.region"() ({
        %run_scoped3A = tpu.sem_alloc : memref<!tpu.dma_semaphore, #tpu.memory_space<semaphore_mem>>
        %dma_start3A_24 = arith.constant 0 : i32
        %dma_start3A_25 = arith.constant 0 : i32
        %dma_start3A_26 = tpu.memref_slice %arg8[%dma_start3A_24, %dma_start3A_25] : memref<128x128xf32, #tpu.memory_space<vmem>> -> memref<16x128xf32, #tpu.memory_space<vmem>>
        %dma_start3A_27 = arith.constant 128 : i32
        %dma_start3A_28 = arith.constant 0 : i32
        %dma_start3A_29 = tpu.memref_slice %arg3[%dma_start3A_27, %dma_start3A_28] : memref<144x128xf32, #tpu.memory_space<hbm>> -> memref<16x128xf32, #tpu.memory_space<hbm>>
        %dma_start3A_30 = arith.constant 0 : i32
        %dma_start3A_31 = arith.constant 0 : i32
        %dma_start3A_32 = tpu.memref_slice %arg8[%dma_start3A_30, %dma_start3A_31] : memref<128x128xf32, #tpu.memory_space<vmem>> -> memref<16x128xf32, #tpu.memory_space<vmem>>
        %dma_start3A_33 = arith.constant 128 : i32
        %dma_start3A_34 = arith.constant 0 : i32
        %dma_start3A_35 = tpu.memref_slice %arg3[%dma_start3A_33, %dma_start3A_34] : memref<144x128xf32, #tpu.memory_space<hbm>> -> memref<16x128xf32, #tpu.memory_space<hbm>>
        tpu.enqueue_dma source(%dma_start3A_35 : memref<16x128xf32, #tpu.memory_space<hbm>>) target(%dma_start3A_32 : memref<16x128xf32, #tpu.memory_space<vmem>>) target_semaphore(%run_scoped3A : memref<!tpu.dma_semaphore, #tpu.memory_space<semaphore_mem>>)
        %dma_wait3A_36 = arith.constant 0 : i32
        %dma_wait3A_37 = arith.constant 0 : i32
        %dma_wait3A_38 = tpu.memref_slice %arg8[%dma_wait3A_36, %dma_wait3A_37] : memref<128x128xf32, #tpu.memory_space<vmem>> -> memref<16x128xf32, #tpu.memory_space<vmem>>
        %dma_wait3A_39 = arith.constant 128 : i32
        %dma_wait3A_40 = arith.constant 0 : i32
        %dma_wait3A_41 = tpu.memref_slice %arg3[%dma_wait3A_39, %dma_wait3A_40] : memref<144x128xf32, #tpu.memory_space<hbm>> -> memref<16x128xf32, #tpu.memory_space<hbm>>
        %dma_wait3A_42 = arith.constant 0 : i32
        %dma_wait3A_43 = arith.constant 0 : i32
        %dma_wait3A_44 = tpu.memref_slice %arg8[%dma_wait3A_42, %dma_wait3A_43] : memref<128x128xf32, #tpu.memory_space<vmem>> -> memref<16x128xf32, #tpu.memory_space<vmem>>
        %dma_wait3A_45 = arith.constant 128 : i32
        %dma_wait3A_46 = arith.constant 0 : i32
        %dma_wait3A_47 = tpu.memref_slice %arg3[%dma_wait3A_45, %dma_wait3A_46] : memref<144x128xf32, #tpu.memory_space<hbm>> -> memref<16x128xf32, #tpu.memory_space<hbm>>
        tpu.wait_dma2 semaphore(%run_scoped3A : memref<!tpu.dma_semaphore, #tpu.memory_space<semaphore_mem>>) src(%dma_wait3A_47 : memref<16x128xf32, #tpu.memory_space<hbm>>) dst(%dma_wait3A_44 : memref<16x128xf32, #tpu.memory_space<vmem>>)
        tpu.yield
      }) : () -> ()
      "tpu.region"() ({
        %run_scoped3A = tpu.sem_alloc : memref<!tpu.dma_semaphore, #tpu.memory_space<semaphore_mem>>
        %dma_start3A_24 = arith.constant 0 : i32
        %dma_start3A_25 = arith.constant 0 : i32
        %dma_start3A_26 = tpu.memref_slice %arg8[%dma_start3A_24, %dma_start3A_25] : memref<128x128xf32, #tpu.memory_space<vmem>> -> memref<16x128xf32, #tpu.memory_space<vmem>>
        %dma_start3A_27 = arith.constant 249984 : i32
        %dma_start3A_28 = arith.constant 0 : i32
        %dma_start3A_29 = tpu.memref_slice %arg4[%dma_start3A_27, %dma_start3A_28] : memref<250000x128xf32, #tpu.memory_space<hbm>> -> memref<16x128xf32, #tpu.memory_space<hbm>>
        %dma_start3A_30 = arith.constant 249984 : i32
        %dma_start3A_31 = arith.constant 0 : i32
        %dma_start3A_32 = tpu.memref_slice %arg4[%dma_start3A_30, %dma_start3A_31] : memref<250000x128xf32, #tpu.memory_space<hbm>> -> memref<16x128xf32, #tpu.memory_space<hbm>>
        %dma_start3A_33 = arith.constant 0 : i32
        %dma_start3A_34 = arith.constant 0 : i32
        %dma_start3A_35 = tpu.memref_slice %arg8[%dma_start3A_33, %dma_start3A_34] : memref<128x128xf32, #tpu.memory_space<vmem>> -> memref<16x128xf32, #tpu.memory_space<vmem>>
        tpu.enqueue_dma source(%dma_start3A_35 : memref<16x128xf32, #tpu.memory_space<vmem>>) target(%dma_start3A_32 : memref<16x128xf32, #tpu.memory_space<hbm>>) target_semaphore(%run_scoped3A : memref<!tpu.dma_semaphore, #tpu.memory_space<semaphore_mem>>)
        %dma_wait3A_36 = arith.constant 0 : i32
        %dma_wait3A_37 = arith.constant 0 : i32
        %dma_wait3A_38 = tpu.memref_slice %arg8[%dma_wait3A_36, %dma_wait3A_37] : memref<128x128xf32, #tpu.memory_space<vmem>> -> memref<16x128xf32, #tpu.memory_space<vmem>>
        %dma_wait3A_39 = arith.constant 249984 : i32
        %dma_wait3A_40 = arith.constant 0 : i32
        %dma_wait3A_41 = tpu.memref_slice %arg4[%dma_wait3A_39, %dma_wait3A_40] : memref<250000x128xf32, #tpu.memory_space<hbm>> -> memref<16x128xf32, #tpu.memory_space<hbm>>
        %dma_wait3A_42 = arith.constant 249984 : i32
        %dma_wait3A_43 = arith.constant 0 : i32
        %dma_wait3A_44 = tpu.memref_slice %arg4[%dma_wait3A_42, %dma_wait3A_43] : memref<250000x128xf32, #tpu.memory_space<hbm>> -> memref<16x128xf32, #tpu.memory_space<hbm>>
        %dma_wait3A_45 = arith.constant 0 : i32
        %dma_wait3A_46 = arith.constant 0 : i32
        %dma_wait3A_47 = tpu.memref_slice %arg8[%dma_wait3A_45, %dma_wait3A_46] : memref<128x128xf32, #tpu.memory_space<vmem>> -> memref<16x128xf32, #tpu.memory_space<vmem>>
        tpu.wait_dma2 semaphore(%run_scoped3A : memref<!tpu.dma_semaphore, #tpu.memory_space<semaphore_mem>>) src(%dma_wait3A_47 : memref<16x128xf32, #tpu.memory_space<vmem>>) dst(%dma_wait3A_44 : memref<16x128xf32, #tpu.memory_space<hbm>>)
        tpu.yield
      }) : () -> ()
    } else {
    }
    return
  }
}

</mosaic_0001>

<sc_bundles>
// kernel: kernel.4.cloned.1.call-start
scs
__scs_entry_jumppad:
0x0: {  	(pc) =	sbr.rel $0x88, $3  }
0x1: {  	(tag) =	ssettag $0x0;
	lr =	simm.s32 $0x1  }
0x2: {  	[smem:$0x3F9F] =	sst lr;
	_ =	strace $0xD0000000  }
0x3: {  	_ = 	snop  }
0x4: {  	_ = 	snop  }
0x5: {  	_ = 	snop  }
0x6: {  	_ = 	snop  }
0x7: {  	_ = 	snop  }
__scs_overlays_trampoline_lowered:
0x8: {  	[smem:$0x3FAE] =	sst s0  }
0x9: {  	[smem:$0x3FAF] =	sst s1  }
0xa: {  	[smem:$0x3FB0] =	sst s2  }
0xb: {  	[smem:$0x3FB1] =	sst s3  }
0xc: {  	[smem:$0x3FB2] =	sst s4  }
0xd: {  	[smem:$0x3FB3] =	sst s5  }
0xe: {  	[smem:$0x3FB4] =	sst s6  }
0xf: {  	[smem:$0x3FB5] =	sst s7  }
0x10: {  	[smem:$0x3FB6] =	sst s8  }
0x11: {  	[smem:$0x3FB7] =	sst s9;
	s0 =	simm.s32 @!p0 $0x0  }
0x12: {  	s1 =	sld [smem:$0x3F9D];
	s0 =	simm.s32 @p0 $0x1  }
0x13: {  	[smem:$0x3FB8] =	sst s0;
	s0 =	simm.s32 @!p1 $0x0  }
0x14: {  	s2 =	sld [smem:$0x3F9C];
	s0 =	simm.s32 @p1 $0x1  }
0x15: {  	[smem:$0x3FB9] =	sst s0;
	s0 =	simm.s32 @!p2 $0x0  }
0x16: {  	s3 =	sld [smem:$0x3FDB];
	s0 =	simm.s32 @p2 $0x1  }
0x17: {  	s4 =	simm.s32 $0x1BF5;
	[smem:$0x3FBB] =	sst s0  }
0x18: {  	s0 =	sld [smem:$0x3F9E];
	_ =	swait.ge [sflag:s4], $0x0  }
0x19: {  	s7 =	sld [smem:$0x3F9F]  }
0x1a: {  	s8 =	sadd.s32 $0xFFFFE003, lr  }
0x1b: {  	s9 =	sadd.s32 $0xFFFFFEF7, lr;
	s5 =	simm.s32 $0xFFFFFFFF;
	p2 =	slt.u32 s8, $0xFFFFF086  }
0x1c: {  	p1 =	slt.u32 s9, $0xF7A;
	s5 =	simm.s32 @!p2 $0x0  }
0x1d: {  	s5 =	simm.s32 @p1 $0x1;
	p0 =	seq.s32 s7, s2  }
0x1e: {  	s7 =	smul.u32 @!p0 $0xF7A, s2;
	p2 =	seq.s32 @!p0 s5, $0x0  }
0x1f: {  	s9 =	smul.u32 $0xF7A, s1;
	s8 =	simm.s32 @!p0 $0x1BF5;
	p2 =	por !p2, p0  }
0x20: {  	[sflag:s8] =	ssyncset.s32 @!p0 $0xFFFFF086;
	s6 =	sadd.s32 @!p0 s3, s7;
	s7 =	simm.s32 @!p0 $0x108  }
0x21: {  	s3 =	sadd.s32 s3, s9;
	s6 =	sadd.s32 @!p0 $0x88, s6;
	s7 =	simm.s32 @p2 $0x1082  }
0x22: {  	[simem:s7], [sflag:s8] =	dma.local @!p0 [hbm:s6], $0xF7A  }
0x23: {  	s9 =	sor.u32 $0xD0000000, s2;
	s6 =	simm.s32 $0x108;
	_ =	swait.ge @!p0 [sflag:s8], $0x0  }
0x24: {  	s3 =	sadd.s32 $0x88, s3;
	s6 =	simm.s32 @!p1 $0x1082;
	[sflag:s4] =	ssyncset.s32 $0xFFFFF086  }
0x25: {  	[simem:s6], [sflag:s4] =	dma.local [hbm:s3], $0xF7A  }
0x26: {  	[smem:$0x3F9F] =	sst s1;
	(tag) =	ssettag s2;
	_ =	strace s9  }
0x27: {  	s1 =	sld [smem:$0x3FAF]  }
0x28: {  	s2 =	sld [smem:$0x3FB0]  }
0x29: {  	s4 =	sld [smem:$0x3FB2]  }
0x2a: {  	p0 =	seq.s32 s5, $0x0;
	s5 =	sld [smem:$0x3FB3]  }
0x2b: {  	s6 =	sld [smem:$0x3FB4]  }
0x2c: {  	s7 =	sld [smem:$0x3FB5]  }
0x2d: {  	s3 =	simm.s32 $0x108;
	s8 =	sld [smem:$0x3FB6]  }
0x2e: {  	s3 =	simm.s32 @!p0 $0x1082;
	s9 =	sld [smem:$0x3FB7]  }
0x2f: {  	lr =	sadd.s32 s0, s3;
	s0 =	sld [smem:$0x3FAE]  }
0x30: {  	s3 =	sld [smem:$0x3FB1]  }
0x31: {  	[smem:$0x3FBA] =	sst s10  }
0x32: {  	s10 =	sld [smem:$0x3FB8];
	_ =	sdelay $0x3  }
0x33: {  	p0 =	seq.s32 s10, $0x1;
	s10 =	sld [smem:$0x3FBA];
	_ =	sdelay $0x3  }
0x34: {  	[smem:$0x3FBA] =	sst s10  }
0x35: {  	s10 =	sld [smem:$0x3FB9];
	_ =	sdelay $0x3  }
0x36: {  	p1 =	seq.s32 s10, $0x1;
	s10 =	sld [smem:$0x3FBA];
	_ =	sdelay $0x3  }
0x37: {  	[smem:$0x3FBA] =	sst s10  }
0x38: {  	s10 =	sld [smem:$0x3FBB]  }
0x39: {  	_ = 	snop;
	(pc) =	sbr.ind lr, $3  }
0x3a: {  	_ = 	snop  }
0x3b: {  	_ = 	snop  }
0x3c: {  	p2 =	seq.s32 s10, $0x1;
	s10 =	sld [smem:$0x3FBA]  }
0x3d: {  	_ =	shalt  }
0x3e: {  	_ =	shalt  }
0x3f: {  	_ =	shalt  }
0x40: {  	_ =	shalt  }
0x41: {  	_ =	shalt  }
0x42: {  	_ =	shalt  }
0x43: {  	_ =	shalt  }
0x44: {  	_ =	shalt  }
0x45: {  	_ =	shalt  }
0x46: {  	_ =	shalt  }
0x47: {  	_ =	shalt  }
0x48: {  	_ =	shalt  }
0x49: {  	_ =	shalt  }
0x4a: {  	_ =	shalt  }
0x4b: {  	_ =	shalt  }
0x4c: {  	_ =	shalt  }
0x4d: {  	_ =	shalt  }
0x4e: {  	_ =	shalt  }
0x4f: {  	_ =	shalt  }
0x50: {  	_ =	shalt  }
0x51: {  	_ =	shalt  }
0x52: {  	_ =	shalt  }
0x53: {  	_ =	shalt  }
0x54: {  	_ =	shalt  }
0x55: {  	_ =	shalt  }
0x56: {  	_ =	shalt  }
0x57: {  	_ =	shalt  }
0x58: {  	_ =	shalt  }
0x59: {  	_ =	shalt  }
0x5a: {  	_ =	shalt  }
0x5b: {  	_ =	shalt  }
0x5c: {  	_ =	shalt  }
0x5d: {  	_ =	shalt  }
0x5e: {  	_ =	shalt  }
0x5f: {  	_ =	shalt  }
0x60: {  	_ =	shalt  }
0x61: {  	_ =	shalt  }
0x62: {  	_ =	shalt  }
0x63: {  	_ =	shalt  }
0x64: {  	_ =	shalt  }
0x65: {  	_ =	shalt  }
0x66: {  	_ =	shalt  }
0x67: {  	_ =	shalt  }
0x68: {  	_ =	shalt  }
0x69: {  	_ =	shalt  }
0x6a: {  	_ =	shalt  }
0x6b: {  	_ =	shalt  }
0x6c: {  	_ =	shalt  }
0x6d: {  	_ =	shalt  }
0x6e: {  	_ =	shalt  }
0x6f: {  	_ =	shalt  }
0x70: {  	_ =	shalt  }
0x71: {  	_ =	shalt  }
0x72: {  	_ =	shalt  }
0x73: {  	_ =	shalt  }
0x74: {  	_ =	shalt  }
0x75: {  	_ =	shalt  }
0x76: {  	_ =	shalt  }
0x77: {  	_ =	shalt  }
0x78: {  	_ =	shalt  }
0x79: {  	_ =	shalt  }
0x7a: {  	_ =	shalt  }
0x7b: {  	_ =	shalt  }
0x7c: {  	_ =	shalt  }
0x7d: {  	_ =	shalt  }
0x7e: {  	_ =	shalt  }
0x7f: {  	_ =	shalt  }
0x80: {  	_ =	shalt  }
0x81: {  	_ =	shalt  }
0x82: {  	_ =	shalt  }
0x83: {  	_ =	shalt  }
0x84: {  	_ =	shalt  }
0x85: {  	_ =	shalt  }
0x86: {  	_ =	shalt  }
0x87: {  	_ =	shalt  }
.Lfunc_end0:
.L_simem_size_0:
called_computation_lowered:
.L_overlay_start_0:
0x88: {  	s2 =	sld [smem:$0x3FD9]  }
0x89: {  	s3 =	sld [smem:$0x3FFE];
	_ =	sdelay $0x1  }
0x8a: {  	s1 =	srdreg.scid  }
0x8b: {  	s0 =	sand.u32 $0x1, s1  }
0x8c: {  	s17 =	sshll.u32 s0, $0xA;
	s2 =	sadd.s32 s3, s2  }
0x8d: {  	s2 =	sadd.s32 s2, s17  }
0x8e: {  	[smem:$0x3FC6] =	sst s2  }
0x8f: {  	_ = 	snop  }
0x90: {  	s2 =	sld [smem:$0x3FC8]  }
0x91: {  	s18 =	sld [smem:$0x3FD0];
	(tm) =	ssettm $0x1  }
0x92: {  	s4 =	sld [smem:$0x3FFB];
	_ =	sdelay $0x3  }
0x93: {  	_ =	strace s4  }
0x94: {  	s4 =	sld [smem:$0x3FFC];
	_ =	sdelay $0x3  }
0x95: {  	_ =	strace s4  }
0x96: {  	s4 =	sld [smem:$0x3FFD];
	_ =	sdelay $0x3  }
0x97: {  	_ =	strace s4  }
0x98: {  	_ =	strace $0x8FFFFFFF  }
0x99: {  	s19 =	sld [smem:$0x3FDB];
	_ =	sdelay $0x1  }
0x9a: {  	s5 =	simm.s32 $_scs_section_size  }
0x9b: {  	s6 =	simm.s32 $_size__tile_overlayer_lowered;
	s7 =	simm.s32 $_tile_overlayer_lowered  }
0x9c: {  	s22 =	simm.s32 $0x1BFF;
	s21 =	sshll.u32 s7, $0x1;
	s4 =	sadd.s32 s5, s19  }
0x9d: {  	s8 =	simm.s32 $0x0;
	s20 =	sshll.u32 s6, $0x1;
	s6 =	sadd.s32 s21, s4  }
0x9e: {  	[timem:s8], [sflag:s22] =	dma.local [hbm:s6], s20  }
0x9f: {  	_ =	swait.ge [sflag:s22], s20  }
0xa0: {  	s5 =	ssub.s32 $0x0, s20;
	[sflag:s22] =	ssyncset.done $0x0  }
0xa1: {  	[sflag:s22] =	ssyncadd.s32 s5;
	_ =	sdelay $0x1  }
0xa2: {  	s23 =	simm.s32 $0x1B8B  }
0xa3: {  	_ =	swait.ge [sflag:s23], $0x1  }
0xa4: {  	[sflag:s23] =	ssyncset.done $0x0  }
0xa5: {  	s25 =	simm.s32 $0x1B8E;
	s24 =	sld [smem:$0x3FFE];
	[sflag:s23] =	ssyncadd.s32 $0xFFFFFFFF  }
0xa6: {  	s26 =	simm.s32 $execute0_lowered;
	[smem:$0x3FD2] =	sst s25  }
0xa7: {  	s6 =	sshll.u32 s26, $0x1;
	_ =	strace $0x80000046;
	[dreg:$0x1] =	wrdreg $0xFFFFFFFF  }
0xa8: {  	s28 =	simm.s32 $_size_execute0_lowered;
	s4 =	sadd.s32 s4, s6;
	[dreg:$0x0] =	wrdreg $0x0  }
0xa9: {  	s6 =	sshll.u32 s28, $0x1;
	[dreg:$0x2] =	wrdreg s4  }
0xaa: {  	[dreg:$0x3] =	wrdreg s6  }
0xab: {  	[dreg:$0x4] =	wrdreg $0xC0  }
0xac: {  	_ =	task [dreg:s8], $0x5FFFF  }
0xad: {  	[dreg:$0x1] =	wrdreg $0xFFFFFFFF  }
0xae: {  	[dreg:$0x0] =	wrdreg $0x60  }
0xaf: {  	[dreg:$0x2] =	wrdreg s2  }
0xb0: {  	[dreg:$0x3] =	wrdreg s18  }
0xb1: {  	[dreg:$0x4] =	wrdreg s24  }
0xb2: {  	[dreg:$0x5] =	wrdreg $0x9  }
0xb3: {  	_ =	task.clear_ibuf [dreg:s8], $0x6FFFF;
	_ =	strace $0x90000046  }
0xb4: {  	s29 =	simm.s32 $0x9;
	_ =	strace $0x80000048  }
0xb5: {  	_ =	swait.ge [sflag:s29], $0x1  }
0xb6: {  	[sflag:s29] =	ssyncadd.s32 $0xFFFFFFFF  }
0xb7: {  	_ =	strace $0x90000048  }
0xb8: {  	_ =	sfence  }
0xb9: {  	s30 =	sld [smem:$0x0];
	_ =	sdelay $0x2  }
0xba: {  	s31 =	sshll.u32 s1, $0xD;
	s1 =	sshrl.u32 s1, $0x2  }
0xbb: {  	s3 =	sand.u32 $0x4000, s31;
	s1 =	sadd.s32 s1, s30  }
0xbc: {  	s0 =	sor.u32 s3, s0;
	s1 =	sshll.u32 s1, $0x11  }
0xbd: {  	s0 =	sor.u32 s1, s0  }
0xbe: {  	s0 =	sadd.s32 $0x8F2B, s0  }
0xbf: {  	[sflag:s0] =	ssyncadd.remote.s32 $0x1  }
0xc0: {  	_ =	sfence.sel $0xFFFF  }
0xc1: {  	[dreg:$0x0] =	wrdreg $0xFFFFFFFF;
	(pc) =	sbr.abs _section_cstart, $3  }
0xc2: {  	[dreg:$0x1] =	wrdreg $0xFFFFFFFF  }
0xc3: {  	_ =	task.clear_ibuf [dreg:s8], $0x2FFFF;
	_ =	strace $0x9FFFFFFF  }
0xc4: {  	(tm) =	ssettm $0x7FFFFFFF  }
0xc5: {  	_ =	shalt  }
tec
execute0_lowered:
.L_overlay_start_1:
0x0: {  	(tag) =	ssettag $0x1  }
0x1: {  	v0 =	vimm.s32 $0x1380  }
0x2: {  	vm0 =	vcmask $0x300;
	v1 =	vimm.s32 $0x3380;
	vm1 =	vcmask $0x704  }
0x3: {  	vm15 =	vcmask $0xB08;
	v0 =	vsel vm0, $0x0, v0;
	v1 =	vsel vm0, $0x2000, v1  }
0x4: {  	vm4 =	vcmask $0xF0C;
	v0 =	vsel vm1, $0x80, v0;
	v1 =	vsel vm1, $0x2080, v1  }
0x5: {  	s0 =	rddreg [dreg:$0x0];
	vm5 =	vcmask $0x1310;
	v0 =	vsel vm15, $0x100, v0;
	v1 =	vsel vm15, $0x2100, v1  }
0x6: {  	s1 =	rddreg [dreg:$0x1];
	vm6 =	vcmask $0x1714;
	v0 =	vsel vm4, $0x180, v0;
	v1 =	vsel vm4, $0x2180, v1  }
0x7: {  	s2 =	rddreg [dreg:$0x2];
	s4 =	simm.s32 $0x0;
	vm7 =	vcmask $0x1B18;
	v0 =	vsel vm5, $0x200, v0;
	v1 =	vsel vm5, $0x2200, v1  }
0x8: {  	s3 =	srdreg.scid;
	s5 =	stileid.u32;
	vm8 =	vcmask $0x1F1C;
	s16 =	simm.s32 $0x1;
	v0 =	vsel vm6, $0x280, v0;
	v1 =	vsel vm6, $0x2280, v1  }
0x9: {  	vm9 =	vcmask $0x2320;
	s17 =	simm.s32 $0x8000;
	s18 =	simm.s32 $0x2;
	s19 =	simm.s32 $0x4000;
	v0 =	vsel vm7, $0x300, v0;
	v1 =	vsel vm7, $0x2300, v1  }
0xa: {  	vm10 =	vcmask $0x2724;
	s20 =	simm.s32 $0xC000;
	s21 =	simm.s32 $0x3;
	s22 =	simm.s32 $0x4;
	v0 =	vsel vm8, $0x380, v0;
	v1 =	vsel vm8, $0x2380, v1  }
0xb: {  	vm11 =	vcmask $0x2B28;
	s23 =	simm.s32 $0x0;
	[smem:$0x7FF] =	sst s4;
	s3 =	sand.u32 $0x1, s3;
	v0 =	vsel vm9, $0x1000, v0;
	v1 =	vsel vm9, $0x3000, v1  }
0xc: {  	vm12 =	vcmask $0x2F2C;
	s5 =	sshll.u32 s5, $0x1;
	s6 =	sadd.s32 $0xA00, s2;
	s9 =	sadd.s32 $0x3D0A00, s2;
	v0 =	vsel vm10, $0x1080, v0;
	v1 =	vsel vm10, $0x3080, v1  }
.Ltmp0:
0xd: {  	s11 =	sadd.s32 $0x800, s1;
	s12 =	sadd.s32 $0x3D1200, s2;
	v0 =	vsel vm11, $0x1100, v0;
	v1 =	vsel vm11, $0x3100, v1;
	(pc) =	sbr.rel .LBB2_1-.Ltmp0, $4  }
0xe: {  	vm13 =	vcmask $0x3330;
	_ =	strace $0x80000047;
	s5 =	sor.u32 s3, s5;
	s3 =	ssub.s32 $0x2, s3;
	v0 =	vsel vm12, $0x1180, v0;
	v1 =	vsel vm12, $0x3180, v1  }
0xf: {  	vm14 =	vcmask $0x3734;
	s7 =	sshll.u32 s5, $0x9;
	s8 =	sshrl.u32 s3, $0x1;
	s10 =	sshll.u32 s5, $0xB;
	v0 =	vsel vm13, $0x1200, v0;
	v1 =	vsel vm13, $0x3200, v1  }
0x10: {  	vm15 =	vcmask $0x3B38;
	p0 =	sne.s32 s5, $0x4;
	s7 =	sadd.s32 s0, s7;
	s3 =	ssub.s32 s3, s8;
	v0 =	vsel vm14, $0x1280, v0;
	v1 =	vsel vm14, $0x3280, v1  }
0x11: {  	s10 =	sadd.s32 s6, s10;
	s8 =	sadd.s32 $0x8000, s7;
	s13 =	smax.u32 s3, $0x1;
	v0 =	vsel vm15, $0x1300, v0;
	v1 =	vsel vm15, $0x3300, v1  }
.LBB2_9:
0x12: {  	_ =	swait.ge [sflag:s21], $0x4000  }
0x13: {  	[sflag:s21] =	ssyncset.done $0x0  }
0x14: {  	[sflag:s21] =	ssyncadd.s32 $0xFFFFC000  }
0x15: {  	_ =	swait.ge [sflag:s22], $0x4000  }
0x16: {  	[sflag:s22] =	ssyncset.done $0x0  }
0x17: {  	[sflag:s22] =	ssyncadd.s32 $0xFFFFC000  }
0x18: {  	s1 =	simm.s32 @!p0 $0x0;
	s2 =	simm.s32 @!p0 $0x8000;
	s3 =	rddreg [dreg:$0x1]  }
0x19: {  	[tilespmem:s2], [sflag:$0x5] =	stream.linear.gather @!p0 [hbm4b:s3+s1], $0x4000, $0x38;
	[tilespmem:$0x10000] =	vst v63  }
0x1a: {  	s3 =	simm.s32 @!p0 $0x5  }
0x1b: {  	_ =	swait.ge @!p0 [sflag:s3], $0x4000  }
0x1c: {  	[sflag:s3] =	ssyncset.done @!p0 $0x0  }
0x1d: {  	[sflag:s3] =	ssyncadd.s32 @!p0 $0xFFFFC000  }
0x1e: {  	[hbm4b:s9+s1] =	stream.linear.scatter @!p0 [tilespmem:s2], [sflag:$0x5], $0x4000, $0x38;
	[tilespmem:$0x10000] =	vst v63  }
0x1f: {  	_ =	swait.ge @!p0 [sflag:s3], $0x4000  }
0x20: {  	[sflag:s3] =	ssyncset.done @!p0 $0x0  }
0x21: {  	s2 =	simm.s32 @!p0 $0xC000;
	[sflag:s3] =	ssyncadd.s32 @!p0 $0xFFFFC000  }
0x22: {  	[tilespmem:s2], [sflag:$0x5] =	stream.linear.gather @!p0 [hbm4b:s11+s1], $0x800, $0x38;
	[tilespmem:$0x10000] =	vst v63  }
0x23: {  	s23 =	sadd.s32 $0x1, s23;
	_ =	swait.ge @!p0 [sflag:s3], $0x800  }
0x24: {  	p1 =	sne.s32 s23, s13;
	[sflag:s3] =	ssyncset.done @!p0 $0x0  }
.Ltmp1:
0x25: {  	[sflag:s3] =	ssyncadd.s32 @!p0 $0xFFFFF800;
	(pc) =	sbr.rel @!p1 .LBB2_10-.Ltmp1, $4  }
0x26: {  	[hbm4b:s12+s1] =	stream.linear.scatter @!p0 [tilespmem:s2], [sflag:$0x5], $0x800, $0x38;
	[tilespmem:$0x10000] =	vst v63  }
0x27: {  	_ =	swait.ge @!p0 [sflag:s3], $0x800  }
0x28: {  	[sflag:s3] =	ssyncset.done @!p0 $0x0  }
0x29: {  	[sflag:s3] =	ssyncadd.s32 @!p0 $0xFFFFF800  }
.LBB2_1:
.Ltmp2:
0x2a: {  	(pc) =	sbr.rel .LBB2_2-.Ltmp2, $3  }
0x2b: {  	_ =	sdelay $0x1  }
0x2c: {  	s1 =	simm.s32 $0x1000;
	s2 =	simm.s32 $0x7A1400;
	s24 =	simm.s32 $0x0  }
0x2d: {  	[tilespmem:s4], [sflag:$0x1] =	stream.strided.gather [hbm4b:s7+s1], $0x4000, s2, s1, $0x38;
	[tilespmem:$0x10000] =	vst v63  }
.LBB2_8:
0x2e: {  	s24 =	sadd.s32 $0x1, s24  }
0x2f: {  	p1 =	sne.s32 s24, $0x1F  }
.Ltmp3:
0x30: {  	_ = 	snop;
	(pc) =	sbr.rel @!p1 .LBB2_9-.Ltmp3, $1  }
0x31: {  	_ =	sdelay $0x3  }
.LBB2_2:
0x32: {  	s2 =	simm.s32 $0x0  }
0x33: {  	s3 =	simm.s32 $0x1;
	s25 =	simm.s32 $0x3;
	s15 =	simm.s32 $0x2;
	v5 =	vmov s2  }
0x34: {  	s26 =	simm.s32 $0x5;
	s31 =	simm.s32 $0x7;
	s1 =	simm.s32 $0x8;
	v2 =	vmov s3;
	v4 =	vmov s25;
	v6 =	vmov s15  }
0x35: {  	s14 =	simm.s32 $0xC;
	s25 =	simm.s32 $0x4;
	v8 =	vmov s26;
	v10 =	vmov s31;
	v11 =	vmov s1  }
0x36: {  	s3 =	simm.s32 $0xA;
	v15 =	vmov s14;
	v3 =	vand.u32 $0x73, v4;
	v7 =	vmov s25  }
0x37: {  	s15 =	simm.s32 $0xB;
	s26 =	simm.s32 $0xD;
	v9 =	vand.u32 $0x71, v2;
	v2 =	vshll.u32 v2, $0x3;
	v13 =	vmov s3  }
0x38: {  	v14 =	vshll.u32 v5, $0x3;
	v16 =	vmov s26;
	v17 =	vmov s15  }
0x39: {  	v18 =	vshll.u32 v8, $0x3;
	v19 =	vand.u32 $0x72, v6;
	v21 =	vshll.u32 v15, $0x3  }
0x3a: {  	s31 =	sshllo.u32 s24, $0x1;
	v6 =	vshll.u32 v6, $0x3;
	v23 =	vshll.u32 v10, $0x3;
	v15 =	vand.u32 $0x7C, v15  }
0x3b: {  	s1 =	sshll.u32 s31, $0x5;
	v24 =	vand.u32 $0x78, v11;
	v8 =	vand.u32 $0x7D, v8;
	v11 =	vshll.u32 v11, $0x3  }
0x3c: {  	s26 =	simm.s32 $0xE;
	p2 =	sgt.u32 s31, $0x3C;
	v10 =	vand.u32 $0x7F, v10;
	v5 =	vand.u32 $0x70, v5;
	v12 =	vshll.u32 v7, $0x3;
	s25 =	sor.u32 s5, s1  }
0x3d: {  	v20 =	vshll.u32 v17, $0x3;
	v22 =	vand.u32 $0x7E, v13;
	v25 =	vmov s26;
	s3 =	simm.s32 @!p2 $0x1000;
	s2 =	sshll.u32 @!p2 s25, $0x9  }
0x3e: {  	v21 =	vand.u32 $0x7FFFFC00, v21;
	v13 =	vshll.u32 v13, $0x3;
	s26 =	simm.s32 @!p2 $0x7A1400;
	s28 =	simm.s32 @!p2 $0x4000;
	v26 =	vshll.u32 v25, $0x3;
	s2 =	sadd.s32 @!p2 s0, s2  }
0x3f: {  	v18 =	vand.u32 $0x7FFFFC00, v18;
	v25 =	vand.u32 $0x7E, v25;
	v26 =	vand.u32 $0x7FFFFC00, v26;
	[tilespmem:s28], [sflag:$0x2] =	stream.strided.gather @!p2 [hbm4b:s2+s3], $0x4000, s26, s3, $0x38;
	[tilespmem:$0x10000] =	vst v63  }
0x40: {  	v15 =	vor.u32 v15, v21;
	v21 =	vshll.u32 v16, $0x3;
	v25 =	vor.u32 v25, v26;
	_ =	swait.ge [sflag:s16], $0x4000  }
0x41: {  	p1 =	seq.s32 s24, $0x0;
	v16 =	vand.u32 $0x7D, v16;
	v21 =	vand.u32 $0x7FFFFC00, v21;
	v26 =	vadd.s32 v0, v25;
	[sflag:s16] =	ssyncset.done $0x0  }
0x42: {  	v7 =	vand.u32 $0x74, v7;
	v27 =	vadd.s32 v1, v15;
	s2 =	simm.s32 @!p1 $0x3;
	v16 =	vor.u32 v16, v21;
	[sflag:s16] =	ssyncadd.s32 $0xFFFFC000  }
0x43: {  	v17 =	vand.u32 $0x7F, v17;
	v13 =	vand.u32 $0x7FFFFC00, v13;
	v21 =	vadd.s32 v0, v16;
	_ =	swait.ge @!p1 [sflag:s2], $0x4000  }
0x44: {  	v12 =	vand.u32 $0x7FFFFC00, v12;
	v20 =	vand.u32 $0x7FFFFC00, v20;
	v16 =	vadd.s32 v1, v16;
	[sflag:s2] =	ssyncset.done @!p1 $0x0  }
0x45: {  	v7 =	vor.u32 v7, v12;
	v12 =	vor.u32 v17, v20;
	v25 =	vadd.s32 v1, v25;
	[sflag:s2] =	ssyncadd.s32 @!p1 $0xFFFFC000  }
0x46: {  	v6 =	vand.u32 $0xC00, v6;
	v13 =	vor.u32 v22, v13;
	v22 =	vadd.s32 v0, v12;
	v17 =	vld.idx.msk [tilespmem:v26+s4+$0x0], $0xffff  }
0x47: {  	v6 =	vor.u32 v19, v6;
	v20 =	vadd.s32 v1, v7;
	v55 =	vadd.s32 v1, v12;
	v12 =	vld.idx.msk [tilespmem:v27+s4+$0x0], $0xffff  }
0x48: {  	v23 =	vand.u32 $0x7FFFFC00, v23;
	v2 =	vand.u32 $0xC00, v2;
	v28 =	vor.u32 v0, v6;
	v21 =	vld.idx.msk [tilespmem:v21+s4+$0x0], $0xffff  }
0x49: {  	v8 =	vor.u32 v8, v18;
	v9 =	vor.u32 v9, v2;
	v18 =	vadd.s32 v0, v13;
	v16 =	vld.idx.msk [tilespmem:v16+s4+$0x0], $0xffff  }
0x4a: {  	v4 =	vshll.u32 v4, $0x3;
	v23 =	vor.u32 v10, v23;
	v56 =	vor.u32 v0, v9;
	v10 =	vld.idx.msk [tilespmem:v25+s4+$0x0], $0xffff  }
0x4b: {  	v14 =	vand.u32 $0xC00, v14;
	v2 =	vand.u32 $0x7FFFFC00, v11;
	v7 =	vadd.s32 v0, v7;
	v22 =	vld.idx.msk [tilespmem:v22+s4+$0x0], $0xffff  }
0x4c: {  	s15 =	simm.s32 $0x9;
	s31 =	simm.s32 $0xF;
	v57 =	vor.u32 v1, v9;
	v9 =	vor.u32 v1, v6;
	v13 =	vadd.s32 v1, v13;
	v6 =	vld.idx.msk [tilespmem:v20+s4+$0x0], $0xffff  }
0x4d: {  	s14 =	simm.s32 $0x6;
	v59 =	vmov s15;
	v61 =	vmov s31;
	v2 =	vor.u32 v24, v2;
	s26 =	simm.s32 $0x8100;
	v62 =	vld.idx.msk [tilespmem:v28+s4+$0x0], $0xffff  }
0x4e: {  	v11 =	vadd.s32 v0, v23;
	v15 =	vadd.s32 v0, v15;
	v20 =	vmov s14;
	v18 =	vld.idx.msk [tilespmem:v18+s4+$0x0], $0xffff;
	[tilespmem:s26+$0xC0] =	vst v17  }
0x4f: {  	v19 =	vadd.s32 v0, v2;
	v58 =	vand.u32 $0x7E, v20;
	v20 =	vshll.u32 v20, $0x3;
	v17 =	vld.idx.msk [tilespmem:v56+s4+$0x0], $0xffff;
	[tilespmem:s26+$0x90] =	vst v12  }
0x50: {  	v2 =	vadd.s32 v1, v2;
	v12 =	vor.u32 v5, v14;
	v14 =	vld.idx.msk [tilespmem:v7+s4+$0x0], $0xffff;
	v5 =	vand.u32 $0x7FFFFC00, v20;
	[tilespmem:s26+$0xA0] =	vst v21  }
0x51: {  	v7 =	vshll.u32 v59, $0x3;
	[tilespmem:s26+$0xB0] =	vst v16;
	v21 =	vld.idx.msk [tilespmem:v13+s4+$0x0], $0xffff;
	v13 =	vand.u32 $0xC00, v4;
	v16 =	vshll.u32 v61, $0x3  }
0x52: {  	v20 =	vld.idx.msk [tilespmem:v57+s4+$0x0], $0xffff;
	[tilespmem:s26+$0xD0] =	vst v10;
	v60 =	vor.u32 v58, v5;
	v5 =	vand.u32 $0x7D, v59;
	v7 =	vand.u32 $0x7FFFFC00, v7  }
0x53: {  	[tilespmem:s26+$0xFFFFFF90] =	vst v6;
	v6 =	vadd.s32 v1, v23;
	v63 =	vadd.s32 v0, v60;
	v5 =	vor.u32 v5, v7  }
0x54: {  	[tilespmem:s26+$0x60] =	vst v22;
	v10 =	vadd.s32 v0, v5;
	v7 =	vadd.s32 v1, v5;
	v5 =	vor.u32 v0, v12  }
0x55: {  	[tilespmem:s26+$0xFFFFFF40] =	vst v62;
	v3 =	vor.u32 v3, v13;
	v23 =	vand.u32 $0x7FFFFC00, v16;
	v16 =	vld.idx.msk [tilespmem:v15+s4+$0x0], $0xffff;
	v15 =	vor.u32 v1, v12  }
0x56: {  	v4 =	vadd.s32 v1, v60;
	v22 =	vor.u32 v1, v3;
	[tilespmem:s26+$0xFFFFFF20] =	vst v17;
	v17 =	vld.idx.msk [tilespmem:v19+s4+$0x0], $0xffff  }
0x57: {  	v13 =	vor.u32 v0, v3;
	v3 =	vand.u32 $0x7F, v61;
	v12 =	vadd.s32 v0, v8;
	[tilespmem:s26+$0xFFFFFF30] =	vst v20;
	v20 =	vld.idx.msk [tilespmem:v55+s4+$0x0], $0xffff  }
0x58: {  	s29 =	simm.s32 $0x10;
	s30 =	simm.s32 $0x8300;
	s28 =	simm.s32 $0x0;
	v3 =	vor.u32 v3, v23;
	[tilespmem:s26+$0xFFFFFF80] =	vst v14;
	v14 =	vadd.s32 v1, v8;
	v19 =	vld.idx.msk [tilespmem:v63+s4+$0x0], $0xffff  }
.LBB2_3:
0x59: {  	v8 =	vmov s29;
	s2 =	sadd.s32 $0x1, s29;
	s3 =	sadd.s32 $0x2, s29;
	s31 =	sadd.s32 $0x3, s29;
	v23 =	vld.idx.msk [tilespmem:v5+s4+$0x0], $0xffff;
	[tilespmem:s26+$0x50] =	vst v21;
	v21 =	vadd.s32 v0, v3;
	v24 =	vadd.s32 v1, v3  }
0x5a: {  	v25 =	vmov s2;
	v26 =	vmov s3;
	v5 =	vmov s31;
	s2 =	sadd.s32 $0x4, s29;
	s31 =	sadd.s32 $0x5, s29;
	s3 =	sadd.s32 $0xF, s29;
	v11 =	vld.idx.msk [tilespmem:v11+s4+$0x0], $0xffff  }
0x5b: {  	s1 =	sadd.s32 $0x8, s29;
	v3 =	vand.u32 $0x73, v5;
	v27 =	vmov s2;
	v28 =	vmov s31;
	s31 =	sadd.s32 $0x6, s29;
	s2 =	sadd.s32 $0x7, s29;
	v22 =	vld.idx.msk [tilespmem:v22+s4+$0x0], $0xffff;
	[tilespmem:s26+$0x40] =	vst v18  }
0x5c: {  	s14 =	sadd.s32 $0xB, s29;
	v30 =	vmov s1;
	s1 =	sadd.s32 $0xA, s29;
	v18 =	vand.u32 $0x71, v25;
	v29 =	vmov s2;
	s2 =	sadd.s32 $0x9, s29;
	v9 =	vld.idx.msk [tilespmem:v9+s4+$0x0], $0xffff;
	[tilespmem:s26+$0x0] =	vst v17  }
0x5d: {  	s15 =	sadd.s32 $0xD, s29;
	s28 =	sadd.s32 $0x20, s28;
	v31 =	vmov s1;
	s1 =	sadd.s32 $0xC, s29;
	v17 =	vshll.u32 v25, $0x3;
	v25 =	vshll.u32 v27, $0x3;
	v32 =	vld.idx.msk [tilespmem:v13+s4+$0x0], $0xffff;
	[tilespmem:s26+$0xFFFFFFC0] =	vst v19  }
0x5e: {  	v33 =	vmov s15;
	p3 =	slt.u32 s28, $0x3E0;
	v13 =	vshll.u32 v8, $0x3;
	v19 =	vmov s1;
	v2 =	vld.idx.msk [tilespmem:v2+s4+$0x0], $0xffff;
	[tilespmem:s26+$0x70] =	vst v20  }
0x5f: {  	v34 =	vmov s14;
	v13 =	vand.u32 $0xC00, v13;
	v20 =	vshll.u32 v28, $0x3;
	[tilespmem:s26+$0x80] =	vst v16;
	v16 =	vld.idx.msk [tilespmem:v21+s4+$0x0], $0xffff  }
0x60: {  	v35 =	vshll.u32 v34, $0x3;
	v36 =	vshll.u32 v19, $0x3;
	v21 =	vand.u32 $0x72, v26;
	[tilespmem:s26+$0xFFFFFFE0] =	vst v11;
	v11 =	vld.idx.msk [tilespmem:v24+s4+$0x0], $0xffff  }
0x61: {  	v36 =	vand.u32 $0x7FFFFC00, v36;
	v24 =	vshll.u32 v26, $0x3;
	v26 =	vand.u32 $0x7E, v31;
	v15 =	vld.idx.msk [tilespmem:v15+s4+$0x0], $0xffff;
	[tilespmem:s26+$0xFFFFFF70] =	vst v22  }
0x62: {  	v37 =	vand.u32 $0x78, v30;
	v19 =	vand.u32 $0x7C, v19;
	v22 =	vshll.u32 v29, $0x3;
	[tilespmem:s26+$0xFFFFFF50] =	vst v9;
	v9 =	vld.idx.msk [tilespmem:v10+s4+$0x0], $0xffff  }
0x63: {  	s1 =	sadd.s32 $0xE, s29;
	v19 =	vor.u32 v19, v36;
	v10 =	vshll.u32 v31, $0x3;
	v31 =	vshll.u32 v33, $0x3;
	[tilespmem:s26+$0xFFFFFF00] =	vst v23;
	v7 =	vld.idx.msk [tilespmem:v7+s4+$0x0], $0xffff  }
0x64: {  	v20 =	vand.u32 $0x7FFFFC00, v20;
	v23 =	vand.u32 $0x7D, v33;
	v33 =	vmov s1;
	v14 =	vld.idx.msk [tilespmem:v14+s4+$0x0], $0xffff;
	[tilespmem:s26+$0x10] =	vst v2  }
0x65: {  	v2 =	vand.u32 $0x7D, v28;
	v28 =	vand.u32 $0x7E, v33;
	v33 =	vshll.u32 v33, $0x3;
	v12 =	vld.idx.msk [tilespmem:v12+s4+$0x0], $0xffff;
	[tilespmem:s26+$0xE0] =	vst v16  }
0x66: {  	v16 =	vshll.u32 v30, $0x3;
	v30 =	vadd.s32 v1, v19;
	v33 =	vand.u32 $0x7FFFFC00, v33;
	v6 =	vld.idx.msk [tilespmem:v6+s4+$0x0], $0xffff;
	[tilespmem:s26+$0xF0] =	vst v11  }
0x67: {  	v10 =	vand.u32 $0x7FFFFC00, v10;
	v11 =	vand.u32 $0x74, v27;
	v27 =	vor.u32 v28, v33;
	[tilespmem:s26+$0xFFFFFF10] =	vst v15;
	v4 =	vld.idx.msk [tilespmem:v4+s4+$0x0], $0xffff  }
0x68: {  	v15 =	vand.u32 $0x7FFFFC00, v22;
	v22 =	vadd.s32 v0, v27;
	v27 =	vadd.s32 v1, v27;
	[tilespmem:s26+$0x20] =	vst v9  }
0x69: {  	v10 =	vor.u32 v26, v10;
	v26 =	vand.u32 $0x7FFFFC00, v31;
	v9 =	vand.u32 $0x7F, v29;
	[tilespmem:s26+$0x30] =	vst v7  }
0x6a: {  	v20 =	vor.u32 v2, v20;
	v2 =	vor.u32 v23, v26;
	v23 =	vmov s3;
	[tilespmem:s26+$0xFFFFFF60] =	vst v32  }
0x6b: {  	v26 =	vadd.s32 v0, v10;
	v28 =	vadd.s32 v1, v2;
	v7 =	vadd.s32 v0, v2;
	[tilespmem:s26+$0xFFFFFFB0] =	vst v14  }
0x6c: {  	v2 =	vand.u32 $0x7FFFFC00, v25;
	v25 =	vand.u32 $0x7FFFFC00, v35;
	v14 =	vand.u32 $0x7F, v34;
	[tilespmem:s26+$0xFFFFFFA0] =	vst v12  }
0x6d: {  	v2 =	vor.u32 v11, v2;
	v12 =	vand.u32 $0xC00, v17;
	v11 =	vor.u32 v14, v25;
	v14 =	vld.idx.msk [tilespmem:v22+s4+$0x0], $0xffff;
	[tilespmem:s26+$0xFFFFFFD0] =	vst v4  }
0x6e: {  	v4 =	vadd.s32 v1, v2;
	v17 =	vadd.s32 v0, v11;
	v25 =	vadd.s32 v1, v11;
	[tilespmem:s26+$0xFFFFFFF0] =	vst v6;
	s26 =	smov.u32 s30  }
0x6f: {  	v6 =	vor.u32 v18, v12;
	v12 =	vadd.s32 v0, v2;
	v2 =	vand.u32 $0x7FFFFC00, v16;
	v16 =	vld.idx.msk [tilespmem:v30+s4+$0x0], $0xffff  }
0x70: {  	v11 =	vand.u32 $0xC00, v24;
	v18 =	vor.u32 v0, v6;
	v2 =	vor.u32 v37, v2;
	v7 =	vld.idx.msk [tilespmem:v7+s4+$0x0], $0xffff  }
0x71: {  	v21 =	vor.u32 v21, v11;
	v22 =	vadd.s32 v0, v2;
	v2 =	vadd.s32 v1, v2;
	v24 =	vld.idx.msk [tilespmem:v28+s4+$0x0], $0xffff  }
0x72: {  	v15 =	vor.u32 v9, v15;
	v6 =	vor.u32 v1, v6;
	v28 =	vor.u32 v0, v21;
	v27 =	vld.idx.msk [tilespmem:v27+s4+$0x0], $0xffff  }
0x73: {  	v19 =	vadd.s32 v0, v19;
	v29 =	vadd.s32 v1, v10;
	v11 =	vadd.s32 v0, v15;
	v17 =	vld.idx.msk [tilespmem:v17+s4+$0x0], $0xffff  }
0x74: {  	v8 =	vand.u32 $0x70, v8;
	v10 =	vmov s31;
	v9 =	vor.u32 v1, v21;
	v4 =	vld.idx.msk [tilespmem:v4+s4+$0x0], $0xffff;
	[tilespmem:s30+$0xC0] =	vst v14  }
0x75: {  	v21 =	vmov s2;
	v14 =	vld.idx.msk [tilespmem:v18+s4+$0x0], $0xffff;
	v18 =	vand.u32 $0x7E, v10;
	v10 =	vshll.u32 v10, $0x3;
	[tilespmem:s30+$0x90] =	vst v16  }
0x76: {  	v8 =	vor.u32 v8, v13;
	v13 =	vshll.u32 v21, $0x3;
	v12 =	vld.idx.msk [tilespmem:v12+s4+$0x0], $0xffff;
	v10 =	vand.u32 $0x7FFFFC00, v10;
	[tilespmem:s30+$0xA0] =	vst v7  }
0x77: {  	v7 =	vand.u32 $0x7D, v21;
	v30 =	vld.idx.msk [tilespmem:v6+s4+$0x0], $0xffff;
	v6 =	vor.u32 v18, v10;
	v10 =	vand.u32 $0x7FFFFC00, v13;
	[tilespmem:s30+$0xB0] =	vst v24  }
0x78: {  	v5 =	vshll.u32 v5, $0x3;
	v24 =	vld.idx.msk [tilespmem:v28+s4+$0x0], $0xffff;
	v28 =	vadd.s32 v0, v6;
	v7 =	vor.u32 v7, v10;
	[tilespmem:s30+$0xD0] =	vst v27  }
0x79: {  	v13 =	vand.u32 $0xC00, v5;
	v10 =	vadd.s32 v0, v7;
	v7 =	vadd.s32 v1, v7;
	v21 =	vld.idx.msk [tilespmem:v29+s4+$0x0], $0xffff;
	[tilespmem:s30+$0x60] =	vst v17  }
.Ltmp4:
0x7a: {  	v16 =	vshll.u32 v23, $0x3;
	v5 =	vor.u32 v0, v8;
	[tilespmem:s30+$0xFFFFFF90] =	vst v4;
	v4 =	vadd.s32 v1, v6;
	v18 =	vld.idx.msk [tilespmem:v26+s4+$0x0], $0xffff;
	(pc) =	sbr.rel @p3 .LBB2_3-.Ltmp4, $4  }
0x7b: {  	v3 =	vor.u32 v3, v13;
	v6 =	vadd.s32 v1, v15;
	v26 =	vand.u32 $0x7FFFFC00, v16;
	[tilespmem:s30+$0xFFFFFF20] =	vst v14;
	v17 =	vld.idx.msk [tilespmem:v22+s4+$0x0], $0xffff  }
0x7c: {  	v13 =	vor.u32 v0, v3;
	v22 =	vor.u32 v1, v3;
	[tilespmem:s30+$0xFFFFFF80] =	vst v12;
	v16 =	vld.idx.msk [tilespmem:v19+s4+$0x0], $0xffff  }
0x7d: {  	v15 =	vor.u32 v1, v8;
	v3 =	vand.u32 $0x7F, v23;
	v12 =	vadd.s32 v0, v20;
	[tilespmem:s30+$0xFFFFFF30] =	vst v30;
	v19 =	vld.idx.msk [tilespmem:v28+s4+$0x0], $0xffff  }
0x7e: {  	s29 =	sadd.s32 $0x10, s29;
	v14 =	vadd.s32 v1, v20;
	v3 =	vor.u32 v3, v26;
	s30 =	sadd.s32 $0x200, s30;
	[tilespmem:s26+$0xFFFFFF40] =	vst v24;
	v20 =	vld.idx.msk [tilespmem:v25+s4+$0x0], $0xffff  }
0x7f: {  	_ =	sdelay $0x2  }
0x80: {  	[tilespmem:s26+$0x50] =	vst v21  }
0x81: {  	v11 =	vld.idx.msk [tilespmem:v11+s4+$0x0], $0xffff;
	[tilespmem:s26+$0x40] =	vst v18  }
0x82: {  	v59 =	vld.idx.msk [tilespmem:v22+s4+$0x0], $0xffff;
	[tilespmem:s26+$0x0] =	vst v17  }
0x83: {  	v9 =	vld.idx.msk [tilespmem:v9+s4+$0x0], $0xffff;
	[tilespmem:s26+$0x80] =	vst v16  }
0x84: {  	v5 =	vld.idx.msk [tilespmem:v5+s4+$0x0], $0xffff;
	[tilespmem:s26+$0xFFFFFFC0] =	vst v19  }
0x85: {  	v8 =	vadd.s32 v0, v3;
	v3 =	vadd.s32 v1, v3;
	v2 =	vld.idx.msk [tilespmem:v2+s4+$0x0], $0xffff;
	[tilespmem:s26+$0x70] =	vst v20  }
0x86: {  	v60 =	vld.idx.msk [tilespmem:v15+s4+$0x0], $0xffff;
	[tilespmem:s26+$0xFFFFFFE0] =	vst v11  }
0x87: {  	v61 =	vld.idx.msk [tilespmem:v10+s4+$0x0], $0xffff;
	[tilespmem:s26+$0xFFFFFF70] =	vst v59  }
0x88: {  	v62 =	vld.idx.msk [tilespmem:v7+s4+$0x0], $0xffff;
	[tilespmem:s26+$0xFFFFFF50] =	vst v9  }
0x89: {  	v63 =	vld.idx.msk [tilespmem:v14+s4+$0x0], $0xffff;
	[tilespmem:s26+$0xFFFFFF00] =	vst v5  }
0x8a: {  	v3 =	vld.idx.msk [tilespmem:v3+s4+$0x0], $0xffff;
	[tilespmem:s26+$0x10] =	vst v2  }
0x8b: {  	v4 =	vld.idx.msk [tilespmem:v4+s4+$0x0], $0xffff;
	[tilespmem:s26+$0xFFFFFF10] =	vst v60  }
0x8c: {  	v6 =	vld.idx.msk [tilespmem:v6+s4+$0x0], $0xffff;
	[tilespmem:s26+$0x20] =	vst v61  }
0x8d: {  	v8 =	vld.idx.msk [tilespmem:v8+s4+$0x0], $0xffff;
	[tilespmem:s26+$0x30] =	vst v62  }
0x8e: {  	v2 =	vld.idx.msk [tilespmem:v13+s4+$0x0], $0xffff;
	[tilespmem:s26+$0xFFFFFFB0] =	vst v63  }
0x8f: {  	[tilespmem:s26+$0xF0] =	vst v3;
	v3 =	vld.idx.msk [tilespmem:v12+s4+$0x0], $0xffff  }
0x90: {  	[tilespmem:s26+$0xFFFFFFD0] =	vst v4  }
0x91: {  	[tilespmem:s26+$0xFFFFFFF0] =	vst v6  }
0x92: {  	[tilespmem:s26+$0xE0] =	vst v8  }
0x93: {  	s1 =	sshll.u32 s24, $0x11;
	[tilespmem:s26+$0xFFFFFF60] =	vst v2  }
.Ltmp5:
0x94: {  	p3 =	seq.s32 s24, $0x1E;
	s1 =	sadd.s32 s1, s10;
	[tilespmem:s26+$0xFFFFFFA0] =	vst v3;
	(pc) =	sbr.rel @p2 .LBB2_8-.Ltmp5, $4  }
0x95: {  	[hbm4b:s1+s4] =	stream.linear.scatter [tilespmem:s17], [sflag:$0x3], $0x4000, $0x38;
	[tilespmem:$0x10000] =	vst v63  }
0x96: {  	s2 =	simm.s32 @!p3 $0x1000;
	s1 =	sshll.u32 @!p3 s24, $0xF  }
0x97: {  	s3 =	simm.s32 @!p3 $0x7A1400;
	s14 =	simm.s32 @!p3 $0x0;
	s1 =	sadd.s32 @!p3 s1, s8  }
0x98: {  	[tilespmem:s14], [sflag:$0x1] =	stream.strided.gather @!p3 [hbm4b:s1+s2], $0x4000, s3, s2, $0x38;
	[tilespmem:$0x10000] =	vst v63  }
0x99: {  	s1 =	simm.s32 $0x0  }
0x9a: {  	s2 =	simm.s32 $0x1;
	s3 =	simm.s32 $0x3;
	s14 =	simm.s32 $0x2;
	v4 =	vmov s1  }
0x9b: {  	s15 =	simm.s32 $0x4;
	s26 =	simm.s32 $0x5;
	s31 =	simm.s32 $0x7;
	v2 =	vmov s2;
	v5 =	vmov s3;
	v6 =	vmov s14  }
0x9c: {  	v7 =	vmov s15;
	v8 =	vmov s26;
	s3 =	simm.s32 $0x8;
	v10 =	vmov s31  }
0x9d: {  	s14 =	simm.s32 $0xA;
	v3 =	vand.u32 $0x73, v5;
	v9 =	vand.u32 $0x71, v2;
	v11 =	vmov s3  }
0x9e: {  	s15 =	simm.s32 $0xC;
	s31 =	simm.s32 $0xD;
	v2 =	vshll.u32 v2, $0x3;
	v12 =	vshll.u32 v7, $0x3;
	v13 =	vmov s14  }
0x9f: {  	s26 =	simm.s32 $0xB;
	v14 =	vshll.u32 v4, $0x3;
	v15 =	vmov s15;
	v16 =	vmov s31  }
0xa0: {  	v17 =	vmov s26;
	v18 =	vshll.u32 v8, $0x3;
	v19 =	vand.u32 $0x72, v6  }
0xa1: {  	v6 =	vshll.u32 v6, $0x3;
	v23 =	vshll.u32 v10, $0x3;
	v8 =	vand.u32 $0x7D, v8  }
0xa2: {  	v7 =	vand.u32 $0x74, v7;
	v10 =	vand.u32 $0x7F, v10;
	v4 =	vand.u32 $0x70, v4  }
0xa3: {  	v5 =	vshll.u32 v5, $0x3;
	v14 =	vand.u32 $0xC00, v14;
	v20 =	vshll.u32 v17, $0x3  }
0xa4: {  	s3 =	simm.s32 $0xE;
	v21 =	vshll.u32 v15, $0x3;
	v22 =	vand.u32 $0x7E, v13;
	v15 =	vand.u32 $0x7C, v15  }
0xa5: {  	v24 =	vand.u32 $0x78, v11;
	v13 =	vshll.u32 v13, $0x3;
	v25 =	vmov s3  }
0xa6: {  	v12 =	vand.u32 $0x7FFFFC00, v12;
	v17 =	vand.u32 $0x7F, v17;
	v2 =	vand.u32 $0xC00, v2  }
0xa7: {  	v6 =	vand.u32 $0xC00, v6;
	v21 =	vand.u32 $0x7FFFFC00, v21;
	v26 =	vshll.u32 v25, $0x3  }
0xa8: {  	v25 =	vand.u32 $0x7E, v25;
	v13 =	vand.u32 $0x7FFFFC00, v13;
	v20 =	vand.u32 $0x7FFFFC00, v20  }
0xa9: {  	_ =	swait.ge [sflag:s18], $0x4000;
	v7 =	vor.u32 v7, v12;
	v9 =	vor.u32 v9, v2;
	v6 =	vor.u32 v19, v6  }
0xaa: {  	[sflag:s18] =	ssyncset.done $0x0;
	v15 =	vor.u32 v15, v21;
	v12 =	vor.u32 v17, v20;
	v20 =	vadd.s32 v1, v7  }
0xab: {  	s1 =	simm.s32 @!p1 $0x4;
	[sflag:s18] =	ssyncadd.s32 $0xFFFFC000;
	v21 =	vshll.u32 v16, $0x3;
	v16 =	vand.u32 $0x7D, v16;
	v28 =	vor.u32 v0, v6  }
0xac: {  	_ =	swait.ge @!p1 [sflag:s1], $0x4000;
	v26 =	vand.u32 $0x7FFFFC00, v26;
	v13 =	vor.u32 v22, v13;
	v27 =	vadd.s32 v1, v15  }
0xad: {  	[sflag:s1] =	ssyncset.done @!p1 $0x0;
	v25 =	vor.u32 v25, v26;
	v21 =	vand.u32 $0x7FFFFC00, v21;
	v22 =	vadd.s32 v0, v12  }
0xae: {  	[sflag:s1] =	ssyncadd.s32 @!p1 $0xFFFFC000;
	v57 =	vor.u32 v0, v9;
	v26 =	vadd.s32 v0, v25;
	v16 =	vor.u32 v16, v21  }
0xaf: {  	v58 =	vor.u32 v1, v9;
	v9 =	vor.u32 v1, v6;
	v21 =	vadd.s32 v0, v16;
	v6 =	vld.idx.msk [tilespmem:v20+s19+$0x0], $0xffff  }
0xb0: {  	v18 =	vand.u32 $0x7FFFFC00, v18;
	v11 =	vshll.u32 v11, $0x3;
	v16 =	vadd.s32 v1, v16;
	v62 =	vld.idx.msk [tilespmem:v28+s19+$0x0], $0xffff  }
0xb1: {  	s15 =	simm.s32 $0x9;
	v23 =	vand.u32 $0x7FFFFC00, v23;
	v56 =	vadd.s32 v1, v12;
	v25 =	vadd.s32 v1, v25;
	v12 =	vld.idx.msk [tilespmem:v27+s19+$0x0], $0xffff  }
0xb2: {  	v60 =	vmov s15;
	v2 =	vand.u32 $0x7FFFFC00, v11;
	v7 =	vadd.s32 v0, v7;
	v22 =	vld.idx.msk [tilespmem:v22+s19+$0x0], $0xffff  }
0xb3: {  	s26 =	simm.s32 $0xC100;
	s31 =	simm.s32 $0xF;
	v8 =	vor.u32 v8, v18;
	v23 =	vor.u32 v10, v23;
	v2 =	vor.u32 v24, v2;
	v17 =	vld.idx.msk [tilespmem:v26+s19+$0x0], $0xffff  }
0xb4: {  	s14 =	simm.s32 $0x6;
	v61 =	vmov s31;
	v11 =	vadd.s32 v0, v23;
	v18 =	vadd.s32 v0, v13;
	v21 =	vld.idx.msk [tilespmem:v21+s19+$0x0], $0xffff;
	[tilespmem:s26+$0xFFFFFF90] =	vst v6  }
0xb5: {  	v19 =	vadd.s32 v0, v2;
	v2 =	vadd.s32 v1, v2;
	v20 =	vmov s14;
	v16 =	vld.idx.msk [tilespmem:v16+s19+$0x0], $0xffff;
	[tilespmem:s26+$0xFFFFFF40] =	vst v62  }
0xb6: {  	v13 =	vadd.s32 v1, v13;
	v59 =	vand.u32 $0x7E, v20;
	v20 =	vshll.u32 v20, $0x3;
	v10 =	vld.idx.msk [tilespmem:v25+s19+$0x0], $0xffff;
	[tilespmem:s26+$0x90] =	vst v12  }
0xb7: {  	v15 =	vadd.s32 v0, v15;
	v12 =	vor.u32 v4, v14;
	v14 =	vld.idx.msk [tilespmem:v7+s19+$0x0], $0xffff;
	v4 =	vand.u32 $0x7FFFFC00, v20;
	[tilespmem:s26+$0x60] =	vst v22  }
0xb8: {  	v6 =	vadd.s32 v1, v23;
	v7 =	vshll.u32 v60, $0x3;
	v20 =	vld.idx.msk [tilespmem:v58+s19+$0x0], $0xffff;
	[tilespmem:s26+$0xC0] =	vst v17;
	v4 =	vor.u32 v59, v4  }
0xb9: {  	v17 =	vld.idx.msk [tilespmem:v57+s19+$0x0], $0xffff;
	v7 =	vand.u32 $0x7FFFFC00, v7;
	[tilespmem:s26+$0xA0] =	vst v21;
	v21 =	vand.u32 $0x7D, v60;
	v63 =	vadd.s32 v0, v4  }
0xba: {  	v18 =	vld.idx.msk [tilespmem:v18+s19+$0x0], $0xffff;
	[tilespmem:s26+$0xB0] =	vst v16;
	v4 =	vadd.s32 v1, v4;
	v16 =	vshll.u32 v61, $0x3;
	v7 =	vor.u32 v21, v7  }
0xbb: {  	[tilespmem:s26+$0xD0] =	vst v10;
	v21 =	vld.idx.msk [tilespmem:v13+s19+$0x0], $0xffff;
	v13 =	vand.u32 $0xC00, v5;
	v5 =	vor.u32 v0, v12;
	v23 =	vand.u32 $0x7FFFFC00, v16  }
0xbc: {  	v16 =	vld.idx.msk [tilespmem:v15+s19+$0x0], $0xffff;
	v15 =	vor.u32 v1, v12;
	v12 =	vadd.s32 v0, v8;
	v3 =	vor.u32 v3, v13  }
0xbd: {  	v10 =	vadd.s32 v0, v7;
	v22 =	vor.u32 v1, v3;
	[tilespmem:s26+$0xFFFFFF30] =	vst v20;
	v20 =	vld.idx.msk [tilespmem:v56+s19+$0x0], $0xffff  }
0xbe: {  	v7 =	vadd.s32 v1, v7;
	v13 =	vor.u32 v0, v3;
	v3 =	vand.u32 $0x7F, v61;
	[tilespmem:s26+$0xFFFFFF20] =	vst v17;
	v17 =	vld.idx.msk [tilespmem:v19+s19+$0x0], $0xffff  }
0xbf: {  	s28 =	simm.s32 $0x0;
	s29 =	simm.s32 $0x10;
	s30 =	simm.s32 $0xC300;
	[tilespmem:s26+$0xFFFFFF80] =	vst v14;
	v14 =	vadd.s32 v1, v8;
	v3 =	vor.u32 v3, v23;
	v19 =	vld.idx.msk [tilespmem:v63+s19+$0x0], $0xffff  }
.LBB2_6:
0xc0: {  	v8 =	vmov s29;
	s1 =	sadd.s32 $0x1, s29;
	s2 =	sadd.s32 $0x2, s29;
	s3 =	sadd.s32 $0x3, s29;
	v23 =	vld.idx.msk [tilespmem:v5+s19+$0x0], $0xffff;
	[tilespmem:s26+$0x50] =	vst v21;
	v21 =	vadd.s32 v0, v3;
	v24 =	vadd.s32 v1, v3  }
0xc1: {  	v25 =	vmov s1;
	v26 =	vmov s2;
	v5 =	vmov s3;
	s1 =	sadd.s32 $0x4, s29;
	s2 =	sadd.s32 $0x5, s29;
	s3 =	sadd.s32 $0xF, s29;
	v11 =	vld.idx.msk [tilespmem:v11+s19+$0x0], $0xffff  }
0xc2: {  	s31 =	sadd.s32 $0x6, s29;
	v3 =	vand.u32 $0x73, v5;
	v27 =	vmov s1;
	v28 =	vmov s2;
	s1 =	sadd.s32 $0x7, s29;
	s2 =	sadd.s32 $0x8, s29;
	v22 =	vld.idx.msk [tilespmem:v22+s19+$0x0], $0xffff;
	[tilespmem:s26+$0x40] =	vst v18  }
0xc3: {  	s14 =	sadd.s32 $0xB, s29;
	v18 =	vand.u32 $0x71, v25;
	v29 =	vmov s1;
	v30 =	vmov s2;
	s2 =	sadd.s32 $0x9, s29;
	s1 =	sadd.s32 $0xA, s29;
	v9 =	vld.idx.msk [tilespmem:v9+s19+$0x0], $0xffff;
	[tilespmem:s26+$0x0] =	vst v17  }
0xc4: {  	s15 =	sadd.s32 $0xD, s29;
	s28 =	sadd.s32 $0x20, s28;
	v17 =	vshll.u32 v25, $0x3;
	v25 =	vshll.u32 v27, $0x3;
	v31 =	vmov s1;
	s1 =	sadd.s32 $0xC, s29;
	v32 =	vld.idx.msk [tilespmem:v13+s19+$0x0], $0xffff;
	[tilespmem:s26+$0xFFFFFFC0] =	vst v19  }
0xc5: {  	v33 =	vmov s15;
	p1 =	slt.u32 s28, $0x3E0;
	v13 =	vshll.u32 v8, $0x3;
	v19 =	vmov s1;
	v2 =	vld.idx.msk [tilespmem:v2+s19+$0x0], $0xffff;
	[tilespmem:s26+$0x70] =	vst v20  }
0xc6: {  	v34 =	vmov s14;
	v13 =	vand.u32 $0xC00, v13;
	v20 =	vshll.u32 v28, $0x3;
	[tilespmem:s26+$0x80] =	vst v16;
	v16 =	vld.idx.msk [tilespmem:v21+s19+$0x0], $0xffff  }
0xc7: {  	v35 =	vshll.u32 v34, $0x3;
	v21 =	vand.u32 $0x72, v26;
	v36 =	vshll.u32 v19, $0x3;
	[tilespmem:s26+$0xFFFFFFE0] =	vst v11;
	v11 =	vld.idx.msk [tilespmem:v24+s19+$0x0], $0xffff  }
0xc8: {  	v24 =	vshll.u32 v26, $0x3;
	v26 =	vand.u32 $0x7E, v31;
	v36 =	vand.u32 $0x7FFFFC00, v36;
	v15 =	vld.idx.msk [tilespmem:v15+s19+$0x0], $0xffff;
	[tilespmem:s26+$0xFFFFFF70] =	vst v22  }
0xc9: {  	v37 =	vand.u32 $0x78, v30;
	v19 =	vand.u32 $0x7C, v19;
	v22 =	vshll.u32 v29, $0x3;
	[tilespmem:s26+$0xFFFFFF50] =	vst v9;
	v9 =	vld.idx.msk [tilespmem:v10+s19+$0x0], $0xffff  }
0xca: {  	s1 =	sadd.s32 $0xE, s29;
	v19 =	vor.u32 v19, v36;
	v10 =	vshll.u32 v31, $0x3;
	v31 =	vshll.u32 v33, $0x3;
	[tilespmem:s26+$0xFFFFFF00] =	vst v23;
	v7 =	vld.idx.msk [tilespmem:v7+s19+$0x0], $0xffff  }
0xcb: {  	v20 =	vand.u32 $0x7FFFFC00, v20;
	v23 =	vand.u32 $0x7D, v33;
	v33 =	vmov s1;
	v14 =	vld.idx.msk [tilespmem:v14+s19+$0x0], $0xffff;
	[tilespmem:s26+$0x10] =	vst v2  }
0xcc: {  	v2 =	vand.u32 $0x7D, v28;
	v28 =	vand.u32 $0x7E, v33;
	v33 =	vshll.u32 v33, $0x3;
	v12 =	vld.idx.msk [tilespmem:v12+s19+$0x0], $0xffff;
	[tilespmem:s26+$0xE0] =	vst v16  }
0xcd: {  	v16 =	vshll.u32 v30, $0x3;
	v30 =	vadd.s32 v1, v19;
	v33 =	vand.u32 $0x7FFFFC00, v33;
	v6 =	vld.idx.msk [tilespmem:v6+s19+$0x0], $0xffff;
	[tilespmem:s26+$0xF0] =	vst v11  }
0xce: {  	v10 =	vand.u32 $0x7FFFFC00, v10;
	v11 =	vand.u32 $0x74, v27;
	v27 =	vor.u32 v28, v33;
	[tilespmem:s26+$0xFFFFFF10] =	vst v15;
	v4 =	vld.idx.msk [tilespmem:v4+s19+$0x0], $0xffff  }
0xcf: {  	v15 =	vand.u32 $0x7FFFFC00, v22;
	v22 =	vadd.s32 v0, v27;
	v27 =	vadd.s32 v1, v27;
	[tilespmem:s26+$0x20] =	vst v9  }
0xd0: {  	v10 =	vor.u32 v26, v10;
	v26 =	vand.u32 $0x7FFFFC00, v31;
	v9 =	vand.u32 $0x7F, v29;
	[tilespmem:s26+$0x30] =	vst v7  }
0xd1: {  	v20 =	vor.u32 v2, v20;
	v2 =	vor.u32 v23, v26;
	v23 =	vmov s3;
	[tilespmem:s26+$0xFFFFFF60] =	vst v32  }
0xd2: {  	v26 =	vadd.s32 v0, v10;
	v28 =	vadd.s32 v1, v2;
	v7 =	vadd.s32 v0, v2;
	[tilespmem:s26+$0xFFFFFFB0] =	vst v14  }
0xd3: {  	v2 =	vand.u32 $0x7FFFFC00, v25;
	v25 =	vand.u32 $0x7FFFFC00, v35;
	v14 =	vand.u32 $0x7F, v34;
	[tilespmem:s26+$0xFFFFFFA0] =	vst v12  }
0xd4: {  	v2 =	vor.u32 v11, v2;
	v12 =	vand.u32 $0xC00, v17;
	v11 =	vor.u32 v14, v25;
	v14 =	vld.idx.msk [tilespmem:v22+s19+$0x0], $0xffff;
	[tilespmem:s26+$0xFFFFFFD0] =	vst v4  }
0xd5: {  	v4 =	vadd.s32 v1, v2;
	v17 =	vadd.s32 v0, v11;
	v25 =	vadd.s32 v1, v11;
	[tilespmem:s26+$0xFFFFFFF0] =	vst v6;
	s26 =	smov.u32 s30  }
0xd6: {  	v6 =	vor.u32 v18, v12;
	v12 =	vadd.s32 v0, v2;
	v2 =	vand.u32 $0x7FFFFC00, v16;
	v16 =	vld.idx.msk [tilespmem:v30+s19+$0x0], $0xffff  }
0xd7: {  	v11 =	vand.u32 $0xC00, v24;
	v18 =	vor.u32 v0, v6;
	v2 =	vor.u32 v37, v2;
	v7 =	vld.idx.msk [tilespmem:v7+s19+$0x0], $0xffff  }
0xd8: {  	v21 =	vor.u32 v21, v11;
	v22 =	vadd.s32 v0, v2;
	v2 =	vadd.s32 v1, v2;
	v24 =	vld.idx.msk [tilespmem:v28+s19+$0x0], $0xffff  }
0xd9: {  	v15 =	vor.u32 v9, v15;
	v6 =	vor.u32 v1, v6;
	v28 =	vor.u32 v0, v21;
	v27 =	vld.idx.msk [tilespmem:v27+s19+$0x0], $0xffff  }
0xda: {  	v19 =	vadd.s32 v0, v19;
	v29 =	vadd.s32 v1, v10;
	v11 =	vadd.s32 v0, v15;
	v17 =	vld.idx.msk [tilespmem:v17+s19+$0x0], $0xffff  }
0xdb: {  	v8 =	vand.u32 $0x70, v8;
	v10 =	vmov s31;
	v9 =	vor.u32 v1, v21;
	v4 =	vld.idx.msk [tilespmem:v4+s19+$0x0], $0xffff;
	[tilespmem:s30+$0xC0] =	vst v14  }
0xdc: {  	v21 =	vmov s2;
	v14 =	vld.idx.msk [tilespmem:v18+s19+$0x0], $0xffff;
	v18 =	vand.u32 $0x7E, v10;
	v10 =	vshll.u32 v10, $0x3;
	[tilespmem:s30+$0x90] =	vst v16  }
0xdd: {  	v8 =	vor.u32 v8, v13;
	v13 =	vshll.u32 v21, $0x3;
	v12 =	vld.idx.msk [tilespmem:v12+s19+$0x0], $0xffff;
	v10 =	vand.u32 $0x7FFFFC00, v10;
	[tilespmem:s30+$0xA0] =	vst v7  }
0xde: {  	v7 =	vand.u32 $0x7D, v21;
	v30 =	vld.idx.msk [tilespmem:v6+s19+$0x0], $0xffff;
	v6 =	vor.u32 v18, v10;
	v10 =	vand.u32 $0x7FFFFC00, v13;
	[tilespmem:s30+$0xB0] =	vst v24  }
0xdf: {  	v5 =	vshll.u32 v5, $0x3;
	v24 =	vld.idx.msk [tilespmem:v28+s19+$0x0], $0xffff;
	v28 =	vadd.s32 v0, v6;
	v7 =	vor.u32 v7, v10;
	[tilespmem:s30+$0xD0] =	vst v27  }
0xe0: {  	v13 =	vand.u32 $0xC00, v5;
	v10 =	vadd.s32 v0, v7;
	v7 =	vadd.s32 v1, v7;
	v21 =	vld.idx.msk [tilespmem:v29+s19+$0x0], $0xffff;
	[tilespmem:s30+$0x60] =	vst v17  }
.Ltmp6:
0xe1: {  	v16 =	vshll.u32 v23, $0x3;
	v5 =	vor.u32 v0, v8;
	[tilespmem:s30+$0xFFFFFF90] =	vst v4;
	v4 =	vadd.s32 v1, v6;
	v18 =	vld.idx.msk [tilespmem:v26+s19+$0x0], $0xffff;
	(pc) =	sbr.rel @p1 .LBB2_6-.Ltmp6, $4  }
0xe2: {  	v3 =	vor.u32 v3, v13;
	v6 =	vadd.s32 v1, v15;
	v26 =	vand.u32 $0x7FFFFC00, v16;
	[tilespmem:s30+$0xFFFFFF20] =	vst v14;
	v17 =	vld.idx.msk [tilespmem:v22+s19+$0x0], $0xffff  }
0xe3: {  	v13 =	vor.u32 v0, v3;
	v22 =	vor.u32 v1, v3;
	[tilespmem:s30+$0xFFFFFF80] =	vst v12;
	v16 =	vld.idx.msk [tilespmem:v19+s19+$0x0], $0xffff  }
0xe4: {  	v15 =	vor.u32 v1, v8;
	v3 =	vand.u32 $0x7F, v23;
	v12 =	vadd.s32 v0, v20;
	[tilespmem:s30+$0xFFFFFF30] =	vst v30;
	v19 =	vld.idx.msk [tilespmem:v28+s19+$0x0], $0xffff  }
0xe5: {  	s29 =	sadd.s32 $0x10, s29;
	v14 =	vadd.s32 v1, v20;
	v3 =	vor.u32 v3, v26;
	s30 =	sadd.s32 $0x200, s30;
	[tilespmem:s26+$0xFFFFFF40] =	vst v24;
	v20 =	vld.idx.msk [tilespmem:v25+s19+$0x0], $0xffff  }
0xe6: {  	_ =	sdelay $0x2  }
0xe7: {  	[tilespmem:s26+$0x50] =	vst v21  }
0xe8: {  	v11 =	vld.idx.msk [tilespmem:v11+s19+$0x0], $0xffff;
	[tilespmem:s26+$0x40] =	vst v18  }
0xe9: {  	v59 =	vld.idx.msk [tilespmem:v22+s19+$0x0], $0xffff;
	[tilespmem:s26+$0x0] =	vst v17  }
0xea: {  	v9 =	vld.idx.msk [tilespmem:v9+s19+$0x0], $0xffff;
	[tilespmem:s26+$0x80] =	vst v16  }
0xeb: {  	v5 =	vld.idx.msk [tilespmem:v5+s19+$0x0], $0xffff;
	[tilespmem:s26+$0xFFFFFFC0] =	vst v19  }
0xec: {  	v8 =	vadd.s32 v0, v3;
	v3 =	vadd.s32 v1, v3;
	v2 =	vld.idx.msk [tilespmem:v2+s19+$0x0], $0xffff;
	[tilespmem:s26+$0x70] =	vst v20  }
0xed: {  	v60 =	vld.idx.msk [tilespmem:v15+s19+$0x0], $0xffff;
	[tilespmem:s26+$0xFFFFFFE0] =	vst v11  }
0xee: {  	v61 =	vld.idx.msk [tilespmem:v10+s19+$0x0], $0xffff;
	[tilespmem:s26+$0xFFFFFF70] =	vst v59  }
0xef: {  	v62 =	vld.idx.msk [tilespmem:v7+s19+$0x0], $0xffff;
	[tilespmem:s26+$0xFFFFFF50] =	vst v9  }
0xf0: {  	v63 =	vld.idx.msk [tilespmem:v14+s19+$0x0], $0xffff;
	[tilespmem:s26+$0xFFFFFF00] =	vst v5  }
0xf1: {  	v3 =	vld.idx.msk [tilespmem:v3+s19+$0x0], $0xffff;
	[tilespmem:s26+$0x10] =	vst v2  }
0xf2: {  	v4 =	vld.idx.msk [tilespmem:v4+s19+$0x0], $0xffff;
	[tilespmem:s26+$0xFFFFFF10] =	vst v60  }
0xf3: {  	v6 =	vld.idx.msk [tilespmem:v6+s19+$0x0], $0xffff;
	[tilespmem:s26+$0x20] =	vst v61  }
0xf4: {  	v8 =	vld.idx.msk [tilespmem:v8+s19+$0x0], $0xffff;
	[tilespmem:s26+$0x30] =	vst v62  }
0xf5: {  	v2 =	vld.idx.msk [tilespmem:v13+s19+$0x0], $0xffff;
	[tilespmem:s26+$0xFFFFFFB0] =	vst v63  }
0xf6: {  	[tilespmem:s26+$0xF0] =	vst v3;
	v3 =	vld.idx.msk [tilespmem:v12+s19+$0x0], $0xffff  }
0xf7: {  	[tilespmem:s26+$0xFFFFFFD0] =	vst v4  }
.Ltmp7:
0xf8: {  	[tilespmem:s26+$0xFFFFFFF0] =	vst v6;
	(pc) =	sbr.rel .LBB2_8-.Ltmp7, $4  }
0xf9: {  	[tilespmem:s26+$0xE0] =	vst v8  }
0xfa: {  	s1 =	sshll.u32 s25, $0xB;
	[tilespmem:s26+$0xFFFFFF60] =	vst v2  }
0xfb: {  	s1 =	sadd.s32 s6, s1;
	[tilespmem:s26+$0xFFFFFFA0] =	vst v3  }
0xfc: {  	[hbm4b:s1+s4] =	stream.linear.scatter [tilespmem:s20], [sflag:$0x4], $0x4000, $0x38;
	[tilespmem:$0x10000] =	vst v63  }
.LBB2_10:
0xfd: {  	_ =	sfence.sel $0x180000  }
0xfe: {  	[bflag:$0x0] =	sbarrier.arrive $0xFFFF  }
0xff: {  	_ =	strace $0x90000047  }
0x100: {  	s0 =	stileid.u32;
	[bflag:$0x2] =	sbarrier.arrive $0xFFFF  }
0x101: {  	p0 =	sne.s32 s0, $0x0;
	s0 =	rddreg [dreg:$0x3]  }
0x102: {  	s0 =	sadd.s32 @!p0 $0x100000, s0  }
0x103: {  	[sflag:s0] =	ssyncadd.tile.s32 @!p0 $0x1;
	_ =	shalt  }
.Lfunc_end2:
_tile_overlayer_lowered:
.L_overlay_start_2:
0x104: {  	(tag) =	ssettag $0x2  }
0x105: {  	s0 =	rddreg [dreg:$0x0];
	s2 =	stileid.u32  }
0x106: {  	s1 =	rddreg [dreg:$0x1];
	p0 =	sne.s32 s2, $0x0  }
0x107: {  	s3 =	rddreg [dreg:$0x2];
	[bflag:$0x3] =	sbarrier.arrive $0xFFFF;
	s2 =	simm.s32 @!p0 $0x1C05  }
0x108: {  	[timem:s3], [sflag:s2] =	dma.local @!p0 [hbm:s0], s1  }
0x109: {  	s0 =	simm.s32 @!p0 $0x5  }
0x10a: {  	_ =	swait.ge @!p0 [sflag:s0], s1  }
0x10b: {  	s1 =	ssub.s32 @!p0 $0x0, s1;
	[sflag:s0] =	ssyncset.done @!p0 $0x0  }
0x10c: {  	[sflag:s0] =	ssyncadd.s32 @!p0 s1  }
0x10d: {  	[bflag:$0x3] =	sbarrier.arrive $0xFFFF  }
0x10e: {  	_ =	shalt  }

// kernel: kernel.7.cloned.1.call-start
scs
__scs_entry_jumppad:
0x0: {  	(pc) =	sbr.rel $0x88, $3  }
0x1: {  	(tag) =	ssettag $0x0;
	lr =	simm.s32 $0x1  }
0x2: {  	[smem:$0x3F9F] =	sst lr;
	_ =	strace $0xD0000000  }
0x3: {  	_ = 	snop  }
0x4: {  	_ = 	snop  }
0x5: {  	_ = 	snop  }
0x6: {  	_ = 	snop  }
0x7: {  	_ = 	snop  }
__scs_overlays_trampoline_lowered:
0x8: {  	[smem:$0x3FAE] =	sst s0  }
0x9: {  	[smem:$0x3FAF] =	sst s1  }
0xa: {  	[smem:$0x3FB0] =	sst s2  }
0xb: {  	[smem:$0x3FB1] =	sst s3  }
0xc: {  	[smem:$0x3FB2] =	sst s4  }
0xd: {  	[smem:$0x3FB3] =	sst s5  }
0xe: {  	[smem:$0x3FB4] =	sst s6  }
0xf: {  	[smem:$0x3FB5] =	sst s7  }
0x10: {  	[smem:$0x3FB6] =	sst s8  }
0x11: {  	[smem:$0x3FB7] =	sst s9;
	s0 =	simm.s32 @!p0 $0x0  }
0x12: {  	s1 =	sld [smem:$0x3F9D];
	s0 =	simm.s32 @p0 $0x1  }
0x13: {  	[smem:$0x3FB8] =	sst s0;
	s0 =	simm.s32 @!p1 $0x0  }
0x14: {  	s2 =	sld [smem:$0x3F9C];
	s0 =	simm.s32 @p1 $0x1  }
0x15: {  	[smem:$0x3FB9] =	sst s0;
	s0 =	simm.s32 @!p2 $0x0  }
0x16: {  	s3 =	sld [smem:$0x3FDB];
	s0 =	simm.s32 @p2 $0x1  }
0x17: {  	s4 =	simm.s32 $0x1BF5;
	[smem:$0x3FBB] =	sst s0  }
0x18: {  	s0 =	sld [smem:$0x3F9E];
	_ =	swait.ge [sflag:s4], $0x0  }
0x19: {  	s7 =	sld [smem:$0x3F9F]  }
0x1a: {  	s8 =	sadd.s32 $0xFFFFE003, lr  }
0x1b: {  	s9 =	sadd.s32 $0xFFFFFEF7, lr;
	s5 =	simm.s32 $0xFFFFFFFF;
	p2 =	slt.u32 s8, $0xFFFFF086  }
0x1c: {  	p1 =	slt.u32 s9, $0xF7A;
	s5 =	simm.s32 @!p2 $0x0  }
0x1d: {  	s5 =	simm.s32 @p1 $0x1;
	p0 =	seq.s32 s7, s2  }
0x1e: {  	s7 =	smul.u32 @!p0 $0xF7A, s2;
	p2 =	seq.s32 @!p0 s5, $0x0  }
0x1f: {  	s9 =	smul.u32 $0xF7A, s1;
	s8 =	simm.s32 @!p0 $0x1BF5;
	p2 =	por !p2, p0  }
0x20: {  	[sflag:s8] =	ssyncset.s32 @!p0 $0xFFFFF086;
	s6 =	sadd.s32 @!p0 s3, s7;
	s7 =	simm.s32 @!p0 $0x108  }
0x21: {  	s3 =	sadd.s32 s3, s9;
	s6 =	sadd.s32 @!p0 $0x88, s6;
	s7 =	simm.s32 @p2 $0x1082  }
0x22: {  	[simem:s7], [sflag:s8] =	dma.local @!p0 [hbm:s6], $0xF7A  }
0x23: {  	s9 =	sor.u32 $0xD0000000, s2;
	s6 =	simm.s32 $0x108;
	_ =	swait.ge @!p0 [sflag:s8], $0x0  }
0x24: {  	s3 =	sadd.s32 $0x88, s3;
	s6 =	simm.s32 @!p1 $0x1082;
	[sflag:s4] =	ssyncset.s32 $0xFFFFF086  }
0x25: {  	[simem:s6], [sflag:s4] =	dma.local [hbm:s3], $0xF7A  }
0x26: {  	[smem:$0x3F9F] =	sst s1;
	(tag) =	ssettag s2;
	_ =	strace s9  }
0x27: {  	s1 =	sld [smem:$0x3FAF]  }
0x28: {  	s2 =	sld [smem:$0x3FB0]  }
0x29: {  	s4 =	sld [smem:$0x3FB2]  }
0x2a: {  	p0 =	seq.s32 s5, $0x0;
	s5 =	sld [smem:$0x3FB3]  }
0x2b: {  	s6 =	sld [smem:$0x3FB4]  }
0x2c: {  	s7 =	sld [smem:$0x3FB5]  }
0x2d: {  	s3 =	simm.s32 $0x108;
	s8 =	sld [smem:$0x3FB6]  }
0x2e: {  	s3 =	simm.s32 @!p0 $0x1082;
	s9 =	sld [smem:$0x3FB7]  }
0x2f: {  	lr =	sadd.s32 s0, s3;
	s0 =	sld [smem:$0x3FAE]  }
0x30: {  	s3 =	sld [smem:$0x3FB1]  }
0x31: {  	[smem:$0x3FBA] =	sst s10  }
0x32: {  	s10 =	sld [smem:$0x3FB8];
	_ =	sdelay $0x3  }
0x33: {  	p0 =	seq.s32 s10, $0x1;
	s10 =	sld [smem:$0x3FBA];
	_ =	sdelay $0x3  }
0x34: {  	[smem:$0x3FBA] =	sst s10  }
0x35: {  	s10 =	sld [smem:$0x3FB9];
	_ =	sdelay $0x3  }
0x36: {  	p1 =	seq.s32 s10, $0x1;
	s10 =	sld [smem:$0x3FBA];
	_ =	sdelay $0x3  }
0x37: {  	[smem:$0x3FBA] =	sst s10  }
0x38: {  	s10 =	sld [smem:$0x3FBB]  }
0x39: {  	_ = 	snop;
	(pc) =	sbr.ind lr, $3  }
0x3a: {  	_ = 	snop  }
0x3b: {  	_ = 	snop  }
0x3c: {  	p2 =	seq.s32 s10, $0x1;
	s10 =	sld [smem:$0x3FBA]  }
0x3d: {  	_ =	shalt  }
0x3e: {  	_ =	shalt  }
0x3f: {  	_ =	shalt  }
0x40: {  	_ =	shalt  }
0x41: {  	_ =	shalt  }
0x42: {  	_ =	shalt  }
0x43: {  	_ =	shalt  }
0x44: {  	_ =	shalt  }
0x45: {  	_ =	shalt  }
0x46: {  	_ =	shalt  }
0x47: {  	_ =	shalt  }
0x48: {  	_ =	shalt  }
0x49: {  	_ =	shalt  }
0x4a: {  	_ =	shalt  }
0x4b: {  	_ =	shalt  }
0x4c: {  	_ =	shalt  }
0x4d: {  	_ =	shalt  }
0x4e: {  	_ =	shalt  }
0x4f: {  	_ =	shalt  }
0x50: {  	_ =	shalt  }
0x51: {  	_ =	shalt  }
0x52: {  	_ =	shalt  }
0x53: {  	_ =	shalt  }
0x54: {  	_ =	shalt  }
0x55: {  	_ =	shalt  }
0x56: {  	_ =	shalt  }
0x57: {  	_ =	shalt  }
0x58: {  	_ =	shalt  }
0x59: {  	_ =	shalt  }
0x5a: {  	_ =	shalt  }
0x5b: {  	_ =	shalt  }
0x5c: {  	_ =	shalt  }
0x5d: {  	_ =	shalt  }
0x5e: {  	_ =	shalt  }
0x5f: {  	_ =	shalt  }
0x60: {  	_ =	shalt  }
0x61: {  	_ =	shalt  }
0x62: {  	_ =	shalt  }
0x63: {  	_ =	shalt  }
0x64: {  	_ =	shalt  }
0x65: {  	_ =	shalt  }
0x66: {  	_ =	shalt  }
0x67: {  	_ =	shalt  }
0x68: {  	_ =	shalt  }
0x69: {  	_ =	shalt  }
0x6a: {  	_ =	shalt  }
0x6b: {  	_ =	shalt  }
0x6c: {  	_ =	shalt  }
0x6d: {  	_ =	shalt  }
0x6e: {  	_ =	shalt  }
0x6f: {  	_ =	shalt  }
0x70: {  	_ =	shalt  }
0x71: {  	_ =	shalt  }
0x72: {  	_ =	shalt  }
0x73: {  	_ =	shalt  }
0x74: {  	_ =	shalt  }
0x75: {  	_ =	shalt  }
0x76: {  	_ =	shalt  }
0x77: {  	_ =	shalt  }
0x78: {  	_ =	shalt  }
0x79: {  	_ =	shalt  }
0x7a: {  	_ =	shalt  }
0x7b: {  	_ =	shalt  }
0x7c: {  	_ =	shalt  }
0x7d: {  	_ =	shalt  }
0x7e: {  	_ =	shalt  }
0x7f: {  	_ =	shalt  }
0x80: {  	_ =	shalt  }
0x81: {  	_ =	shalt  }
0x82: {  	_ =	shalt  }
0x83: {  	_ =	shalt  }
0x84: {  	_ =	shalt  }
0x85: {  	_ =	shalt  }
0x86: {  	_ =	shalt  }
0x87: {  	_ =	shalt  }
.Lfunc_end0:
.L_simem_size_0:
called_computation.1_lowered:
.L_overlay_start_0:
0x88: {  	s2 =	sld [smem:$0x3FD9]  }
0x89: {  	s3 =	sld [smem:$0x3FFE];
	_ =	sdelay $0x1  }
0x8a: {  	s1 =	srdreg.scid  }
0x8b: {  	s0 =	sand.u32 $0x1, s1  }
0x8c: {  	s17 =	sshll.u32 s0, $0xA;
	s2 =	sadd.s32 s3, s2  }
0x8d: {  	s2 =	sadd.s32 s2, s17  }
0x8e: {  	[smem:$0x3FC6] =	sst s2  }
0x8f: {  	_ = 	snop  }
0x90: {  	s2 =	sld [smem:$0x3FD0];
	(tm) =	ssettm $0x1  }
0x91: {  	s18 =	sld [smem:$0x3FFB];
	_ =	sdelay $0x3  }
0x92: {  	_ =	strace s18  }
0x93: {  	s3 =	sld [smem:$0x3FFC];
	_ =	sdelay $0x3  }
0x94: {  	_ =	strace s3  }
0x95: {  	s3 =	sld [smem:$0x3FFD];
	_ =	sdelay $0x3  }
0x96: {  	_ =	strace s3  }
0x97: {  	_ =	strace $0x8FFFFFFF  }
0x98: {  	s19 =	sld [smem:$0x3FDB];
	_ =	sdelay $0x1  }
0x99: {  	s4 =	simm.s32 $_scs_section_size  }
0x9a: {  	s5 =	simm.s32 $_size__tile_overlayer_lowered;
	s6 =	simm.s32 $_tile_overlayer_lowered  }
0x9b: {  	s22 =	simm.s32 $0x1BFF;
	s21 =	sshll.u32 s6, $0x1;
	s3 =	sadd.s32 s4, s19  }
0x9c: {  	s7 =	simm.s32 $0x0;
	s20 =	sshll.u32 s5, $0x1;
	s5 =	sadd.s32 s21, s3  }
0x9d: {  	[timem:s7], [sflag:s22] =	dma.local [hbm:s5], s20  }
0x9e: {  	_ =	swait.ge [sflag:s22], s20  }
0x9f: {  	s4 =	ssub.s32 $0x0, s20;
	[sflag:s22] =	ssyncset.done $0x0  }
0xa0: {  	[sflag:s22] =	ssyncadd.s32 s4;
	_ =	sdelay $0x1  }
0xa1: {  	s23 =	simm.s32 $0x1B8B  }
0xa2: {  	_ =	swait.ge [sflag:s23], $0x1  }
0xa3: {  	[sflag:s23] =	ssyncset.done $0x0  }
0xa4: {  	s25 =	simm.s32 $0x1B8E;
	s24 =	sld [smem:$0x3FFE];
	[sflag:s23] =	ssyncadd.s32 $0xFFFFFFFF  }
0xa5: {  	s26 =	simm.s32 $execute0_lowered;
	[smem:$0x3FD2] =	sst s25  }
0xa6: {  	s5 =	sshll.u32 s26, $0x1;
	_ =	strace $0x80000049;
	[dreg:$0x1] =	wrdreg $0xFFFFFFFF  }
0xa7: {  	s28 =	simm.s32 $_size_execute0_lowered;
	s3 =	sadd.s32 s3, s5;
	[dreg:$0x0] =	wrdreg $0x0  }
0xa8: {  	s5 =	sshll.u32 s28, $0x1;
	[dreg:$0x2] =	wrdreg s3  }
0xa9: {  	[dreg:$0x3] =	wrdreg s5  }
0xaa: {  	[dreg:$0x4] =	wrdreg $0xC0  }
0xab: {  	_ =	task [dreg:s7], $0x5FFFF  }
0xac: {  	[dreg:$0x1] =	wrdreg $0xFFFFFFFF  }
0xad: {  	[dreg:$0x0] =	wrdreg $0x60  }
0xae: {  	[dreg:$0x2] =	wrdreg s24  }
0xaf: {  	[dreg:$0x3] =	wrdreg s2  }
0xb0: {  	[dreg:$0x4] =	wrdreg $0x9  }
0xb1: {  	_ =	task.clear_ibuf [dreg:s7], $0x5FFFF;
	_ =	strace $0x90000049  }
0xb2: {  	s29 =	simm.s32 $0x9;
	_ =	strace $0x8000004B  }
0xb3: {  	_ =	swait.ge [sflag:s29], $0x1  }
0xb4: {  	[sflag:s29] =	ssyncadd.s32 $0xFFFFFFFF  }
0xb5: {  	_ =	strace $0x9000004B  }
0xb6: {  	_ =	sfence  }
0xb7: {  	s30 =	sld [smem:$0x0];
	_ =	sdelay $0x2  }
0xb8: {  	s31 =	sshll.u32 s1, $0xD;
	s1 =	sshrl.u32 s1, $0x2  }
0xb9: {  	s3 =	sand.u32 $0x4000, s31;
	s1 =	sadd.s32 s1, s30  }
0xba: {  	s0 =	sor.u32 s3, s0;
	s1 =	sshll.u32 s1, $0x11  }
0xbb: {  	s0 =	sor.u32 s1, s0  }
0xbc: {  	s0 =	sadd.s32 $0x8F2B, s0  }
0xbd: {  	[sflag:s0] =	ssyncadd.remote.s32 $0x1  }
0xbe: {  	_ =	sfence.sel $0xFFFF  }
0xbf: {  	[dreg:$0x0] =	wrdreg $0xFFFFFFFF;
	(pc) =	sbr.abs _section_cstart, $3  }
0xc0: {  	[dreg:$0x1] =	wrdreg $0xFFFFFFFF  }
0xc1: {  	_ =	task.clear_ibuf [dreg:s7], $0x2FFFF;
	_ =	strace $0x9FFFFFFF  }
0xc2: {  	(tm) =	ssettm $0x7FFFFFFF  }
0xc3: {  	_ =	shalt  }
tec
execute0_lowered:
.L_overlay_start_1:
0x0: {  	(tag) =	ssettag $0x1  }
0x1: {  	s0 =	rddreg [dreg:$0x0]  }
0x2: {  	s1 =	srdreg.scid;
	s3 =	stileid.u32  }
0x3: {  	s2 =	rddreg [dreg:$0x1];
	s12 =	simm.s32 $0x80;
	s15 =	simm.s32 $0x1  }
0x4: {  	s18 =	simm.s32 $0x8500;
	s30 =	simm.s32 $0x2;
	s31 =	simm.s32 $0x4  }
0x5: {  	s10 =	simm.s32 $0xA128;
	s11 =	simm.s32 $0xA1B0;
	s13 =	simm.s32 $0xA238  }
0x6: {  	s14 =	simm.s32 $0xA2C0;
	s16 =	simm.s32 $0xA348;
	s17 =	simm.s32 $0xA3D0  }
0x7: {  	s19 =	simm.s32 $0xA458;
	s20 =	simm.s32 $0xA4E0;
	s21 =	simm.s32 $0xA568  }
0x8: {  	v1 =	vlaneseq.u32;
	s22 =	simm.s32 $0xA5F0;
	s23 =	simm.s32 $0xA678;
	s1 =	sand.u32 $0x1, s1  }
0x9: {  	v2 =	vimm.s32 $0x0;
	vm0 =	vcmask $0x300;
	s4 =	sshll.u32 s3, $0x1;
	s3 =	simm.s32 $0x0;
	s8 =	sadd.s32 $0x2000, s2;
	v0 =	vmul.u32 $0x88, v1  }
0xa: {  	s9 =	sadd.s32 $0x3000, s2;
	v1 =	vmul.u32 $0xC8, v1;
	v2 =	vsel vm0, $0x3, v2;
	s5 =	sor.u32 s1, s4;
	s1 =	ssub.s32 $0x2, s1  }
0xb: {  	[smem:$0x7FF] =	sst s3;
	s4 =	smul.u32 $0xC80, s5;
	s6 =	sshrl.u32 s1, $0x1;
	v3 =	vadd.s32 $0x880, v0;
	v4 =	vor.u32 $0x1, v0;
	v5 =	vadd.s32 $0x881, v0  }
0xc: {  	_ =	strace $0x8000004A;
	v6 =	vor.u32 $0x2, v0;
	v7 =	vadd.s32 $0x882, v0;
	v8 =	vor.u32 $0x3, v0;
	s28 =	ssub.s32 s1, s6;
	s6 =	sshll.u32 s5, $0xA  }
0xd: {  	v9 =	vadd.s32 $0x883, v0;
	v10 =	vor.u32 $0x4, v0;
	v11 =	vadd.s32 $0x884, v0;
	s7 =	sadd.s32 s4, s0;
	s4 =	sadd.s32 $0xA00, s0;
	s0 =	smax.u32 s28, $0x1  }
0xe: {  	v12 =	vor.u32 $0x5, v0;
	v13 =	vadd.s32 $0x885, v0;
	v14 =	vor.u32 $0x6, v0;
	s1 =	simm.s32 $0x9600;
	s29 =	sadd.s32 $0x3D1400, s7;
	[dreg:$0x4] =	wrdreg s0  }
0xf: {  	v15 =	vadd.s32 $0x886, v0;
	v16 =	vor.u32 $0x7, v0;
	v17 =	vadd.s32 $0x887, v0;
	s5 =	simm.s32 $0x0;
	s7 =	sadd.s32 $0x1000, s2;
	[dreg:$0x3] =	wrdreg s29  }
.LBB2_1:
0x10: {  	[dreg:$0x5] =	wrdreg s5  }
0x11: {  	s0 =	rddreg [dreg:$0x3];
	s29 =	simm.s32 $0x5  }
0x12: {  	[tilespmem:s3], [sflag:$0x5] =	stream.linear.gather [hbm4b:s0+s3], $0x6400, $0x38;
	[tilespmem:$0xA700] =	vst v63  }
0x13: {  	_ =	swait.ge [sflag:s29], $0x6400  }
0x14: {  	[sflag:s29] =	ssyncset.done $0x0  }
0x15: {  	p0 =	por $0x1, $0x1;
	s0 =	simm.s32 $0x0;
	[sflag:s29] =	ssyncadd.s32 $0xFFFF9C00  }
.LBB2_2:
0x16: {  	v18 =	vmov s0;
	s24 =	sor.u32 $0x10, s0  }
0x17: {  	s28 =	sor.u32 $0x20, s0;
	v18 =	vmul.u32 $0xC8, v18;
	v19 =	vmov s24  }
0x18: {  	s29 =	sor.u32 $0x30, s0;
	v20 =	vmov s28;
	v19 =	vmul.u32 $0xC8, v19  }
0x19: {  	v21 =	vmov s29;
	v20 =	vmul.u32 $0xC8, v20;
	v18 =	vbroadcast v18, $0x0  }
0x1a: {  	v21 =	vmul.u32 $0xC8, v21;
	v19 =	vbroadcast v19, $0x0  }
0x1b: {  	v20 =	vbroadcast v20, $0x0;
	v18 =	vadd.s32 v1, v18  }
0x1c: {  	v21 =	vbroadcast v21, $0x0;
	v19 =	vadd.s32 v1, v19  }
0x1d: {  	v20 =	vadd.s32 v1, v20  }
0x1e: {  	v21 =	vadd.s32 v1, v21;
	_ =	sdelay $0x1  }
0x1f: {  	v18 =	vld.idx.msk [tilespmem:v18+s3+$0x0], $0xffff  }
0x20: {  	v19 =	vld.idx.msk [tilespmem:v19+s3+$0x0], $0xffff  }
0x21: {  	v20 =	vld.idx.msk [tilespmem:v20+s3+$0x0], $0xffff  }
0x22: {  	p1 =	por p0, p0;
	v21 =	vld.idx.msk [tilespmem:v21+s3+$0x0], $0xffff  }
.Ltmp0:
0x23: {  	_ = 	snop;
	(pc) =	sbr.rel @p1 .LBB2_2-.Ltmp0, $4  }
0x24: {  	[tilespmem:s0+$0x6400] =	vst v18  }
0x25: {  	[tilespmem:s0+$0x6410] =	vst v19  }
0x26: {  	[tilespmem:s0+$0x6420] =	vst v20  }
0x27: {  	p0 =	por $0x0, $0x0;
	[tilespmem:s0+$0x6430] =	vst v21;
	s0 =	simm.s32 $0x40  }
0x28: {  	s0 =	simm.s32 $0x6400;
	s5 =	simm.s32 $0x6500;
	s24 =	simm.s32 $0x0  }
0x29: {  	[tilespmem:s5], [sflag:$0x1] =	stream.indirect.gather [hbm4b:s4+s12], $0x20, s0, s12, $0xb8;
	[tilespmem:$0xA700] =	vst v63  }
.LBB2_4:
0x2a: {  	s25 =	sshllo.u32 s24, $0x1  }
0x2b: {  	s26 =	sshll.u32 s24, $0x1;
	p0 =	por $0x1, $0x1;
	s0 =	simm.s32 $0x0;
	v18 =	vmov s25  }
.LBB2_5:
0x2c: {  	v19 =	vmov s0;
	s28 =	sor.u32 $0x10, s0  }
0x2d: {  	s5 =	sor.u32 $0x20, s0;
	v19 =	vmul.u32 $0xC8, v19;
	v20 =	vmov s28  }
0x2e: {  	s29 =	sor.u32 $0x30, s0;
	v21 =	vmov s5;
	v20 =	vmul.u32 $0xC8, v20  }
0x2f: {  	v22 =	vmov s29;
	v21 =	vmul.u32 $0xC8, v21;
	v19 =	vadd.s32 v18, v19  }
0x30: {  	v22 =	vmul.u32 $0xC8, v22;
	v19 =	vbroadcast v19, $0x0;
	v20 =	vadd.s32 v18, v20  }
0x31: {  	v21 =	vadd.s32 v18, v21;
	v20 =	vbroadcast v20, $0x0  }
0x32: {  	v22 =	vadd.s32 v18, v22;
	v21 =	vbroadcast v21, $0x0;
	v19 =	vadd.s32 v1, v19  }
0x33: {  	v22 =	vbroadcast v22, $0x0;
	v20 =	vadd.s32 v1, v20  }
0x34: {  	v21 =	vadd.s32 v1, v21  }
0x35: {  	v22 =	vadd.s32 v1, v22;
	_ =	sdelay $0x1  }
0x36: {  	v19 =	vld.idx.msk [tilespmem:v19+s3+$0x0], $0xffff  }
0x37: {  	v20 =	vld.idx.msk [tilespmem:v20+s3+$0x0], $0xffff  }
0x38: {  	v21 =	vld.idx.msk [tilespmem:v21+s3+$0x0], $0xffff  }
0x39: {  	p1 =	por p0, p0;
	v22 =	vld.idx.msk [tilespmem:v22+s3+$0x0], $0xffff  }
.Ltmp1:
0x3a: {  	_ = 	snop;
	(pc) =	sbr.rel @p1 .LBB2_5-.Ltmp1, $4  }
0x3b: {  	[tilespmem:s0+$0x6480] =	vst v19  }
0x3c: {  	[tilespmem:s0+$0x6490] =	vst v20  }
0x3d: {  	[tilespmem:s0+$0x64A0] =	vst v21  }
0x3e: {  	p0 =	por $0x0, $0x0;
	[tilespmem:s0+$0x64B0] =	vst v22;
	s0 =	simm.s32 $0x40  }
0x3f: {  	_ =	swait.ge [sflag:s15], $0x1000  }
0x40: {  	s0 =	simm.s32 $0x6480;
	[sflag:s15] =	ssyncset.done $0x0  }
0x41: {  	s5 =	simm.s32 $0x7500;
	p0 =	seq.s32 s24, $0x0;
	[sflag:s15] =	ssyncadd.s32 $0xFFFFF000  }
0x42: {  	[tilespmem:s5], [sflag:$0x2] =	stream.indirect.gather [hbm4b:s4+s12], $0x20, s0, s12, $0xb8;
	[tilespmem:$0xA700] =	vst v63  }
0x43: {  	s0 =	simm.s32 @!p0 $0x3  }
0x44: {  	_ =	swait.ge @!p0 [sflag:s0], $0x400  }
0x45: {  	[sflag:s0] =	ssyncset.done @!p0 $0x0  }
0x46: {  	[sflag:s0] =	ssyncadd.s32 @!p0 $0xFFFFFC00  }
0x47: {  	_ =	swait.ge @!p0 [sflag:s0], $0x400  }
0x48: {  	[sflag:s0] =	ssyncset.done @!p0 $0x0  }
0x49: {  	[sflag:s0] =	ssyncadd.s32 @!p0 $0xFFFFFC00  }
0x4a: {  	s28 =	simm.s32 $0xF;
	_ =	swait.ge @!p0 [sflag:s0], $0x400  }
0x4b: {  	v18 =	vmov s28;
	s28 =	simm.s32 $0x0;
	[sflag:s0] =	ssyncset.done @!p0 $0x0  }
0x4c: {  	v18 =	vshrl.u32 v18, $0x3;
	v19 =	vmov s28;
	[sflag:s0] =	ssyncadd.s32 @!p0 $0xFFFFFC00  }
0x4d: {  	v18 =	vshll.u32 v18, v2;
	v19 =	vshrl.u32 v19, $0x3;
	_ =	swait.ge @!p0 [sflag:s0], $0x400  }
0x4e: {  	s29 =	simm.s32 $0x1;
	v18 =	vbroadcast v18, $0x0;
	v19 =	vshll.u32 v19, v2;
	[sflag:s0] =	ssyncset.done @!p0 $0x0  }
0x4f: {  	v20 =	vmov s29;
	s28 =	simm.s32 $0x6600;
	v19 =	vbroadcast v19, $0x0;
	[sflag:s0] =	ssyncadd.s32 @!p0 $0xFFFFFC00  }
0x50: {  	v20 =	vshrl.u32 v20, $0x3;
	s5 =	simm.s32 $0x2;
	v22 =	vadd.s32 v16, v18;
	v21 =	vld [tilespmem:s28+$0xE0]  }
0x51: {  	v20 =	vshll.u32 v20, v2;
	v23 =	vmov s5;
	v26 =	vadd.s32 v0, v19;
	v25 =	vld [tilespmem:s28+$0xFFFFFF00]  }
0x52: {  	v20 =	vbroadcast v20, $0x0;
	s5 =	simm.s32 $0x3;
	v23 =	vshrl.u32 v23, $0x3;
	v18 =	vadd.s32 v17, v18;
	v24 =	vld [tilespmem:s28+$0xF0]  }
0x53: {  	v28 =	vmov s5;
	v23 =	vshll.u32 v23, v2;
	v19 =	vadd.s32 v3, v19;
	v27 =	vld [tilespmem:s28+$0xFFFFFF10]  }
0x54: {  	s5 =	simm.s32 $0x4;
	v30 =	vadd.s32 v4, v20;
	v28 =	vshrl.u32 v28, $0x3;
	v23 =	vbroadcast v23, $0x0;
	v29 =	vld [tilespmem:s28+$0xFFFFFF20]  }
0x55: {  	v20 =	vadd.s32 v5, v20;
	v32 =	vmov s5;
	v28 =	vshll.u32 v28, v2;
	v31 =	vld [tilespmem:s28+$0xFFFFFF30];
	[tilespmem:v22+s18+$0x0] =	vst.idx.msk $0xffff, v21  }
0x56: {  	s5 =	simm.s32 $0x5;
	v32 =	vshrl.u32 v32, $0x3;
	v28 =	vbroadcast v28, $0x0;
	v21 =	vld [tilespmem:s28+$0xFFFFFF40];
	v22 =	vadd.s32 v6, v23;
	[tilespmem:v26+s18+$0x0] =	vst.idx.msk $0xffff, v25  }
0x57: {  	v23 =	vadd.s32 v7, v23;
	v25 =	vmov s5;
	[tilespmem:v18+s18+$0x0] =	vst.idx.msk $0xffff, v24;
	v18 =	vld [tilespmem:s28+$0xFFFFFF50];
	v24 =	vshll.u32 v32, v2  }
0x58: {  	v26 =	vadd.s32 v8, v28;
	s5 =	simm.s32 $0x6;
	[tilespmem:v19+s18+$0x0] =	vst.idx.msk $0xffff, v27;
	v19 =	vld [tilespmem:s28+$0xFFFFFF60];
	v25 =	vshrl.u32 v25, $0x3;
	v24 =	vbroadcast v24, $0x0  }
0x59: {  	[tilespmem:v30+s18+$0x0] =	vst.idx.msk $0xffff, v29;
	v28 =	vadd.s32 v9, v28;
	v27 =	vld [tilespmem:s28+$0xFFFFFF70];
	v29 =	vmov s5;
	v25 =	vshll.u32 v25, v2  }
0x5a: {  	[tilespmem:v20+s18+$0x0] =	vst.idx.msk $0xffff, v31;
	v20 =	vld [tilespmem:s28+$0xFFFFFF80];
	s5 =	simm.s32 $0x7;
	v29 =	vshrl.u32 v29, $0x3;
	v25 =	vbroadcast v25, $0x0;
	v30 =	vadd.s32 v10, v24  }
0x5b: {  	[tilespmem:v22+s18+$0x0] =	vst.idx.msk $0xffff, v21;
	v21 =	vld [tilespmem:s28+$0xFFFFFF90];
	v22 =	vadd.s32 v11, v24;
	v24 =	vshll.u32 v29, v2;
	v29 =	vmov s5  }
0x5c: {  	s5 =	simm.s32 $0x8;
	[tilespmem:v23+s18+$0x0] =	vst.idx.msk $0xffff, v18;
	v18 =	vld [tilespmem:s28+$0xFFFFFFA0];
	v23 =	vadd.s32 v12, v25;
	v24 =	vbroadcast v24, $0x0;
	v29 =	vshrl.u32 v29, $0x3  }
0x5d: {  	[tilespmem:v26+s18+$0x0] =	vst.idx.msk $0xffff, v19;
	v19 =	vld [tilespmem:s28+$0xFFFFFFB0];
	v25 =	vadd.s32 v13, v25;
	v26 =	vshll.u32 v29, v2;
	v29 =	vmov s5  }
0x5e: {  	[tilespmem:v28+s18+$0x0] =	vst.idx.msk $0xffff, v27;
	v27 =	vld [tilespmem:s28+$0xFFFFFFC0];
	s5 =	simm.s32 $0x9;
	v28 =	vadd.s32 v14, v24;
	v26 =	vbroadcast v26, $0x0;
	v29 =	vshrl.u32 v29, $0x3  }
0x5f: {  	v24 =	vadd.s32 v15, v24;
	[tilespmem:v30+s18+$0x0] =	vst.idx.msk $0xffff, v20;
	v20 =	vld [tilespmem:s28+$0xFFFFFFD0];
	v29 =	vshll.u32 v29, v2;
	v30 =	vmov s5  }
0x60: {  	s5 =	simm.s32 $0xA;
	[tilespmem:v22+s18+$0x0] =	vst.idx.msk $0xffff, v21;
	v21 =	vld [tilespmem:s28+$0xFFFFFFE0];
	v22 =	vadd.s32 v16, v26;
	v29 =	vbroadcast v29, $0x0;
	v30 =	vshrl.u32 v30, $0x3  }
0x61: {  	[tilespmem:v23+s18+$0x0] =	vst.idx.msk $0xffff, v18;
	v18 =	vld [tilespmem:s28+$0xFFFFFFF0];
	v23 =	vadd.s32 v17, v26;
	v26 =	vshll.u32 v30, v2;
	v30 =	vmov s5  }
0x62: {  	s5 =	simm.s32 $0xB;
	[tilespmem:v25+s18+$0x0] =	vst.idx.msk $0xffff, v19;
	v19 =	vld [tilespmem:s28+$0x0];
	v25 =	vadd.s32 v0, v29;
	v26 =	vbroadcast v26, $0x0;
	v30 =	vshrl.u32 v30, $0x3  }
0x63: {  	[tilespmem:v28+s18+$0x0] =	vst.idx.msk $0xffff, v27;
	v27 =	vld [tilespmem:s28+$0x10];
	v28 =	vadd.s32 v3, v29;
	v29 =	vshll.u32 v30, v2;
	v30 =	vmov s5  }
0x64: {  	s5 =	simm.s32 $0xC;
	[tilespmem:v24+s18+$0x0] =	vst.idx.msk $0xffff, v20;
	v20 =	vld [tilespmem:s28+$0x20];
	v24 =	vadd.s32 v4, v26;
	v29 =	vbroadcast v29, $0x0;
	v30 =	vshrl.u32 v30, $0x3  }
0x65: {  	v31 =	vld [tilespmem:s28+$0x30];
	v63 =	vadd.s32 v5, v26;
	[tilespmem:v22+s18+$0x0] =	vst.idx.msk $0xffff, v21;
	v21 =	vshll.u32 v30, v2;
	v22 =	vmov s5  }
0x66: {  	s5 =	simm.s32 $0xD;
	[tilespmem:v23+s18+$0x0] =	vst.idx.msk $0xffff, v18;
	v23 =	vld [tilespmem:s28+$0x40];
	v30 =	vadd.s32 v6, v29;
	v33 =	vbroadcast v21, $0x0;
	v18 =	vshrl.u32 v22, $0x3  }
0x67: {  	v21 =	vld [tilespmem:s28+$0x50];
	v26 =	vadd.s32 v7, v29;
	[tilespmem:v25+s18+$0x0] =	vst.idx.msk $0xffff, v19;
	v19 =	vshll.u32 v18, v2;
	v25 =	vmov s5  }
0x68: {  	v18 =	vld [tilespmem:s28+$0x60];
	s5 =	simm.s32 $0xE;
	[tilespmem:v28+s18+$0x0] =	vst.idx.msk $0xffff, v27;
	v22 =	vadd.s32 v8, v33;
	v34 =	vbroadcast v19, $0x0;
	v19 =	vshrl.u32 v25, $0x3  }
0x69: {  	v29 =	vmov s5;
	[tilespmem:v24+s18+$0x0] =	vst.idx.msk $0xffff, v20;
	v20 =	vld [tilespmem:s28+$0x70];
	v24 =	vadd.s32 v9, v33;
	v19 =	vshll.u32 v19, v2  }
0x6a: {  	s5 =	simm.s32 $0x1F;
	v25 =	vld [tilespmem:s28+$0x80];
	[tilespmem:v63+s18+$0x0] =	vst.idx.msk $0xffff, v31;
	v27 =	vadd.s32 v10, v34;
	v28 =	vbroadcast v19, $0x0;
	v31 =	vshrl.u32 v29, $0x3  }
0x6b: {  	s29 =	simm.s32 $0x10;
	s0 =	simm.s32 $0x20;
	v29 =	vmov s5;
	v19 =	vld [tilespmem:s28+$0x90];
	[tilespmem:v30+s18+$0x0] =	vst.idx.msk $0xffff, v23;
	v23 =	vadd.s32 v11, v34;
	v30 =	vshll.u32 v31, v2  }
.LBB2_7:
0x6c: {  	p1 =	slt.u32 s0, $0x70;
	v29 =	vshrl.u32 v29, $0x3;
	[tilespmem:v26+s18+$0x0] =	vst.idx.msk $0xffff, v21;
	v21 =	vld [tilespmem:s28+$0xA0];
	v26 =	vadd.s32 v12, v28;
	v30 =	vbroadcast v30, $0x0  }
0x6d: {  	v31 =	vmov s29;
	v29 =	vshll.u32 v29, v2;
	[tilespmem:v22+s18+$0x0] =	vst.idx.msk $0xffff, v18;
	v18 =	vld [tilespmem:s28+$0xB0];
	v22 =	vadd.s32 v13, v28  }
0x6e: {  	s5 =	sadd.s32 $0x1, s29;
	v28 =	vshrl.u32 v31, $0x3;
	v29 =	vbroadcast v29, $0x0;
	[tilespmem:v24+s18+$0x0] =	vst.idx.msk $0xffff, v20;
	v20 =	vld [tilespmem:s28+$0xC0];
	v24 =	vadd.s32 v14, v30  }
0x6f: {  	v31 =	vmov s5;
	v28 =	vshll.u32 v28, v2;
	[tilespmem:v27+s18+$0x0] =	vst.idx.msk $0xffff, v25;
	v25 =	vld [tilespmem:s28+$0xD0];
	v27 =	vadd.s32 v15, v30;
	s28 =	sadd.s32 $0x200, s28  }
0x70: {  	s5 =	sadd.s32 $0x2, s29;
	v28 =	vbroadcast v28, $0x0;
	v30 =	vshrl.u32 v31, $0x3;
	v31 =	vld [tilespmem:s28+$0xE0];
	v32 =	vadd.s32 v16, v29;
	[tilespmem:v23+s18+$0x0] =	vst.idx.msk $0xffff, v19  }
0x71: {  	v19 =	vshll.u32 v30, v2;
	v23 =	vmov s5;
	v29 =	vadd.s32 v17, v29;
	v30 =	vld [tilespmem:s28+$0xF0];
	[tilespmem:v26+s18+$0x0] =	vst.idx.msk $0xffff, v21  }
0x72: {  	s5 =	sadd.s32 $0x3, s29;
	v26 =	vadd.s32 v0, v28;
	v19 =	vbroadcast v19, $0x0;
	v23 =	vshrl.u32 v23, $0x3;
	v21 =	vld [tilespmem:s28+$0xFFFFFF00];
	[tilespmem:v22+s18+$0x0] =	vst.idx.msk $0xffff, v18  }
0x73: {  	v22 =	vadd.s32 v3, v28;
	v23 =	vshll.u32 v23, v2;
	v28 =	vmov s5;
	v18 =	vld [tilespmem:s28+$0xFFFFFF10];
	[tilespmem:v24+s18+$0x0] =	vst.idx.msk $0xffff, v20  }
0x74: {  	s5 =	sadd.s32 $0x4, s29;
	v24 =	vadd.s32 v4, v19;
	v23 =	vbroadcast v23, $0x0;
	v28 =	vshrl.u32 v28, $0x3;
	v20 =	vld [tilespmem:s28+$0xFFFFFF20];
	[tilespmem:v27+s18+$0x0] =	vst.idx.msk $0xffff, v25  }
0x75: {  	v19 =	vadd.s32 v5, v19;
	v27 =	vshll.u32 v28, v2;
	v28 =	vmov s5;
	v25 =	vld [tilespmem:s28+$0xFFFFFF30];
	[tilespmem:v32+s18+$0x0] =	vst.idx.msk $0xffff, v31  }
0x76: {  	s5 =	sadd.s32 $0x5, s29;
	v32 =	vadd.s32 v6, v23;
	v27 =	vbroadcast v27, $0x0;
	v28 =	vshrl.u32 v28, $0x3;
	v31 =	vld [tilespmem:s28+$0xFFFFFF40];
	[tilespmem:v29+s18+$0x0] =	vst.idx.msk $0xffff, v30  }
0x77: {  	v23 =	vadd.s32 v7, v23;
	[tilespmem:v26+s18+$0x0] =	vst.idx.msk $0xffff, v21;
	v21 =	vld [tilespmem:s28+$0xFFFFFF50];
	v26 =	vshll.u32 v28, v2;
	v28 =	vmov s5  }
0x78: {  	s5 =	sadd.s32 $0x6, s29;
	[tilespmem:v22+s18+$0x0] =	vst.idx.msk $0xffff, v18;
	v18 =	vld [tilespmem:s28+$0xFFFFFF60];
	v22 =	vadd.s32 v8, v27;
	v26 =	vbroadcast v26, $0x0;
	v28 =	vshrl.u32 v28, $0x3  }
0x79: {  	[tilespmem:v24+s18+$0x0] =	vst.idx.msk $0xffff, v20;
	v20 =	vld [tilespmem:s28+$0xFFFFFF70];
	v24 =	vadd.s32 v9, v27;
	v27 =	vshll.u32 v28, v2;
	v28 =	vmov s5  }
0x7a: {  	s5 =	sadd.s32 $0x7, s29;
	[tilespmem:v19+s18+$0x0] =	vst.idx.msk $0xffff, v25;
	v19 =	vld [tilespmem:s28+$0xFFFFFF80];
	v25 =	vadd.s32 v10, v26;
	v27 =	vbroadcast v27, $0x0;
	v28 =	vshrl.u32 v28, $0x3  }
0x7b: {  	v26 =	vadd.s32 v11, v26;
	v30 =	vmov s5;
	[tilespmem:v32+s18+$0x0] =	vst.idx.msk $0xffff, v31;
	v29 =	vld [tilespmem:s28+$0xFFFFFF90];
	v28 =	vshll.u32 v28, v2  }
0x7c: {  	s5 =	sadd.s32 $0x8, s29;
	v30 =	vshrl.u32 v30, $0x3;
	[tilespmem:v23+s18+$0x0] =	vst.idx.msk $0xffff, v21;
	v21 =	vld [tilespmem:s28+$0xFFFFFFA0];
	v23 =	vadd.s32 v12, v27;
	v28 =	vbroadcast v28, $0x0  }
0x7d: {  	[tilespmem:v22+s18+$0x0] =	vst.idx.msk $0xffff, v18;
	v18 =	vld [tilespmem:s28+$0xFFFFFFB0];
	v22 =	vadd.s32 v13, v27;
	v27 =	vshll.u32 v30, v2;
	v30 =	vmov s5  }
0x7e: {  	s5 =	sadd.s32 $0x9, s29;
	[tilespmem:v24+s18+$0x0] =	vst.idx.msk $0xffff, v20;
	v20 =	vld [tilespmem:s28+$0xFFFFFFC0];
	v24 =	vadd.s32 v14, v28;
	v27 =	vbroadcast v27, $0x0;
	v30 =	vshrl.u32 v30, $0x3  }
0x7f: {  	[tilespmem:v25+s18+$0x0] =	vst.idx.msk $0xffff, v19;
	v19 =	vld [tilespmem:s28+$0xFFFFFFD0];
	v25 =	vadd.s32 v15, v28;
	v28 =	vshll.u32 v30, v2;
	v30 =	vmov s5  }
0x80: {  	s5 =	sadd.s32 $0xA, s29;
	[tilespmem:v26+s18+$0x0] =	vst.idx.msk $0xffff, v29;
	v26 =	vld [tilespmem:s28+$0xFFFFFFE0];
	v29 =	vadd.s32 v16, v27;
	v28 =	vbroadcast v28, $0x0;
	v30 =	vshrl.u32 v30, $0x3  }
0x81: {  	[tilespmem:v23+s18+$0x0] =	vst.idx.msk $0xffff, v21;
	v21 =	vld [tilespmem:s28+$0xFFFFFFF0];
	v23 =	vadd.s32 v17, v27;
	v27 =	vshll.u32 v30, v2;
	v30 =	vmov s5  }
0x82: {  	s5 =	sadd.s32 $0xB, s29;
	[tilespmem:v22+s18+$0x0] =	vst.idx.msk $0xffff, v18;
	v18 =	vld [tilespmem:s28+$0x0];
	v22 =	vadd.s32 v0, v28;
	v27 =	vbroadcast v27, $0x0;
	v30 =	vshrl.u32 v30, $0x3  }
0x83: {  	[tilespmem:v24+s18+$0x0] =	vst.idx.msk $0xffff, v20;
	v20 =	vld [tilespmem:s28+$0x10];
	v24 =	vadd.s32 v3, v28;
	v28 =	vshll.u32 v30, v2;
	v30 =	vmov s5  }
0x84: {  	s5 =	sadd.s32 $0xC, s29;
	[tilespmem:v25+s18+$0x0] =	vst.idx.msk $0xffff, v19;
	v19 =	vld [tilespmem:s28+$0x20];
	v25 =	vadd.s32 v4, v27;
	v28 =	vbroadcast v28, $0x0;
	v30 =	vshrl.u32 v30, $0x3  }
0x85: {  	v27 =	vadd.s32 v5, v27;
	[tilespmem:v29+s18+$0x0] =	vst.idx.msk $0xffff, v26;
	v29 =	vld [tilespmem:s28+$0x30];
	v26 =	vshll.u32 v30, v2;
	v30 =	vmov s5  }
0x86: {  	s5 =	sadd.s32 $0xD, s29;
	[tilespmem:v23+s18+$0x0] =	vst.idx.msk $0xffff, v21;
	v23 =	vld [tilespmem:s28+$0x40];
	v31 =	vadd.s32 v6, v28;
	v32 =	vbroadcast v26, $0x0;
	v30 =	vshrl.u32 v30, $0x3  }
.Ltmp2:
0x87: {  	v26 =	vadd.s32 v7, v28;
	[tilespmem:v22+s18+$0x0] =	vst.idx.msk $0xffff, v18;
	v21 =	vld [tilespmem:s28+$0x50];
	v28 =	vshll.u32 v30, v2;
	v30 =	vmov s5;
	(pc) =	sbr.rel @p1 .LBB2_7-.Ltmp2, $4  }
0x88: {  	s5 =	sadd.s32 $0xE, s29;
	s29 =	smov.u32 s0;
	[tilespmem:v24+s18+$0x0] =	vst.idx.msk $0xffff, v20;
	v18 =	vld [tilespmem:s28+$0x60];
	v22 =	vadd.s32 v8, v32;
	v33 =	vbroadcast v28, $0x0;
	v28 =	vshrl.u32 v30, $0x3  }
0x89: {  	v24 =	vadd.s32 v9, v32;
	v30 =	vmov s5;
	[tilespmem:v25+s18+$0x0] =	vst.idx.msk $0xffff, v19;
	v20 =	vld [tilespmem:s28+$0x70];
	v19 =	vshll.u32 v28, v2  }
0x8a: {  	s5 =	sadd.s32 $0xF, s0;
	v30 =	vshrl.u32 v30, $0x3;
	[tilespmem:v27+s18+$0x0] =	vst.idx.msk $0xffff, v29;
	v25 =	vld [tilespmem:s28+$0x80];
	v27 =	vadd.s32 v10, v33;
	v28 =	vbroadcast v19, $0x0  }
0x8b: {  	s0 =	sadd.s32 $0x10, s0;
	v29 =	vmov s5;
	v30 =	vshll.u32 v30, v2;
	[tilespmem:v31+s18+$0x0] =	vst.idx.msk $0xffff, v23;
	v19 =	vld [tilespmem:s28+$0x90];
	v23 =	vadd.s32 v11, v33  }
0x8c: {  	_ = 	snop  }
0x8d: {  	v29 =	vshrl.u32 v29, $0x3;
	v42 =	vld [tilespmem:s28+$0xA0];
	v43 =	vadd.s32 v12, v28;
	v30 =	vbroadcast v30, $0x0  }
0x8e: {  	v31 =	vmov s29;
	v44 =	vadd.s32 v13, v28;
	s0 =	sadd.s32 $0x1, s29;
	v46 =	vld [tilespmem:s28+$0xC0];
	s5 =	sadd.s32 $0x2, s29;
	v29 =	vshll.u32 v29, v2  }
0x8f: {  	v49 =	vld [tilespmem:s28+$0xD0];
	v45 =	vshrl.u32 v31, $0x3;
	v48 =	vmov s0;
	v53 =	vmov s5  }
0x90: {  	[tilespmem:v22+s18+$0x0] =	vst.idx.msk $0xffff, v18;
	v18 =	vld [tilespmem:s28+$0xB0];
	s0 =	sadd.s32 $0x200, s28;
	s28 =	sadd.s32 $0x3, s29;
	v29 =	vbroadcast v29, $0x0;
	v47 =	vadd.s32 v14, v30;
	v28 =	vshll.u32 v45, v2  }
0x91: {  	[tilespmem:v26+s18+$0x0] =	vst.idx.msk $0xffff, v21;
	v50 =	vadd.s32 v15, v30;
	v51 =	vshrl.u32 v48, $0x3;
	v58 =	vmov s28;
	s28 =	sadd.s32 $0x4, s29  }
0x92: {  	[tilespmem:v27+s18+$0x0] =	vst.idx.msk $0xffff, v25;
	v28 =	vbroadcast v28, $0x0;
	v63 =	vmov s28;
	v32 =	vadd.s32 v16, v29  }
0x93: {  	v52 =	vld [tilespmem:s0+$0xE0];
	s28 =	sadd.s32 $0x5, s29;
	[tilespmem:v23+s18+$0x0] =	vst.idx.msk $0xffff, v19;
	v19 =	vshll.u32 v51, v2;
	v29 =	vadd.s32 v17, v29;
	v23 =	vshrl.u32 v53, $0x3  }
0x94: {  	[tilespmem:v24+s18+$0x0] =	vst.idx.msk $0xffff, v20;
	v54 =	vld [tilespmem:s0+$0xF0];
	v40 =	vmov s28;
	v56 =	vadd.s32 v0, v28;
	v19 =	vbroadcast v19, $0x0  }
0x95: {  	v55 =	vld [tilespmem:s0+$0xFFFFFF00];
	s28 =	sadd.s32 $0x6, s29;
	[tilespmem:v43+s18+$0x0] =	vst.idx.msk $0xffff, v42;
	v57 =	vadd.s32 v3, v28;
	v23 =	vshll.u32 v23, v2;
	v28 =	vshrl.u32 v58, $0x3  }
0x96: {  	v59 =	vld [tilespmem:s0+$0xFFFFFF20];
	v45 =	vmov s28;
	s28 =	sadd.s32 $0x7, s29;
	[tilespmem:v44+s18+$0x0] =	vst.idx.msk $0xffff, v18;
	v23 =	vbroadcast v23, $0x0;
	v62 =	vshll.u32 v28, v2  }
0x97: {  	v18 =	vld [tilespmem:s0+$0xFFFFFF10];
	v28 =	vshrl.u32 v63, $0x3;
	v48 =	vmov s28;
	[tilespmem:v47+s18+$0x0] =	vst.idx.msk $0xffff, v46;
	v60 =	vadd.s32 v4, v19  }
0x98: {  	v61 =	vld [tilespmem:s0+$0xFFFFFF30];
	v19 =	vadd.s32 v5, v19;
	v27 =	vbroadcast v62, $0x0;
	v39 =	vshll.u32 v28, v2;
	[tilespmem:v50+s18+$0x0] =	vst.idx.msk $0xffff, v49  }
0x99: {  	v36 =	vld [tilespmem:s0+$0xFFFFFF40];
	v28 =	vshrl.u32 v40, $0x3;
	v30 =	vshrl.u32 v48, $0x3;
	v37 =	vadd.s32 v6, v23;
	[tilespmem:v32+s18+$0x0] =	vst.idx.msk $0xffff, v52  }
0x9a: {  	v38 =	vld [tilespmem:s0+$0xFFFFFF50];
	v23 =	vadd.s32 v7, v23;
	v44 =	vshll.u32 v28, v2;
	v28 =	vshrl.u32 v45, $0x3;
	[tilespmem:v29+s18+$0x0] =	vst.idx.msk $0xffff, v54  }
0x9b: {  	v42 =	vld [tilespmem:s0+$0xFFFFFF70];
	s28 =	sadd.s32 $0x8, s29;
	v41 =	vadd.s32 v8, v27;
	v43 =	vadd.s32 v9, v27;
	v27 =	vbroadcast v44, $0x0;
	[tilespmem:v56+s18+$0x0] =	vst.idx.msk $0xffff, v55  }
0x9c: {  	v53 =	vmov s28;
	s28 =	sadd.s32 $0x9, s29;
	v26 =	vbroadcast v39, $0x0;
	v28 =	vshll.u32 v28, v2;
	[tilespmem:v57+s18+$0x0] =	vst.idx.msk $0xffff, v18;
	v18 =	vld [tilespmem:s0+$0xFFFFFF60]  }
0x9d: {  	v49 =	vld [tilespmem:s0+$0xFFFFFFA0];
	v58 =	vmov s28;
	v52 =	vshll.u32 v30, v2;
	v50 =	vadd.s32 v12, v27;
	[tilespmem:v60+s18+$0x0] =	vst.idx.msk $0xffff, v59  }
0x9e: {  	s28 =	sadd.s32 $0xA, s29;
	v30 =	vshrl.u32 v53, $0x3;
	v46 =	vadd.s32 v10, v26;
	v28 =	vbroadcast v28, $0x0;
	[tilespmem:v19+s18+$0x0] =	vst.idx.msk $0xffff, v61;
	v19 =	vld [tilespmem:s0+$0xFFFFFF80]  }
0x9f: {  	v47 =	vld [tilespmem:s0+$0xFFFFFF90];
	v33 =	vmov s28;
	v26 =	vadd.s32 v11, v26;
	v51 =	vadd.s32 v13, v27;
	[tilespmem:v37+s18+$0x0] =	vst.idx.msk $0xffff, v36  }
0xa0: {  	v54 =	vld [tilespmem:s0+$0xFFFFFFC0];
	v27 =	vbroadcast v52, $0x0;
	v57 =	vshll.u32 v30, v2;
	v55 =	vadd.s32 v14, v28;
	[tilespmem:v23+s18+$0x0] =	vst.idx.msk $0xffff, v38  }
0xa1: {  	v30 =	vshrl.u32 v58, $0x3;
	v56 =	vadd.s32 v15, v28;
	v28 =	vbroadcast v57, $0x0;
	[tilespmem:v41+s18+$0x0] =	vst.idx.msk $0xffff, v18;
	v18 =	vld [tilespmem:s0+$0xFFFFFFB0]  }
0xa2: {  	v59 =	vld [tilespmem:s0+$0xFFFFFFE0];
	v63 =	vshll.u32 v30, v2;
	v30 =	vshrl.u32 v33, $0x3;
	v60 =	vadd.s32 v16, v27;
	[tilespmem:v50+s18+$0x0] =	vst.idx.msk $0xffff, v49  }
0xa3: {  	s28 =	sadd.s32 $0xB, s29;
	v62 =	vadd.s32 v17, v27;
	v37 =	vshll.u32 v30, v2;
	[tilespmem:v46+s18+$0x0] =	vst.idx.msk $0xffff, v19;
	v19 =	vld [tilespmem:s0+$0xFFFFFFD0]  }
0xa4: {  	v35 =	vld [tilespmem:s0+$0x10];
	v34 =	vadd.s32 v0, v28;
	v36 =	vadd.s32 v3, v28;
	v38 =	vmov s28;
	s28 =	sadd.s32 $0xC, s29;
	[tilespmem:v43+s18+$0x0] =	vst.idx.msk $0xffff, v42  }
0xa5: {  	v61 =	vld [tilespmem:s0+$0xFFFFFFF0];
	v28 =	vbroadcast v37, $0x0;
	v30 =	vshrl.u32 v38, $0x3;
	v42 =	vmov s28;
	[tilespmem:v55+s18+$0x0] =	vst.idx.msk $0xffff, v54  }
0xa6: {  	v27 =	vbroadcast v63, $0x0;
	v41 =	vshll.u32 v30, v2;
	v30 =	vshrl.u32 v42, $0x3;
	[tilespmem:v51+s18+$0x0] =	vst.idx.msk $0xffff, v18;
	v18 =	vld [tilespmem:s0+$0x0]  }
0xa7: {  	v44 =	vadd.s32 v6, v28;
	v43 =	vld [tilespmem:s0+$0x40];
	[tilespmem:v60+s18+$0x0] =	vst.idx.msk $0xffff, v59;
	v46 =	vshll.u32 v30, v2  }
0xa8: {  	v39 =	vadd.s32 v4, v27;
	v45 =	vadd.s32 v7, v28;
	v28 =	vbroadcast v46, $0x0;
	[tilespmem:v56+s18+$0x0] =	vst.idx.msk $0xffff, v19;
	v19 =	vld [tilespmem:s0+$0x20]  }
0xa9: {  	v40 =	vld [tilespmem:s0+$0x30];
	[tilespmem:v26+s18+$0x0] =	vst.idx.msk $0xffff, v47  }
0xaa: {  	v53 =	vld [tilespmem:s0+$0x80];
	v29 =	vbroadcast v41, $0x0;
	s28 =	sadd.s32 $0xD, s29;
	[tilespmem:v62+s18+$0x0] =	vst.idx.msk $0xffff, v61;
	v54 =	vadd.s32 v10, v28  }
0xab: {  	v47 =	vmov s28;
	[tilespmem:v34+s18+$0x0] =	vst.idx.msk $0xffff, v18;
	v18 =	vld [tilespmem:s0+$0x50]  }
0xac: {  	v48 =	vld [tilespmem:s0+$0x60];
	s29 =	sadd.s32 $0xE, s29;
	v49 =	vadd.s32 v8, v29;
	v30 =	vshrl.u32 v47, $0x3;
	[tilespmem:v44+s18+$0x0] =	vst.idx.msk $0xffff, v43  }
0xad: {  	v52 =	vmov s29;
	v50 =	vadd.s32 v9, v29;
	v51 =	vshll.u32 v30, v2;
	[tilespmem:v39+s18+$0x0] =	vst.idx.msk $0xffff, v19;
	v19 =	vld [tilespmem:s0+$0x70]  }
0xae: {  	v55 =	vld [tilespmem:s0+$0x90];
	v30 =	vshrl.u32 v52, $0x3;
	v29 =	vbroadcast v51, $0x0;
	v56 =	vadd.s32 v11, v28;
	[tilespmem:v36+s18+$0x0] =	vst.idx.msk $0xffff, v35  }
0xaf: {  	v27 =	vadd.s32 v5, v27;
	v57 =	vshll.u32 v30, v2;
	[tilespmem:v54+s18+$0x0] =	vst.idx.msk $0xffff, v53  }
0xb0: {  	v28 =	vbroadcast v57, $0x0;
	v58 =	vadd.s32 v12, v29;
	[tilespmem:v45+s18+$0x0] =	vst.idx.msk $0xffff, v18;
	v18 =	vld [tilespmem:s0+$0xA0]  }
0xb1: {  	v59 =	vld [tilespmem:s0+$0xB0];
	v60 =	vadd.s32 v13, v29;
	[tilespmem:v49+s18+$0x0] =	vst.idx.msk $0xffff, v48  }
0xb2: {  	v61 =	vadd.s32 v14, v28;
	[tilespmem:v50+s18+$0x0] =	vst.idx.msk $0xffff, v19;
	v19 =	vld [tilespmem:s0+$0xC0]  }
0xb3: {  	v62 =	vld [tilespmem:s0+$0xD0];
	v63 =	vadd.s32 v15, v28;
	[tilespmem:v56+s18+$0x0] =	vst.idx.msk $0xffff, v55  }
0xb4: {  	[tilespmem:v27+s18+$0x0] =	vst.idx.msk $0xffff, v40  }
0xb5: {  	s28 =	sshll.u32 s24, $0x12;
	[tilespmem:v58+s18+$0x0] =	vst.idx.msk $0xffff, v18  }
0xb6: {  	s0 =	sor.u32 s6, s28;
	[tilespmem:v60+s18+$0x0] =	vst.idx.msk $0xffff, v59  }
0xb7: {  	s0 =	sshrl.u32 s0, $0x3;
	[tilespmem:v61+s18+$0x0] =	vst.idx.msk $0xffff, v19  }
0xb8: {  	s5 =	sadd.s32 s2, s0;
	[tilespmem:v63+s18+$0x0] =	vst.idx.msk $0xffff, v62  }
0xb9: {  	[hbm4b:s5+s3] =	stream.linear.scatter [tilespmem:s18], [sflag:$0x3], $0x80, $0x38;
	[tilespmem:$0xA700] =	vst v63  }
0xba: {  	s29 =	simm.s32 $0x8588;
	s28 =	sadd.s32 $0x10, s5  }
0xbb: {  	[hbm4b:s28+s3] =	stream.linear.scatter [tilespmem:s29], [sflag:$0x3], $0x80, $0x38;
	[tilespmem:$0xA700] =	vst v63  }
0xbc: {  	s28 =	sadd.s32 $0x20, s5;
	s29 =	simm.s32 $0x8610  }
0xbd: {  	[hbm4b:s28+s3] =	stream.linear.scatter [tilespmem:s29], [sflag:$0x3], $0x80, $0x38;
	[tilespmem:$0xA700] =	vst v63  }
0xbe: {  	s28 =	sadd.s32 $0x30, s5;
	s29 =	simm.s32 $0x8698  }
0xbf: {  	[hbm4b:s28+s3] =	stream.linear.scatter [tilespmem:s29], [sflag:$0x3], $0x80, $0x38;
	[tilespmem:$0xA700] =	vst v63  }
0xc0: {  	s28 =	sadd.s32 $0x40, s5;
	s29 =	simm.s32 $0x8720  }
0xc1: {  	[hbm4b:s28+s3] =	stream.linear.scatter [tilespmem:s29], [sflag:$0x3], $0x80, $0x38;
	[tilespmem:$0xA700] =	vst v63  }
0xc2: {  	s28 =	sadd.s32 $0x50, s5;
	s29 =	simm.s32 $0x87A8  }
0xc3: {  	[hbm4b:s28+s3] =	stream.linear.scatter [tilespmem:s29], [sflag:$0x3], $0x80, $0x38;
	[tilespmem:$0xA700] =	vst v63  }
0xc4: {  	s28 =	sadd.s32 $0x60, s5;
	s29 =	simm.s32 $0x8830  }
0xc5: {  	[hbm4b:s28+s3] =	stream.linear.scatter [tilespmem:s29], [sflag:$0x3], $0x80, $0x38;
	[tilespmem:$0xA700] =	vst v63  }
0xc6: {  	s5 =	sadd.s32 $0x70, s5;
	s29 =	simm.s32 $0x88B8  }
0xc7: {  	[hbm4b:s5+s3] =	stream.linear.scatter [tilespmem:s29], [sflag:$0x3], $0x80, $0x38;
	[tilespmem:$0xA700] =	vst v63  }
0xc8: {  	s5 =	sadd.s32 s0, s7;
	s29 =	simm.s32 $0x8940  }
0xc9: {  	[hbm4b:s5+s3] =	stream.linear.scatter [tilespmem:s29], [sflag:$0x3], $0x80, $0x38;
	[tilespmem:$0xA700] =	vst v63  }
0xca: {  	s28 =	sadd.s32 $0x10, s5;
	s29 =	simm.s32 $0x89C8  }
0xcb: {  	[hbm4b:s28+s3] =	stream.linear.scatter [tilespmem:s29], [sflag:$0x3], $0x80, $0x38;
	[tilespmem:$0xA700] =	vst v63  }
0xcc: {  	s28 =	sadd.s32 $0x20, s5;
	s29 =	simm.s32 $0x8A50  }
0xcd: {  	[hbm4b:s28+s3] =	stream.linear.scatter [tilespmem:s29], [sflag:$0x3], $0x80, $0x38;
	[tilespmem:$0xA700] =	vst v63  }
0xce: {  	s28 =	sadd.s32 $0x30, s5;
	s29 =	simm.s32 $0x8AD8  }
0xcf: {  	[hbm4b:s28+s3] =	stream.linear.scatter [tilespmem:s29], [sflag:$0x3], $0x80, $0x38;
	[tilespmem:$0xA700] =	vst v63  }
0xd0: {  	s28 =	sadd.s32 $0x40, s5;
	s29 =	simm.s32 $0x8B60  }
0xd1: {  	[hbm4b:s28+s3] =	stream.linear.scatter [tilespmem:s29], [sflag:$0x3], $0x80, $0x38;
	[tilespmem:$0xA700] =	vst v63  }
0xd2: {  	s28 =	sadd.s32 $0x50, s5;
	s29 =	simm.s32 $0x8BE8  }
0xd3: {  	[hbm4b:s28+s3] =	stream.linear.scatter [tilespmem:s29], [sflag:$0x3], $0x80, $0x38;
	[tilespmem:$0xA700] =	vst v63  }
0xd4: {  	s28 =	sadd.s32 $0x60, s5;
	s29 =	simm.s32 $0x8C70  }
0xd5: {  	[hbm4b:s28+s3] =	stream.linear.scatter [tilespmem:s29], [sflag:$0x3], $0x80, $0x38;
	[tilespmem:$0xA700] =	vst v63  }
0xd6: {  	s5 =	sadd.s32 $0x70, s5;
	s29 =	simm.s32 $0x8CF8  }
0xd7: {  	[hbm4b:s5+s3] =	stream.linear.scatter [tilespmem:s29], [sflag:$0x3], $0x80, $0x38;
	[tilespmem:$0xA700] =	vst v63  }
0xd8: {  	s5 =	sadd.s32 s0, s8;
	s29 =	simm.s32 $0x8D80  }
0xd9: {  	[hbm4b:s5+s3] =	stream.linear.scatter [tilespmem:s29], [sflag:$0x3], $0x80, $0x38;
	[tilespmem:$0xA700] =	vst v63  }
0xda: {  	s28 =	sadd.s32 $0x10, s5;
	s29 =	simm.s32 $0x8E08  }
0xdb: {  	[hbm4b:s28+s3] =	stream.linear.scatter [tilespmem:s29], [sflag:$0x3], $0x80, $0x38;
	[tilespmem:$0xA700] =	vst v63  }
0xdc: {  	s28 =	sadd.s32 $0x20, s5;
	s29 =	simm.s32 $0x8E90  }
0xdd: {  	[hbm4b:s28+s3] =	stream.linear.scatter [tilespmem:s29], [sflag:$0x3], $0x80, $0x38;
	[tilespmem:$0xA700] =	vst v63  }
0xde: {  	s28 =	sadd.s32 $0x30, s5;
	s29 =	simm.s32 $0x8F18  }
0xdf: {  	[hbm4b:s28+s3] =	stream.linear.scatter [tilespmem:s29], [sflag:$0x3], $0x80, $0x38;
	[tilespmem:$0xA700] =	vst v63  }
0xe0: {  	s28 =	sadd.s32 $0x40, s5;
	s29 =	simm.s32 $0x8FA0  }
0xe1: {  	[hbm4b:s28+s3] =	stream.linear.scatter [tilespmem:s29], [sflag:$0x3], $0x80, $0x38;
	[tilespmem:$0xA700] =	vst v63  }
0xe2: {  	s28 =	sadd.s32 $0x50, s5;
	s29 =	simm.s32 $0x9028  }
0xe3: {  	[hbm4b:s28+s3] =	stream.linear.scatter [tilespmem:s29], [sflag:$0x3], $0x80, $0x38;
	[tilespmem:$0xA700] =	vst v63  }
0xe4: {  	s28 =	sadd.s32 $0x60, s5;
	s29 =	simm.s32 $0x90B0  }
0xe5: {  	[hbm4b:s28+s3] =	stream.linear.scatter [tilespmem:s29], [sflag:$0x3], $0x80, $0x38;
	[tilespmem:$0xA700] =	vst v63  }
0xe6: {  	s5 =	sadd.s32 $0x70, s5;
	s29 =	simm.s32 $0x9138  }
0xe7: {  	[hbm4b:s5+s3] =	stream.linear.scatter [tilespmem:s29], [sflag:$0x3], $0x80, $0x38;
	[tilespmem:$0xA700] =	vst v63  }
0xe8: {  	s0 =	sadd.s32 s0, s9;
	s28 =	simm.s32 $0x91C0  }
0xe9: {  	[hbm4b:s0+s3] =	stream.linear.scatter [tilespmem:s28], [sflag:$0x3], $0x80, $0x38;
	[tilespmem:$0xA700] =	vst v63  }
0xea: {  	s5 =	sadd.s32 $0x10, s0;
	s29 =	simm.s32 $0x9248  }
0xeb: {  	[hbm4b:s5+s3] =	stream.linear.scatter [tilespmem:s29], [sflag:$0x3], $0x80, $0x38;
	[tilespmem:$0xA700] =	vst v63  }
0xec: {  	s5 =	sadd.s32 $0x20, s0;
	s29 =	simm.s32 $0x92D0  }
0xed: {  	[hbm4b:s5+s3] =	stream.linear.scatter [tilespmem:s29], [sflag:$0x3], $0x80, $0x38;
	[tilespmem:$0xA700] =	vst v63  }
0xee: {  	s5 =	sadd.s32 $0x30, s0;
	s29 =	simm.s32 $0x9358  }
0xef: {  	[hbm4b:s5+s3] =	stream.linear.scatter [tilespmem:s29], [sflag:$0x3], $0x80, $0x38;
	[tilespmem:$0xA700] =	vst v63  }
0xf0: {  	s5 =	sadd.s32 $0x40, s0;
	s29 =	simm.s32 $0x93E0  }
0xf1: {  	[hbm4b:s5+s3] =	stream.linear.scatter [tilespmem:s29], [sflag:$0x3], $0x80, $0x38;
	[tilespmem:$0xA700] =	vst v63  }
0xf2: {  	p1 =	seq.s32 s24, $0x63;
	s5 =	sadd.s32 $0x50, s0;
	s29 =	simm.s32 $0x9468  }
0xf3: {  	[hbm4b:s5+s3] =	stream.linear.scatter [tilespmem:s29], [sflag:$0x3], $0x80, $0x38;
	[tilespmem:$0xA700] =	vst v63  }
.Ltmp3:
0xf4: {  	_ = 	snop;
	(pc) =	sbr.rel @!p1 .LBB2_9-.Ltmp3, $4  }
0xf5: {  	s5 =	sadd.s32 $0x60, s0;
	s29 =	simm.s32 $0x94F0  }
0xf6: {  	[hbm4b:s5+s3] =	stream.linear.scatter [tilespmem:s29], [sflag:$0x3], $0x80, $0x38;
	[tilespmem:$0xA700] =	vst v63  }
0xf7: {  	s0 =	sadd.s32 $0x70, s0;
	s29 =	simm.s32 $0x9578  }
0xf8: {  	[hbm4b:s0+s3] =	stream.linear.scatter [tilespmem:s29], [sflag:$0x3], $0x80, $0x38;
	[tilespmem:$0xA700] =	vst v63  }
.Ltmp4:
0xf9: {  	(pc) =	sbr.rel .LBB2_12-.Ltmp4, $4  }
0xfa: {  	_ = 	snop  }
0xfb: {  	_ =	swait.ge [sflag:s30], $0x1000  }
0xfc: {  	[sflag:s30] =	ssyncset.done $0x0  }
0xfd: {  	[sflag:s30] =	ssyncadd.s32 $0xFFFFF000  }
.LBB2_9:
0xfe: {  	s0 =	sadd.s32 $0x2, s26  }
0xff: {  	v18 =	vmov s0  }
0x100: {  	v19 =	vand.u32 $0x6, v18  }
0x101: {  	p1 =	por $0x1, $0x1;
	s0 =	simm.s32 $0x0;
	v19 =	vbroadcast v19, $0x0  }
.LBB2_10:
0x102: {  	v20 =	vmov s0;
	s5 =	sor.u32 $0x10, s0  }
0x103: {  	s28 =	sor.u32 $0x20, s0;
	v20 =	vmul.u32 $0xC8, v20;
	v21 =	vmov s5  }
0x104: {  	s29 =	sor.u32 $0x30, s0;
	v22 =	vmov s28;
	v21 =	vmul.u32 $0xC8, v21  }
0x105: {  	v23 =	vmov s29;
	v22 =	vmul.u32 $0xC8, v22;
	v20 =	vadd.s32 v18, v20  }
0x106: {  	v23 =	vmul.u32 $0xC8, v23;
	v20 =	vbroadcast v20, $0x0;
	v21 =	vadd.s32 v18, v21  }
0x107: {  	v22 =	vadd.s32 v18, v22;
	v21 =	vbroadcast v21, $0x0  }
0x108: {  	v23 =	vadd.s32 v18, v23;
	v22 =	vbroadcast v22, $0x0;
	v20 =	vadd.s32 v1, v20  }
0x109: {  	v23 =	vbroadcast v23, $0x0;
	v20 =	vand.u32 $0xFFFFFFF8, v20;
	v21 =	vadd.s32 v1, v21  }
0x10a: {  	v22 =	vadd.s32 v1, v22;
	v20 =	vor.u32 v19, v20;
	v21 =	vand.u32 $0xFFFFFFF8, v21  }
0x10b: {  	v23 =	vadd.s32 v1, v23;
	v22 =	vand.u32 $0xFFFFFFF8, v22;
	v21 =	vor.u32 v19, v21  }
0x10c: {  	v23 =	vand.u32 $0xFFFFFFF8, v23;
	v22 =	vor.u32 v19, v22  }
0x10d: {  	v23 =	vor.u32 v19, v23;
	_ =	sdelay $0x1  }
0x10e: {  	v20 =	vld.idx.msk [tilespmem:v20+s3+$0x0], $0xffff  }
0x10f: {  	v21 =	vld.idx.msk [tilespmem:v21+s3+$0x0], $0xffff  }
0x110: {  	v22 =	vld.idx.msk [tilespmem:v22+s3+$0x0], $0xffff  }
0x111: {  	p2 =	por p1, p1;
	v23 =	vld.idx.msk [tilespmem:v23+s3+$0x0], $0xffff  }
.Ltmp5:
0x112: {  	_ = 	snop;
	(pc) =	sbr.rel @p2 .LBB2_10-.Ltmp5, $4  }
0x113: {  	[tilespmem:s0+$0x6400] =	vst v20  }
0x114: {  	[tilespmem:s0+$0x6410] =	vst v21  }
0x115: {  	[tilespmem:s0+$0x6420] =	vst v22  }
0x116: {  	p1 =	por $0x0, $0x0;
	[tilespmem:s0+$0x6430] =	vst v23;
	s0 =	simm.s32 $0x40  }
.Ltmp6:
0x117: {  	(pc) =	sbr.rel @p0 .LBB2_13-.Ltmp6, $4  }
0x118: {  	_ =	swait.ge [sflag:s30], $0x1000  }
0x119: {  	[sflag:s30] =	ssyncset.done $0x0  }
0x11a: {  	s0 =	simm.s32 $0x6400;
	s5 =	simm.s32 $0x6500;
	[sflag:s30] =	ssyncadd.s32 $0xFFFFF000  }
0x11b: {  	[tilespmem:s5], [sflag:$0x1] =	stream.indirect.gather [hbm4b:s4+s12], $0x20, s0, s12, $0xb8;
	[tilespmem:$0xA700] =	vst v63  }
.LBB2_12:
0x11c: {  	_ =	swait.ge [sflag:s31], $0x400  }
0x11d: {  	[sflag:s31] =	ssyncset.done $0x0  }
0x11e: {  	[sflag:s31] =	ssyncadd.s32 $0xFFFFFC00  }
0x11f: {  	_ =	swait.ge [sflag:s31], $0x400  }
0x120: {  	[sflag:s31] =	ssyncset.done $0x0  }
0x121: {  	[sflag:s31] =	ssyncadd.s32 $0xFFFFFC00  }
0x122: {  	_ =	swait.ge [sflag:s31], $0x400  }
0x123: {  	[sflag:s31] =	ssyncset.done $0x0  }
0x124: {  	[sflag:s31] =	ssyncadd.s32 $0xFFFFFC00  }
0x125: {  	_ =	swait.ge [sflag:s31], $0x400  }
0x126: {  	[sflag:s31] =	ssyncset.done $0x0  }
0x127: {  	[sflag:s31] =	ssyncadd.s32 $0xFFFFFC00  }
.LBB2_13:
0x128: {  	s0 =	simm.s32 $0xF  }
0x129: {  	s26 =	simm.s32 $0x0;
	v18 =	vmov s0  }
0x12a: {  	v19 =	vmov s26;
	v18 =	vshrl.u32 v18, $0x3  }
0x12b: {  	v19 =	vshrl.u32 v19, $0x3;
	v18 =	vshll.u32 v18, v2  }
0x12c: {  	s29 =	simm.s32 $0x1;
	v19 =	vshll.u32 v19, v2;
	v18 =	vbroadcast v18, $0x0  }
0x12d: {  	s26 =	simm.s32 $0x7600;
	v20 =	vmov s29;
	v19 =	vbroadcast v19, $0x0  }
0x12e: {  	s5 =	simm.s32 $0x2;
	v20 =	vshrl.u32 v20, $0x3;
	v21 =	vld [tilespmem:s26+$0xE0];
	v22 =	vadd.s32 v16, v18  }
0x12f: {  	v23 =	vmov s5;
	v25 =	vld [tilespmem:s26+$0xFFFFFF00];
	v20 =	vshll.u32 v20, v2;
	v26 =	vadd.s32 v0, v19  }
0x130: {  	s29 =	simm.s32 $0x3;
	v24 =	vld [tilespmem:s26+$0xF0];
	v23 =	vshrl.u32 v23, $0x3;
	v20 =	vbroadcast v20, $0x0;
	v18 =	vadd.s32 v17, v18  }
0x131: {  	v27 =	vld [tilespmem:s26+$0xFFFFFF10];
	v28 =	vmov s29;
	v23 =	vshll.u32 v23, v2;
	v19 =	vadd.s32 v3, v19  }
0x132: {  	s5 =	simm.s32 $0x4;
	v29 =	vld [tilespmem:s26+$0xFFFFFF20];
	v28 =	vshrl.u32 v28, $0x3;
	v23 =	vbroadcast v23, $0x0;
	v30 =	vadd.s32 v4, v20  }
0x133: {  	v31 =	vld [tilespmem:s26+$0xFFFFFF30];
	v32 =	vmov s5;
	v28 =	vshll.u32 v28, v2;
	v20 =	vadd.s32 v5, v20;
	[tilespmem:v22+s1+$0x0] =	vst.idx.msk $0xffff, v21  }
0x134: {  	s29 =	simm.s32 $0x5;
	v32 =	vshrl.u32 v32, $0x3;
	v28 =	vbroadcast v28, $0x0;
	v21 =	vld [tilespmem:s26+$0xFFFFFF40];
	v22 =	vadd.s32 v6, v23;
	[tilespmem:v26+s1+$0x0] =	vst.idx.msk $0xffff, v25  }
0x135: {  	v23 =	vadd.s32 v7, v23;
	v25 =	vmov s29;
	[tilespmem:v18+s1+$0x0] =	vst.idx.msk $0xffff, v24;
	v18 =	vld [tilespmem:s26+$0xFFFFFF50];
	v24 =	vshll.u32 v32, v2  }
0x136: {  	s5 =	simm.s32 $0x6;
	v26 =	vadd.s32 v8, v28;
	[tilespmem:v19+s1+$0x0] =	vst.idx.msk $0xffff, v27;
	v19 =	vld [tilespmem:s26+$0xFFFFFF60];
	v25 =	vshrl.u32 v25, $0x3;
	v24 =	vbroadcast v24, $0x0  }
0x137: {  	[tilespmem:v30+s1+$0x0] =	vst.idx.msk $0xffff, v29;
	v28 =	vadd.s32 v9, v28;
	v29 =	vmov s5;
	v27 =	vld [tilespmem:s26+$0xFFFFFF70];
	v25 =	vshll.u32 v25, v2  }
0x138: {  	s29 =	simm.s32 $0x7;
	[tilespmem:v20+s1+$0x0] =	vst.idx.msk $0xffff, v31;
	v20 =	vld [tilespmem:s26+$0xFFFFFF80];
	v29 =	vshrl.u32 v29, $0x3;
	v25 =	vbroadcast v25, $0x0;
	v30 =	vadd.s32 v10, v24  }
0x139: {  	[tilespmem:v22+s1+$0x0] =	vst.idx.msk $0xffff, v21;
	v21 =	vld [tilespmem:s26+$0xFFFFFF90];
	v22 =	vadd.s32 v11, v24;
	v24 =	vshll.u32 v29, v2;
	v29 =	vmov s29  }
0x13a: {  	s5 =	simm.s32 $0x8;
	[tilespmem:v23+s1+$0x0] =	vst.idx.msk $0xffff, v18;
	v18 =	vld [tilespmem:s26+$0xFFFFFFA0];
	v23 =	vadd.s32 v12, v25;
	v24 =	vbroadcast v24, $0x0;
	v29 =	vshrl.u32 v29, $0x3  }
0x13b: {  	[tilespmem:v26+s1+$0x0] =	vst.idx.msk $0xffff, v19;
	v19 =	vld [tilespmem:s26+$0xFFFFFFB0];
	v25 =	vadd.s32 v13, v25;
	v26 =	vshll.u32 v29, v2;
	v29 =	vmov s5  }
0x13c: {  	s29 =	simm.s32 $0x9;
	[tilespmem:v28+s1+$0x0] =	vst.idx.msk $0xffff, v27;
	v27 =	vld [tilespmem:s26+$0xFFFFFFC0];
	v28 =	vadd.s32 v14, v24;
	v26 =	vbroadcast v26, $0x0;
	v29 =	vshrl.u32 v29, $0x3  }
0x13d: {  	v24 =	vadd.s32 v15, v24;
	[tilespmem:v30+s1+$0x0] =	vst.idx.msk $0xffff, v20;
	v20 =	vld [tilespmem:s26+$0xFFFFFFD0];
	v29 =	vshll.u32 v29, v2;
	v30 =	vmov s29  }
0x13e: {  	s5 =	simm.s32 $0xA;
	[tilespmem:v22+s1+$0x0] =	vst.idx.msk $0xffff, v21;
	v21 =	vld [tilespmem:s26+$0xFFFFFFE0];
	v22 =	vadd.s32 v16, v26;
	v29 =	vbroadcast v29, $0x0;
	v30 =	vshrl.u32 v30, $0x3  }
0x13f: {  	[tilespmem:v23+s1+$0x0] =	vst.idx.msk $0xffff, v18;
	v18 =	vld [tilespmem:s26+$0xFFFFFFF0];
	v23 =	vadd.s32 v17, v26;
	v26 =	vshll.u32 v30, v2;
	v30 =	vmov s5  }
0x140: {  	s29 =	simm.s32 $0xB;
	[tilespmem:v25+s1+$0x0] =	vst.idx.msk $0xffff, v19;
	v19 =	vld [tilespmem:s26+$0x0];
	v25 =	vadd.s32 v0, v29;
	v26 =	vbroadcast v26, $0x0;
	v30 =	vshrl.u32 v30, $0x3  }
0x141: {  	[tilespmem:v28+s1+$0x0] =	vst.idx.msk $0xffff, v27;
	v27 =	vld [tilespmem:s26+$0x10];
	v28 =	vadd.s32 v3, v29;
	v29 =	vshll.u32 v30, v2;
	v30 =	vmov s29  }
0x142: {  	s5 =	simm.s32 $0xC;
	[tilespmem:v24+s1+$0x0] =	vst.idx.msk $0xffff, v20;
	v20 =	vld [tilespmem:s26+$0x20];
	v24 =	vadd.s32 v4, v26;
	v29 =	vbroadcast v29, $0x0;
	v30 =	vshrl.u32 v30, $0x3  }
0x143: {  	v31 =	vld [tilespmem:s26+$0x30];
	v63 =	vadd.s32 v5, v26;
	[tilespmem:v22+s1+$0x0] =	vst.idx.msk $0xffff, v21;
	v21 =	vshll.u32 v30, v2;
	v22 =	vmov s5  }
0x144: {  	s29 =	simm.s32 $0xD;
	[tilespmem:v23+s1+$0x0] =	vst.idx.msk $0xffff, v18;
	v23 =	vld [tilespmem:s26+$0x40];
	v30 =	vadd.s32 v6, v29;
	v33 =	vbroadcast v21, $0x0;
	v18 =	vshrl.u32 v22, $0x3  }
0x145: {  	v21 =	vld [tilespmem:s26+$0x50];
	v26 =	vadd.s32 v7, v29;
	[tilespmem:v25+s1+$0x0] =	vst.idx.msk $0xffff, v19;
	v19 =	vshll.u32 v18, v2;
	v25 =	vmov s29  }
0x146: {  	s5 =	simm.s32 $0xE;
	v18 =	vld [tilespmem:s26+$0x60];
	[tilespmem:v28+s1+$0x0] =	vst.idx.msk $0xffff, v27;
	v22 =	vadd.s32 v8, v33;
	v34 =	vbroadcast v19, $0x0;
	v19 =	vshrl.u32 v25, $0x3  }
0x147: {  	v29 =	vmov s5;
	[tilespmem:v24+s1+$0x0] =	vst.idx.msk $0xffff, v20;
	v20 =	vld [tilespmem:s26+$0x70];
	v24 =	vadd.s32 v9, v33;
	v19 =	vshll.u32 v19, v2  }
0x148: {  	s29 =	simm.s32 $0x1F;
	v25 =	vld [tilespmem:s26+$0x80];
	[tilespmem:v63+s1+$0x0] =	vst.idx.msk $0xffff, v31;
	v27 =	vadd.s32 v10, v34;
	v28 =	vbroadcast v19, $0x0;
	v31 =	vshrl.u32 v29, $0x3  }
0x149: {  	s28 =	simm.s32 $0x10;
	s0 =	simm.s32 $0x20;
	v29 =	vmov s29;
	v19 =	vld [tilespmem:s26+$0x90];
	[tilespmem:v30+s1+$0x0] =	vst.idx.msk $0xffff, v23;
	v23 =	vadd.s32 v11, v34;
	v30 =	vshll.u32 v31, v2  }
.LBB2_14:
0x14a: {  	p0 =	slt.u32 s0, $0x70;
	v29 =	vshrl.u32 v29, $0x3;
	[tilespmem:v26+s1+$0x0] =	vst.idx.msk $0xffff, v21;
	v21 =	vld [tilespmem:s26+$0xA0];
	v26 =	vadd.s32 v12, v28;
	v30 =	vbroadcast v30, $0x0  }
0x14b: {  	v31 =	vmov s28;
	v29 =	vshll.u32 v29, v2;
	[tilespmem:v22+s1+$0x0] =	vst.idx.msk $0xffff, v18;
	v18 =	vld [tilespmem:s26+$0xB0];
	v22 =	vadd.s32 v13, v28  }
0x14c: {  	s5 =	sadd.s32 $0x1, s28;
	v28 =	vshrl.u32 v31, $0x3;
	v29 =	vbroadcast v29, $0x0;
	[tilespmem:v24+s1+$0x0] =	vst.idx.msk $0xffff, v20;
	v20 =	vld [tilespmem:s26+$0xC0];
	v24 =	vadd.s32 v14, v30  }
0x14d: {  	v31 =	vmov s5;
	v28 =	vshll.u32 v28, v2;
	[tilespmem:v27+s1+$0x0] =	vst.idx.msk $0xffff, v25;
	v25 =	vld [tilespmem:s26+$0xD0];
	v27 =	vadd.s32 v15, v30;
	s26 =	sadd.s32 $0x200, s26  }
0x14e: {  	s5 =	sadd.s32 $0x2, s28;
	v28 =	vbroadcast v28, $0x0;
	v30 =	vshrl.u32 v31, $0x3;
	v31 =	vld [tilespmem:s26+$0xE0];
	v32 =	vadd.s32 v16, v29;
	[tilespmem:v23+s1+$0x0] =	vst.idx.msk $0xffff, v19  }
0x14f: {  	v19 =	vshll.u32 v30, v2;
	v23 =	vmov s5;
	v29 =	vadd.s32 v17, v29;
	v30 =	vld [tilespmem:s26+$0xF0];
	[tilespmem:v26+s1+$0x0] =	vst.idx.msk $0xffff, v21  }
0x150: {  	s5 =	sadd.s32 $0x3, s28;
	v26 =	vadd.s32 v0, v28;
	v19 =	vbroadcast v19, $0x0;
	v23 =	vshrl.u32 v23, $0x3;
	v21 =	vld [tilespmem:s26+$0xFFFFFF00];
	[tilespmem:v22+s1+$0x0] =	vst.idx.msk $0xffff, v18  }
0x151: {  	v22 =	vadd.s32 v3, v28;
	v23 =	vshll.u32 v23, v2;
	v28 =	vmov s5;
	v18 =	vld [tilespmem:s26+$0xFFFFFF10];
	[tilespmem:v24+s1+$0x0] =	vst.idx.msk $0xffff, v20  }
0x152: {  	s5 =	sadd.s32 $0x4, s28;
	v24 =	vadd.s32 v4, v19;
	v23 =	vbroadcast v23, $0x0;
	v28 =	vshrl.u32 v28, $0x3;
	v20 =	vld [tilespmem:s26+$0xFFFFFF20];
	[tilespmem:v27+s1+$0x0] =	vst.idx.msk $0xffff, v25  }
0x153: {  	v19 =	vadd.s32 v5, v19;
	v27 =	vshll.u32 v28, v2;
	v28 =	vmov s5;
	v25 =	vld [tilespmem:s26+$0xFFFFFF30];
	[tilespmem:v32+s1+$0x0] =	vst.idx.msk $0xffff, v31  }
0x154: {  	s5 =	sadd.s32 $0x5, s28;
	v32 =	vadd.s32 v6, v23;
	v27 =	vbroadcast v27, $0x0;
	v28 =	vshrl.u32 v28, $0x3;
	v31 =	vld [tilespmem:s26+$0xFFFFFF40];
	[tilespmem:v29+s1+$0x0] =	vst.idx.msk $0xffff, v30  }
0x155: {  	v23 =	vadd.s32 v7, v23;
	[tilespmem:v26+s1+$0x0] =	vst.idx.msk $0xffff, v21;
	v21 =	vld [tilespmem:s26+$0xFFFFFF50];
	v26 =	vshll.u32 v28, v2;
	v28 =	vmov s5  }
0x156: {  	s5 =	sadd.s32 $0x6, s28;
	[tilespmem:v22+s1+$0x0] =	vst.idx.msk $0xffff, v18;
	v18 =	vld [tilespmem:s26+$0xFFFFFF60];
	v22 =	vadd.s32 v8, v27;
	v26 =	vbroadcast v26, $0x0;
	v28 =	vshrl.u32 v28, $0x3  }
0x157: {  	[tilespmem:v24+s1+$0x0] =	vst.idx.msk $0xffff, v20;
	v20 =	vld [tilespmem:s26+$0xFFFFFF70];
	v24 =	vadd.s32 v9, v27;
	v27 =	vshll.u32 v28, v2;
	v28 =	vmov s5  }
0x158: {  	s5 =	sadd.s32 $0x7, s28;
	[tilespmem:v19+s1+$0x0] =	vst.idx.msk $0xffff, v25;
	v19 =	vld [tilespmem:s26+$0xFFFFFF80];
	v25 =	vadd.s32 v10, v26;
	v27 =	vbroadcast v27, $0x0;
	v28 =	vshrl.u32 v28, $0x3  }
0x159: {  	v26 =	vadd.s32 v11, v26;
	v30 =	vmov s5;
	[tilespmem:v32+s1+$0x0] =	vst.idx.msk $0xffff, v31;
	v29 =	vld [tilespmem:s26+$0xFFFFFF90];
	v28 =	vshll.u32 v28, v2  }
0x15a: {  	s5 =	sadd.s32 $0x8, s28;
	v30 =	vshrl.u32 v30, $0x3;
	[tilespmem:v23+s1+$0x0] =	vst.idx.msk $0xffff, v21;
	v21 =	vld [tilespmem:s26+$0xFFFFFFA0];
	v23 =	vadd.s32 v12, v27;
	v28 =	vbroadcast v28, $0x0  }
0x15b: {  	[tilespmem:v22+s1+$0x0] =	vst.idx.msk $0xffff, v18;
	v18 =	vld [tilespmem:s26+$0xFFFFFFB0];
	v22 =	vadd.s32 v13, v27;
	v27 =	vshll.u32 v30, v2;
	v30 =	vmov s5  }
0x15c: {  	s5 =	sadd.s32 $0x9, s28;
	[tilespmem:v24+s1+$0x0] =	vst.idx.msk $0xffff, v20;
	v20 =	vld [tilespmem:s26+$0xFFFFFFC0];
	v24 =	vadd.s32 v14, v28;
	v27 =	vbroadcast v27, $0x0;
	v30 =	vshrl.u32 v30, $0x3  }
0x15d: {  	[tilespmem:v25+s1+$0x0] =	vst.idx.msk $0xffff, v19;
	v19 =	vld [tilespmem:s26+$0xFFFFFFD0];
	v25 =	vadd.s32 v15, v28;
	v28 =	vshll.u32 v30, v2;
	v30 =	vmov s5  }
0x15e: {  	s5 =	sadd.s32 $0xA, s28;
	[tilespmem:v26+s1+$0x0] =	vst.idx.msk $0xffff, v29;
	v26 =	vld [tilespmem:s26+$0xFFFFFFE0];
	v29 =	vadd.s32 v16, v27;
	v28 =	vbroadcast v28, $0x0;
	v30 =	vshrl.u32 v30, $0x3  }
0x15f: {  	[tilespmem:v23+s1+$0x0] =	vst.idx.msk $0xffff, v21;
	v21 =	vld [tilespmem:s26+$0xFFFFFFF0];
	v23 =	vadd.s32 v17, v27;
	v27 =	vshll.u32 v30, v2;
	v30 =	vmov s5  }
0x160: {  	s5 =	sadd.s32 $0xB, s28;
	[tilespmem:v22+s1+$0x0] =	vst.idx.msk $0xffff, v18;
	v18 =	vld [tilespmem:s26+$0x0];
	v22 =	vadd.s32 v0, v28;
	v27 =	vbroadcast v27, $0x0;
	v30 =	vshrl.u32 v30, $0x3  }
0x161: {  	[tilespmem:v24+s1+$0x0] =	vst.idx.msk $0xffff, v20;
	v20 =	vld [tilespmem:s26+$0x10];
	v24 =	vadd.s32 v3, v28;
	v28 =	vshll.u32 v30, v2;
	v30 =	vmov s5  }
0x162: {  	s5 =	sadd.s32 $0xC, s28;
	[tilespmem:v25+s1+$0x0] =	vst.idx.msk $0xffff, v19;
	v19 =	vld [tilespmem:s26+$0x20];
	v25 =	vadd.s32 v4, v27;
	v28 =	vbroadcast v28, $0x0;
	v30 =	vshrl.u32 v30, $0x3  }
0x163: {  	v27 =	vadd.s32 v5, v27;
	[tilespmem:v29+s1+$0x0] =	vst.idx.msk $0xffff, v26;
	v29 =	vld [tilespmem:s26+$0x30];
	v26 =	vshll.u32 v30, v2;
	v30 =	vmov s5  }
0x164: {  	s5 =	sadd.s32 $0xD, s28;
	[tilespmem:v23+s1+$0x0] =	vst.idx.msk $0xffff, v21;
	v23 =	vld [tilespmem:s26+$0x40];
	v31 =	vadd.s32 v6, v28;
	v32 =	vbroadcast v26, $0x0;
	v30 =	vshrl.u32 v30, $0x3  }
.Ltmp7:
0x165: {  	v26 =	vadd.s32 v7, v28;
	[tilespmem:v22+s1+$0x0] =	vst.idx.msk $0xffff, v18;
	v21 =	vld [tilespmem:s26+$0x50];
	v28 =	vshll.u32 v30, v2;
	v30 =	vmov s5;
	(pc) =	sbr.rel @p0 .LBB2_14-.Ltmp7, $4  }
0x166: {  	s5 =	sadd.s32 $0xE, s28;
	s28 =	smov.u32 s0;
	[tilespmem:v24+s1+$0x0] =	vst.idx.msk $0xffff, v20;
	v18 =	vld [tilespmem:s26+$0x60];
	v22 =	vadd.s32 v8, v32;
	v33 =	vbroadcast v28, $0x0;
	v28 =	vshrl.u32 v30, $0x3  }
0x167: {  	v24 =	vadd.s32 v9, v32;
	v30 =	vmov s5;
	[tilespmem:v25+s1+$0x0] =	vst.idx.msk $0xffff, v19;
	v20 =	vld [tilespmem:s26+$0x70];
	v19 =	vshll.u32 v28, v2  }
0x168: {  	s5 =	sadd.s32 $0xF, s0;
	v30 =	vshrl.u32 v30, $0x3;
	[tilespmem:v27+s1+$0x0] =	vst.idx.msk $0xffff, v29;
	v25 =	vld [tilespmem:s26+$0x80];
	v27 =	vadd.s32 v10, v33;
	v28 =	vbroadcast v19, $0x0  }
0x169: {  	s0 =	sadd.s32 $0x10, s0;
	v29 =	vmov s5;
	v30 =	vshll.u32 v30, v2;
	[tilespmem:v31+s1+$0x0] =	vst.idx.msk $0xffff, v23;
	v19 =	vld [tilespmem:s26+$0x90];
	v23 =	vadd.s32 v11, v33  }
0x16a: {  	_ =	sdelay $0x1  }
0x16b: {  	v29 =	vshrl.u32 v29, $0x3;
	v42 =	vadd.s32 v12, v28  }
0x16c: {  	v41 =	vld [tilespmem:s26+$0xA0];
	v30 =	vbroadcast v30, $0x0;
	v31 =	vmov s28;
	v43 =	vadd.s32 v13, v28;
	s0 =	sadd.s32 $0x1, s28  }
0x16d: {  	[tilespmem:v26+s1+$0x0] =	vst.idx.msk $0xffff, v21;
	v45 =	vld [tilespmem:s26+$0xC0];
	s5 =	sadd.s32 $0x2, s28;
	s29 =	sadd.s32 $0x4, s28;
	v29 =	vshll.u32 v29, v2;
	v44 =	vshrl.u32 v31, $0x3;
	v47 =	vmov s0  }
0x16e: {  	v48 =	vld [tilespmem:s26+$0xD0];
	[tilespmem:v22+s1+$0x0] =	vst.idx.msk $0xffff, v18;
	v52 =	vmov s5;
	v62 =	vmov s29;
	v29 =	vbroadcast v29, $0x0  }
0x16f: {  	v18 =	vld [tilespmem:s26+$0xB0];
	s0 =	sadd.s32 $0x200, s26;
	s26 =	sadd.s32 $0x3, s28;
	s29 =	sadd.s32 $0x6, s28;
	v46 =	vadd.s32 v14, v30;
	v28 =	vshll.u32 v44, v2;
	v49 =	vadd.s32 v15, v30  }
0x170: {  	[tilespmem:v24+s1+$0x0] =	vst.idx.msk $0xffff, v20;
	v50 =	vshrl.u32 v47, $0x3;
	v57 =	vmov s26;
	s26 =	sadd.s32 $0x5, s28;
	v44 =	vmov s29  }
0x171: {  	v51 =	vld [tilespmem:s0+$0xE0];
	[tilespmem:v27+s1+$0x0] =	vst.idx.msk $0xffff, v25;
	v28 =	vbroadcast v28, $0x0;
	v39 =	vmov s26;
	v32 =	vadd.s32 v16, v29  }
0x172: {  	v53 =	vld [tilespmem:s0+$0xF0];
	s26 =	sadd.s32 $0x7, s28;
	[tilespmem:v23+s1+$0x0] =	vst.idx.msk $0xffff, v19;
	v19 =	vshll.u32 v50, v2;
	v29 =	vadd.s32 v17, v29;
	v23 =	vshrl.u32 v52, $0x3  }
0x173: {  	v54 =	vld [tilespmem:s0+$0xFFFFFF00];
	v47 =	vmov s26;
	[tilespmem:v42+s1+$0x0] =	vst.idx.msk $0xffff, v41;
	v55 =	vadd.s32 v0, v28;
	v19 =	vbroadcast v19, $0x0  }
0x174: {  	v58 =	vld [tilespmem:s0+$0xFFFFFF20];
	v56 =	vadd.s32 v3, v28;
	v23 =	vshll.u32 v23, v2;
	v28 =	vshrl.u32 v57, $0x3;
	[tilespmem:v43+s1+$0x0] =	vst.idx.msk $0xffff, v18  }
0x175: {  	v18 =	vld [tilespmem:s0+$0xFFFFFF10];
	v23 =	vbroadcast v23, $0x0;
	v61 =	vshll.u32 v28, v2;
	v28 =	vshrl.u32 v62, $0x3;
	[tilespmem:v46+s1+$0x0] =	vst.idx.msk $0xffff, v45  }
0x176: {  	v60 =	vld [tilespmem:s0+$0xFFFFFF30];
	v59 =	vadd.s32 v4, v19;
	v19 =	vadd.s32 v5, v19;
	v27 =	vbroadcast v61, $0x0;
	[tilespmem:v49+s1+$0x0] =	vst.idx.msk $0xffff, v48  }
0x177: {  	v63 =	vld [tilespmem:s0+$0xFFFFFF40];
	s29 =	sadd.s32 $0x8, s28;
	v38 =	vshll.u32 v28, v2;
	v28 =	vshrl.u32 v39, $0x3;
	v36 =	vadd.s32 v6, v23;
	[tilespmem:v32+s1+$0x0] =	vst.idx.msk $0xffff, v51  }
0x178: {  	v37 =	vld [tilespmem:s0+$0xFFFFFF50];
	v52 =	vmov s29;
	v23 =	vadd.s32 v7, v23;
	v43 =	vshll.u32 v28, v2;
	[tilespmem:v29+s1+$0x0] =	vst.idx.msk $0xffff, v53  }
0x179: {  	v34 =	vld [tilespmem:s0+$0x10];
	v40 =	vadd.s32 v8, v27;
	v42 =	vadd.s32 v9, v27;
	v27 =	vbroadcast v43, $0x0;
	[tilespmem:v55+s1+$0x0] =	vst.idx.msk $0xffff, v54  }
0x17a: {  	s26 =	sadd.s32 $0x9, s28;
	v30 =	vshrl.u32 v47, $0x3;
	v26 =	vbroadcast v38, $0x0;
	v28 =	vshrl.u32 v44, $0x3;
	[tilespmem:v56+s1+$0x0] =	vst.idx.msk $0xffff, v18;
	v18 =	vld [tilespmem:s0+$0xFFFFFF60]  }
0x17b: {  	v57 =	vmov s26;
	v48 =	vld [tilespmem:s0+$0xFFFFFFA0];
	v28 =	vshll.u32 v28, v2;
	v49 =	vadd.s32 v12, v27;
	[tilespmem:v59+s1+$0x0] =	vst.idx.msk $0xffff, v58  }
0x17c: {  	v51 =	vshll.u32 v30, v2;
	v45 =	vadd.s32 v10, v26;
	v28 =	vbroadcast v28, $0x0;
	[tilespmem:v19+s1+$0x0] =	vst.idx.msk $0xffff, v60;
	v19 =	vld [tilespmem:s0+$0xFFFFFF80]  }
0x17d: {  	v41 =	vld [tilespmem:s0+$0xFFFFFF70];
	v30 =	vshrl.u32 v52, $0x3;
	v26 =	vadd.s32 v11, v26;
	v50 =	vadd.s32 v13, v27;
	[tilespmem:v36+s1+$0x0] =	vst.idx.msk $0xffff, v63  }
0x17e: {  	v53 =	vld [tilespmem:s0+$0xFFFFFFC0];
	v27 =	vbroadcast v51, $0x0;
	v56 =	vshll.u32 v30, v2;
	v54 =	vadd.s32 v14, v28;
	[tilespmem:v23+s1+$0x0] =	vst.idx.msk $0xffff, v37  }
0x17f: {  	s29 =	sadd.s32 $0xA, s28;
	v30 =	vshrl.u32 v57, $0x3;
	v55 =	vadd.s32 v15, v28;
	v28 =	vbroadcast v56, $0x0;
	[tilespmem:v40+s1+$0x0] =	vst.idx.msk $0xffff, v18;
	v18 =	vld [tilespmem:s0+$0xFFFFFFB0]  }
0x180: {  	v46 =	vld [tilespmem:s0+$0xFFFFFF90];
	v62 =	vshll.u32 v30, v2;
	v59 =	vadd.s32 v16, v27;
	v63 =	vmov s29;
	[tilespmem:v49+s1+$0x0] =	vst.idx.msk $0xffff, v48  }
0x181: {  	s26 =	sadd.s32 $0xB, s28;
	v61 =	vadd.s32 v17, v27;
	v33 =	vadd.s32 v0, v28;
	v30 =	vshrl.u32 v63, $0x3;
	[tilespmem:v45+s1+$0x0] =	vst.idx.msk $0xffff, v19;
	v19 =	vld [tilespmem:s0+$0xFFFFFFD0]  }
0x182: {  	v58 =	vld [tilespmem:s0+$0xFFFFFFE0];
	s29 =	sadd.s32 $0xC, s28;
	v35 =	vadd.s32 v3, v28;
	v37 =	vmov s26;
	v36 =	vshll.u32 v30, v2;
	[tilespmem:v42+s1+$0x0] =	vst.idx.msk $0xffff, v41  }
0x183: {  	v60 =	vld [tilespmem:s0+$0xFFFFFFF0];
	v30 =	vshrl.u32 v37, $0x3;
	v28 =	vbroadcast v36, $0x0;
	v41 =	vmov s29;
	[tilespmem:v54+s1+$0x0] =	vst.idx.msk $0xffff, v53  }
0x184: {  	v27 =	vbroadcast v62, $0x0;
	v40 =	vshll.u32 v30, v2;
	v30 =	vshrl.u32 v41, $0x3;
	[tilespmem:v50+s1+$0x0] =	vst.idx.msk $0xffff, v18;
	v18 =	vld [tilespmem:s0+$0x0]  }
0x185: {  	v42 =	vld [tilespmem:s0+$0x40];
	v43 =	vadd.s32 v6, v28;
	[tilespmem:v26+s1+$0x0] =	vst.idx.msk $0xffff, v46;
	v46 =	vshll.u32 v30, v2  }
0x186: {  	v38 =	vadd.s32 v4, v27;
	v45 =	vadd.s32 v7, v28;
	v28 =	vbroadcast v46, $0x0;
	[tilespmem:v55+s1+$0x0] =	vst.idx.msk $0xffff, v19;
	v19 =	vld [tilespmem:s0+$0x20]  }
0x187: {  	v47 =	vld [tilespmem:s0+$0x60];
	[tilespmem:v59+s1+$0x0] =	vst.idx.msk $0xffff, v58  }
0x188: {  	s26 =	sadd.s32 $0xD, s28;
	v29 =	vbroadcast v40, $0x0;
	v53 =	vld [tilespmem:s0+$0x80];
	[tilespmem:v61+s1+$0x0] =	vst.idx.msk $0xffff, v60;
	v54 =	vadd.s32 v10, v28  }
0x189: {  	v44 =	vmov s26;
	[tilespmem:v33+s1+$0x0] =	vst.idx.msk $0xffff, v18;
	v18 =	vld [tilespmem:s0+$0x50]  }
0x18a: {  	v39 =	vld [tilespmem:s0+$0x30];
	v49 =	vshrl.u32 v44, $0x3;
	s29 =	sadd.s32 $0xE, s28;
	v48 =	vadd.s32 v8, v29;
	[tilespmem:v43+s1+$0x0] =	vst.idx.msk $0xffff, v42  }
0x18b: {  	v51 =	vshll.u32 v49, v2;
	v52 =	vmov s29;
	v50 =	vadd.s32 v9, v29;
	[tilespmem:v38+s1+$0x0] =	vst.idx.msk $0xffff, v19;
	v19 =	vld [tilespmem:s0+$0x70]  }
0x18c: {  	v30 =	vshrl.u32 v52, $0x3;
	v29 =	vbroadcast v51, $0x0;
	v56 =	vadd.s32 v11, v28;
	v55 =	vld [tilespmem:s0+$0x90];
	[tilespmem:v35+s1+$0x0] =	vst.idx.msk $0xffff, v34  }
0x18d: {  	v27 =	vadd.s32 v5, v27;
	v57 =	vshll.u32 v30, v2;
	[tilespmem:v54+s1+$0x0] =	vst.idx.msk $0xffff, v53  }
0x18e: {  	v28 =	vbroadcast v57, $0x0;
	v58 =	vadd.s32 v12, v29;
	[tilespmem:v45+s1+$0x0] =	vst.idx.msk $0xffff, v18;
	v18 =	vld [tilespmem:s0+$0xA0]  }
0x18f: {  	v59 =	vld [tilespmem:s0+$0xB0];
	v60 =	vadd.s32 v13, v29;
	[tilespmem:v48+s1+$0x0] =	vst.idx.msk $0xffff, v47  }
0x190: {  	v61 =	vadd.s32 v14, v28;
	[tilespmem:v50+s1+$0x0] =	vst.idx.msk $0xffff, v19;
	v19 =	vld [tilespmem:s0+$0xC0]  }
0x191: {  	v62 =	vld [tilespmem:s0+$0xD0];
	v63 =	vadd.s32 v15, v28;
	[tilespmem:v56+s1+$0x0] =	vst.idx.msk $0xffff, v55  }
0x192: {  	[tilespmem:v27+s1+$0x0] =	vst.idx.msk $0xffff, v39  }
0x193: {  	s26 =	sshll.u32 s25, $0x11;
	[tilespmem:v58+s1+$0x0] =	vst.idx.msk $0xffff, v18  }
0x194: {  	s0 =	sor.u32 s6, s26;
	[tilespmem:v60+s1+$0x0] =	vst.idx.msk $0xffff, v59  }
0x195: {  	s0 =	sshrl.u32 s0, $0x3;
	[tilespmem:v61+s1+$0x0] =	vst.idx.msk $0xffff, v19  }
0x196: {  	s5 =	sadd.s32 s2, s0;
	[tilespmem:v63+s1+$0x0] =	vst.idx.msk $0xffff, v62  }
0x197: {  	[hbm4b:s5+s3] =	stream.linear.scatter [tilespmem:s1], [sflag:$0x4], $0x80, $0x38;
	[tilespmem:$0xA700] =	vst v63  }
0x198: {  	s29 =	simm.s32 $0x9688;
	s28 =	sadd.s32 $0x10, s5  }
0x199: {  	[hbm4b:s28+s3] =	stream.linear.scatter [tilespmem:s29], [sflag:$0x4], $0x80, $0x38;
	[tilespmem:$0xA700] =	vst v63  }
0x19a: {  	s28 =	sadd.s32 $0x20, s5;
	s29 =	simm.s32 $0x9710  }
0x19b: {  	[hbm4b:s28+s3] =	stream.linear.scatter [tilespmem:s29], [sflag:$0x4], $0x80, $0x38;
	[tilespmem:$0xA700] =	vst v63  }
0x19c: {  	s28 =	sadd.s32 $0x30, s5;
	s29 =	simm.s32 $0x9798  }
0x19d: {  	[hbm4b:s28+s3] =	stream.linear.scatter [tilespmem:s29], [sflag:$0x4], $0x80, $0x38;
	[tilespmem:$0xA700] =	vst v63  }
0x19e: {  	s28 =	sadd.s32 $0x40, s5;
	s29 =	simm.s32 $0x9820  }
0x19f: {  	[hbm4b:s28+s3] =	stream.linear.scatter [tilespmem:s29], [sflag:$0x4], $0x80, $0x38;
	[tilespmem:$0xA700] =	vst v63  }
0x1a0: {  	s28 =	sadd.s32 $0x50, s5;
	s29 =	simm.s32 $0x98A8  }
0x1a1: {  	[hbm4b:s28+s3] =	stream.linear.scatter [tilespmem:s29], [sflag:$0x4], $0x80, $0x38;
	[tilespmem:$0xA700] =	vst v63  }
0x1a2: {  	s26 =	sadd.s32 $0x60, s5;
	s28 =	simm.s32 $0x9930  }
0x1a3: {  	[hbm4b:s26+s3] =	stream.linear.scatter [tilespmem:s28], [sflag:$0x4], $0x80, $0x38;
	[tilespmem:$0xA700] =	vst v63  }
0x1a4: {  	s5 =	sadd.s32 $0x70, s5;
	s29 =	simm.s32 $0x99B8  }
0x1a5: {  	[hbm4b:s5+s3] =	stream.linear.scatter [tilespmem:s29], [sflag:$0x4], $0x80, $0x38;
	[tilespmem:$0xA700] =	vst v63  }
0x1a6: {  	s26 =	simm.s32 $0x9A40;
	s5 =	sadd.s32 s0, s7  }
0x1a7: {  	[hbm4b:s5+s3] =	stream.linear.scatter [tilespmem:s26], [sflag:$0x4], $0x80, $0x38;
	[tilespmem:$0xA700] =	vst v63  }
0x1a8: {  	s29 =	simm.s32 $0x9AC8;
	s28 =	sadd.s32 $0x10, s5  }
0x1a9: {  	[hbm4b:s28+s3] =	stream.linear.scatter [tilespmem:s29], [sflag:$0x4], $0x80, $0x38;
	[tilespmem:$0xA700] =	vst v63  }
0x1aa: {  	s28 =	sadd.s32 $0x20, s5;
	s29 =	simm.s32 $0x9B50  }
0x1ab: {  	[hbm4b:s28+s3] =	stream.linear.scatter [tilespmem:s29], [sflag:$0x4], $0x80, $0x38;
	[tilespmem:$0xA700] =	vst v63  }
0x1ac: {  	s28 =	sadd.s32 $0x30, s5;
	s29 =	simm.s32 $0x9BD8  }
0x1ad: {  	[hbm4b:s28+s3] =	stream.linear.scatter [tilespmem:s29], [sflag:$0x4], $0x80, $0x38;
	[tilespmem:$0xA700] =	vst v63  }
0x1ae: {  	s28 =	sadd.s32 $0x40, s5;
	s29 =	simm.s32 $0x9C60  }
0x1af: {  	[hbm4b:s28+s3] =	stream.linear.scatter [tilespmem:s29], [sflag:$0x4], $0x80, $0x38;
	[tilespmem:$0xA700] =	vst v63  }
0x1b0: {  	s28 =	sadd.s32 $0x50, s5;
	s29 =	simm.s32 $0x9CE8  }
0x1b1: {  	[hbm4b:s28+s3] =	stream.linear.scatter [tilespmem:s29], [sflag:$0x4], $0x80, $0x38;
	[tilespmem:$0xA700] =	vst v63  }
0x1b2: {  	s26 =	sadd.s32 $0x60, s5;
	s28 =	simm.s32 $0x9D70  }
0x1b3: {  	[hbm4b:s26+s3] =	stream.linear.scatter [tilespmem:s28], [sflag:$0x4], $0x80, $0x38;
	[tilespmem:$0xA700] =	vst v63  }
0x1b4: {  	s5 =	sadd.s32 $0x70, s5;
	s29 =	simm.s32 $0x9DF8  }
0x1b5: {  	[hbm4b:s5+s3] =	stream.linear.scatter [tilespmem:s29], [sflag:$0x4], $0x80, $0x38;
	[tilespmem:$0xA700] =	vst v63  }
0x1b6: {  	s26 =	simm.s32 $0x9E80;
	s5 =	sadd.s32 s0, s8  }
0x1b7: {  	[hbm4b:s5+s3] =	stream.linear.scatter [tilespmem:s26], [sflag:$0x4], $0x80, $0x38;
	[tilespmem:$0xA700] =	vst v63  }
0x1b8: {  	s29 =	simm.s32 $0x9F08;
	s28 =	sadd.s32 $0x10, s5  }
0x1b9: {  	[hbm4b:s28+s3] =	stream.linear.scatter [tilespmem:s29], [sflag:$0x4], $0x80, $0x38;
	[tilespmem:$0xA700] =	vst v63  }
0x1ba: {  	s28 =	sadd.s32 $0x20, s5;
	s29 =	simm.s32 $0x9F90  }
0x1bb: {  	[hbm4b:s28+s3] =	stream.linear.scatter [tilespmem:s29], [sflag:$0x4], $0x80, $0x38;
	[tilespmem:$0xA700] =	vst v63  }
0x1bc: {  	s28 =	sadd.s32 $0x30, s5;
	s29 =	simm.s32 $0xA018  }
0x1bd: {  	[hbm4b:s28+s3] =	stream.linear.scatter [tilespmem:s29], [sflag:$0x4], $0x80, $0x38;
	[tilespmem:$0xA700] =	vst v63  }
0x1be: {  	s26 =	sadd.s32 $0x40, s5;
	s28 =	simm.s32 $0xA0A0  }
0x1bf: {  	[hbm4b:s26+s3] =	stream.linear.scatter [tilespmem:s28], [sflag:$0x4], $0x80, $0x38;
	[tilespmem:$0xA700] =	vst v63  }
0x1c0: {  	s29 =	sadd.s32 $0x50, s5  }
0x1c1: {  	[hbm4b:s29+s3] =	stream.linear.scatter [tilespmem:s10], [sflag:$0x4], $0x80, $0x38;
	[tilespmem:$0xA700] =	vst v63  }
0x1c2: {  	s26 =	sadd.s32 $0x60, s5  }
0x1c3: {  	[hbm4b:s26+s3] =	stream.linear.scatter [tilespmem:s11], [sflag:$0x4], $0x80, $0x38;
	[tilespmem:$0xA700] =	vst v63  }
0x1c4: {  	s5 =	sadd.s32 $0x70, s5  }
0x1c5: {  	[hbm4b:s5+s3] =	stream.linear.scatter [tilespmem:s13], [sflag:$0x4], $0x80, $0x38;
	[tilespmem:$0xA700] =	vst v63  }
0x1c6: {  	s0 =	sadd.s32 s0, s9  }
0x1c7: {  	[hbm4b:s0+s3] =	stream.linear.scatter [tilespmem:s14], [sflag:$0x4], $0x80, $0x38;
	[tilespmem:$0xA700] =	vst v63  }
0x1c8: {  	s28 =	sadd.s32 $0x10, s0  }
0x1c9: {  	[hbm4b:s28+s3] =	stream.linear.scatter [tilespmem:s16], [sflag:$0x4], $0x80, $0x38;
	[tilespmem:$0xA700] =	vst v63  }
0x1ca: {  	s29 =	sadd.s32 $0x20, s0  }
0x1cb: {  	[hbm4b:s29+s3] =	stream.linear.scatter [tilespmem:s17], [sflag:$0x4], $0x80, $0x38;
	[tilespmem:$0xA700] =	vst v63  }
0x1cc: {  	s25 =	sadd.s32 $0x30, s0  }
0x1cd: {  	[hbm4b:s25+s3] =	stream.linear.scatter [tilespmem:s19], [sflag:$0x4], $0x80, $0x38;
	[tilespmem:$0xA700] =	vst v63  }
0x1ce: {  	s24 =	sadd.s32 $0x1, s24;
	s26 =	sadd.s32 $0x40, s0  }
0x1cf: {  	[hbm4b:s26+s3] =	stream.linear.scatter [tilespmem:s20], [sflag:$0x4], $0x80, $0x38;
	[tilespmem:$0xA700] =	vst v63  }
0x1d0: {  	p0 =	sne.s32 s24, $0x64;
	s28 =	sadd.s32 $0x50, s0  }
0x1d1: {  	[hbm4b:s28+s3] =	stream.linear.scatter [tilespmem:s21], [sflag:$0x4], $0x80, $0x38;
	[tilespmem:$0xA700] =	vst v63  }
.Ltmp8:
0x1d2: {  	_ = 	snop;
	(pc) =	sbr.rel @p0 .LBB2_4-.Ltmp8, $4  }
0x1d3: {  	s29 =	sadd.s32 $0x60, s0  }
0x1d4: {  	[hbm4b:s29+s3] =	stream.linear.scatter [tilespmem:s22], [sflag:$0x4], $0x80, $0x38;
	[tilespmem:$0xA700] =	vst v63  }
0x1d5: {  	s0 =	sadd.s32 $0x70, s0  }
0x1d6: {  	[hbm4b:s0+s3] =	stream.linear.scatter [tilespmem:s23], [sflag:$0x4], $0x80, $0x38;
	[tilespmem:$0xA700] =	vst v63  }
0x1d7: {  	s0 =	simm.s32 $0x3  }
0x1d8: {  	_ =	swait.ge [sflag:s0], $0x400  }
0x1d9: {  	[sflag:s0] =	ssyncset.done $0x0  }
0x1da: {  	[sflag:s0] =	ssyncadd.s32 $0xFFFFFC00  }
0x1db: {  	_ =	swait.ge [sflag:s0], $0x400  }
0x1dc: {  	[sflag:s0] =	ssyncset.done $0x0  }
0x1dd: {  	[sflag:s0] =	ssyncadd.s32 $0xFFFFFC00  }
0x1de: {  	_ =	swait.ge [sflag:s0], $0x400  }
0x1df: {  	[sflag:s0] =	ssyncset.done $0x0  }
0x1e0: {  	[sflag:s0] =	ssyncadd.s32 $0xFFFFFC00  }
0x1e1: {  	_ =	swait.ge [sflag:s0], $0x400  }
0x1e2: {  	[sflag:s0] =	ssyncset.done $0x0  }
0x1e3: {  	[sflag:s0] =	ssyncadd.s32 $0xFFFFFC00  }
0x1e4: {  	_ =	swait.ge [sflag:s31], $0x400  }
0x1e5: {  	[sflag:s31] =	ssyncset.done $0x0  }
0x1e6: {  	[sflag:s31] =	ssyncadd.s32 $0xFFFFFC00  }
0x1e7: {  	_ =	swait.ge [sflag:s31], $0x400  }
0x1e8: {  	[sflag:s31] =	ssyncset.done $0x0  }
0x1e9: {  	[sflag:s31] =	ssyncadd.s32 $0xFFFFFC00  }
0x1ea: {  	_ =	swait.ge [sflag:s31], $0x400  }
0x1eb: {  	[sflag:s31] =	ssyncset.done $0x0  }
0x1ec: {  	[sflag:s31] =	ssyncadd.s32 $0xFFFFFC00  }
0x1ed: {  	_ =	swait.ge [sflag:s31], $0x400  }
0x1ee: {  	s5 =	rddreg [dreg:$0x5]  }
0x1ef: {  	s29 =	rddreg [dreg:$0x4];
	s5 =	sadd.s32 $0x1, s5  }
0x1f0: {  	p0 =	sne.s32 s5, s29  }
.Ltmp9:
0x1f1: {  	_ = 	snop;
	(pc) =	sbr.rel @p0 .LBB2_1-.Ltmp9, $3  }
0x1f2: {  	_ =	sdelay $0x1  }
0x1f3: {  	[sflag:s31] =	ssyncset.done $0x0  }
0x1f4: {  	[sflag:s31] =	ssyncadd.s32 $0xFFFFFC00  }
0x1f5: {  	_ =	sfence.sel $0x180000  }
0x1f6: {  	[bflag:$0x0] =	sbarrier.arrive $0xFFFF  }
0x1f7: {  	_ =	strace $0x9000004A  }
0x1f8: {  	s0 =	stileid.u32;
	[bflag:$0x2] =	sbarrier.arrive $0xFFFF  }
0x1f9: {  	p0 =	sne.s32 s0, $0x0;
	s0 =	rddreg [dreg:$0x2]  }
0x1fa: {  	s0 =	sadd.s32 @!p0 $0x100000, s0  }
0x1fb: {  	[sflag:s0] =	ssyncadd.tile.s32 @!p0 $0x1;
	_ =	shalt  }
.Lfunc_end2:
_tile_overlayer_lowered:
.L_overlay_start_2:
0x1fc: {  	(tag) =	ssettag $0x2  }
0x1fd: {  	s0 =	rddreg [dreg:$0x0];
	s2 =	stileid.u32  }
0x1fe: {  	s1 =	rddreg [dreg:$0x1];
	p0 =	sne.s32 s2, $0x0  }
0x1ff: {  	s3 =	rddreg [dreg:$0x2];
	[bflag:$0x3] =	sbarrier.arrive $0xFFFF;
	s2 =	simm.s32 @!p0 $0x1C05  }
0x200: {  	[timem:s3], [sflag:s2] =	dma.local @!p0 [hbm:s0], s1  }
0x201: {  	s0 =	simm.s32 @!p0 $0x5  }
0x202: {  	_ =	swait.ge @!p0 [sflag:s0], s1  }
0x203: {  	s1 =	ssub.s32 @!p0 $0x0, s1;
	[sflag:s0] =	ssyncset.done @!p0 $0x0  }
0x204: {  	[sflag:s0] =	ssyncadd.s32 @!p0 s1  }
0x205: {  	[bflag:$0x3] =	sbarrier.arrive $0xFFFF  }
0x206: {  	_ =	shalt  }

</sc_bundles>
